<compile_context>
chip_gen: v7x
topology: tpu7x:2x2x1
jax: 0.10.2.dev20260603
libtpu: 0.0.44.dev20260713+nightly
codegen_flags: <defaults>
</compile_context>

<pallas_src>
import jax
import jax.numpy as jnp
from jax import lax
from jax.experimental import pallas as pl
from jax.experimental.pallas import tpu as pltpu
from jax.experimental.pallas import tpu_sc as plsc

VOCAB = 1_000_000
BATCH = 16384
X_ROWS, X_COLS = 128, 128

_INFO = plsc.get_sparse_core_info()
_NC = _INFO.num_cores
_NS = _INFO.num_subcores
_NW = _NC * _NS
_RPW = X_ROWS // _NW

_PER_TILE = 62_496
_TAIL_OFF = 16 * _PER_TILE
_TAIL = VOCAB - _TAIL_OFF

_NSUB = 3
_SUB = _PER_TILE // _NSUB
_SUB_VREG = _SUB // 16
_SUB_UNROLL = 42
_SUB_TRIPS = _SUB_VREG // _SUB_UNROLL
_NACC = 8

_LN2 = 0.6931471805599453
_PIB = lax.GatherScatterMode.PROMISE_IN_BOUNDS
_GDN = lax.GatherDimensionNumbers(
    offset_dims=(), collapsed_slice_dims=(0,), start_index_map=(0,))


def _rot(v, sh):
    idx = ((lax.iota(jnp.int32, 16) + sh) & 15).reshape(16, 1)
    return lax.gather(v, idx, _GDN, (1,), mode=_PIB)


def _all_sum16(v):
    for sh in (8, 4, 2, 1):
        v = v + _rot(v, sh)
    return v


def _log_poly16(s):
    c0 = s < 1.0
    s = jnp.where(c0, s * (2.0 ** 64), s)
    e = jnp.where(c0, jnp.float32(-64.0), jnp.float32(0.0))
    for k in (64, 32, 16, 8, 4, 2, 1):
        c = s >= (2.0 ** k)
        s = jnp.where(c, s * (2.0 ** (-k)), s)
        e = e + jnp.where(c, jnp.float32(k), jnp.float32(0.0))
    z = (s - 1.0) / (s + 1.0)
    z2 = z * z
    p = 1.0 + z2 * (1.0 / 3.0 + z2 * (0.2 + z2 * (1.0 / 7.0 + z2 / 9.0)))
    return e * _LN2 + 2.0 * z * p


def _body(tab_ref, x_ref, o_ref,
          chunk_v, idx_v, rows_v, sv, stage_v, shs, sem, semA, semB, semT):
    cid = lax.axis_index("c")
    sid = lax.axis_index("s")
    wid = sid * _NC + cid
    r0 = wid * _RPW

    off = sid * _PER_TILE
    sems = (semA, semB)

    def _fire(q):
        return pltpu.async_copy(
            tab_ref.at[pl.ds(off + q * _SUB, _SUB)],
            chunk_v.at[pl.ds(q * _SUB, _SUB)],
            sems[q % 2])

    pending = {0: _fire(0), 1: _fire(1)}

    @pl.when(sid == _NS - 1)
    def _tail_fire():
        pltpu.async_copy(tab_ref.at[pl.ds(_TAIL_OFF, _TAIL)],
                         chunk_v.at[pl.ds(_PER_TILE, _TAIL)], semT)

    pltpu.sync_copy(x_ref.at[pl.ds(r0, _RPW)], idx_v)
    gathers = [
        pltpu.async_copy(tab_ref.at[idx_v.at[j]], rows_v.at[j], sem)
        for j in range(_RPW)
    ]

    acc = tuple(jnp.zeros((16,), jnp.float32) for _ in range(_NACC))
    for q in range(_NSUB):
        pending.pop(q).wait()
        if q + 2 < _NSUB:
            pending[q + 2] = _fire(q + 2)
        qbase = q * _SUB

        def p2q(i, a, qbase=qbase):
            base = qbase + i * (_SUB_UNROLL * 16)
            a = list(a)
            for u in range(_SUB_UNROLL):
                a[u % _NACC] = a[u % _NACC] + jnp.exp(
                    chunk_v[pl.ds(base + u * 16, 16)])
            return tuple(a)

        acc = lax.fori_loop(0, _SUB_TRIPS, p2q, acc)

    sv[...] = ((acc[0] + acc[1]) + (acc[2] + acc[3])) + \
        ((acc[4] + acc[5]) + (acc[6] + acc[7]))

    @pl.when(sid == _NS - 1)
    def _tail_sum():
        pltpu.make_async_copy(tab_ref.at[pl.ds(_TAIL_OFF, _TAIL)],
                              chunk_v.at[pl.ds(_PER_TILE, _TAIL)],
                              semT).wait()
        for u in range(_TAIL // 16):
            sv[...] = sv[...] + jnp.exp(chunk_v[pl.ds(_PER_TILE + u * 16, 16)])

    pltpu.sync_copy(sv, shs.at[sid, pl.ds(0, 16)])
    plsc.subcore_barrier()
    pltpu.sync_copy(shs, stage_v)
    tot = stage_v[0, pl.ds(0, 16)]
    for t in range(1, _NS):
        tot = tot + stage_v[t, pl.ds(0, 16)]
    s_all = _all_sum16(tot)
    lse = _log_poly16(s_all)

    for g in gathers:
        g.wait()
    for j in range(_RPW):
        for k in range(X_COLS // 16):
            sl = pl.ds(k * 16, 16)
            rows_v[j, sl] = rows_v[j, sl] - lse
    pltpu.sync_copy(rows_v, o_ref.at[pl.ds(r0, _RPW)])


def _fused(logits, x2d):
    mesh = plsc.VectorSubcoreMesh(core_axis_name="c", subcore_axis_name="s")
    f = pl.kernel(
        _body,
        mesh=mesh,
        out_type=jax.ShapeDtypeStruct((X_ROWS, X_COLS), jnp.float32),
        scratch_types=[
            pltpu.VMEM((_PER_TILE + _TAIL,), jnp.float32),
            pltpu.VMEM((_RPW, X_COLS), jnp.int32),
            pltpu.VMEM((_RPW, X_COLS), jnp.float32),
            pltpu.VMEM((16,), jnp.float32),
            pltpu.VMEM((_NS, 128), jnp.float32),
            pltpu.VMEM_SHARED((_NS, 128), jnp.float32),
            pltpu.SemaphoreType.DMA,
            pltpu.SemaphoreType.DMA,
            pltpu.SemaphoreType.DMA,
            pltpu.SemaphoreType.DMA,
        ],
    )
    return f(logits, x2d)


def kernel(logits, x):
    return _fused(logits, x.reshape(X_ROWS, X_COLS)).reshape(BATCH)

# --- scband reference (transcript-rebuilt; emitter-appended) ---
"""Pipeline reference for scband-categorical-82343112999668 (READ-ONLY COPY).

The authoritative reference and input builder live on the scoring server;
editing this copy changes nothing except your own understanding.
"""

import jax, jax.numpy as jnp
import numpy as np

NUM_CATEGORIES = 1000000
BATCH = 16384


def setup_inputs(seed: int = 0) -> dict:
    key = jax.random.key(seed)
    k1, _ = jax.random.split(key)
    # forward arg: category indices in [0, num_categories)
    x = jax.random.randint(k1, (BATCH, 1), 0, NUM_CATEGORIES, dtype=jnp.int32)
    # learned parameter: nn.Parameter(torch.ones(num_categories))
    logits = jnp.ones((NUM_CATEGORIES,), dtype=jnp.float32)
    return {"logits": logits, "x": x}


def reference(logits, x):
    # torch.distributions.Categorical(logits).log_prob(x):
    #   log_prob = log_softmax(logits)[x]
    logp = jax.nn.log_softmax(logits)
    lp = jnp.take(logp, x[:, 0], axis=0)[:, None]  # [B, 1]
    # .flatten(1).sum(1)
    return lp.reshape(lp.shape[0], -1).sum(axis=1)  # [B]

if __name__ == "__main__":
    import jax
    _d = setup_inputs()
    print(jax.jit(kernel)(*tuple(_d.values())))

</pallas_src>

<mosaic_0001>
#map = affine_map<(d0, d1) -> (0)>
#map1 = affine_map<(d0, d1) -> (0, 0)>
module attributes {stable_mosaic.version = 14 : i64} {
  func.func @_body(%arg0: i32, %arg1: i32, %arg2: memref<1000000xf32, #tpu.memory_space<hbm>>, %arg3: memref<128x128xi32, #tpu.memory_space<hbm>>, %arg4: memref<128x128xf32, #tpu.memory_space<hbm>>, %arg5: memref<62560xf32, #tpu.memory_space<vmem>>, %arg6: memref<4x128xi32, #tpu.memory_space<vmem>>, %arg7: memref<4x128xf32, #tpu.memory_space<vmem>>, %arg8: memref<16xf32, #tpu.memory_space<vmem>>, %arg9: memref<16x128xf32, #tpu.memory_space<vmem>>, %arg10: memref<16x128xf32, #tpu.memory_space<vmem_shared>>, %arg11: memref<!tpu.dma_semaphore, #tpu.memory_space<semaphore_mem>>, %arg12: memref<!tpu.dma_semaphore, #tpu.memory_space<semaphore_mem>>, %arg13: memref<!tpu.dma_semaphore, #tpu.memory_space<semaphore_mem>>, %arg14: memref<!tpu.dma_semaphore, #tpu.memory_space<semaphore_mem>>) attributes {dimension_semantics = [#tpu.dimension_semantics<core_parallel>, #tpu.dimension_semantics<subcore_parallel>], iteration_bounds = array<i64: 2, 16>, scalar_prefetch = 0 : i64, scratch_operands = 10 : i64, tpu.core_type = #tpu.core_type<sc_vector_subcore>, window_params = [{transform_indices = #map}, {transform_indices = #map1}, {transform_indices = #map1}]} {
    %mul3A = arith.constant 2 : i32
    %mul3A_0 = arith.muli %arg1, %mul3A : i32
    %add3A = arith.addi %mul3A_0, %arg0 : i32
    %mul3A_1 = arith.constant 4 : i32
    %mul3A_2 = arith.muli %add3A, %mul3A_1 : i32
    %mul3A_3 = arith.constant 62496 : i32
    %mul3A_4 = arith.muli %arg1, %mul3A_3 : i32
    %add3A_5 = arith.constant 0 : i32
    %add3A_6 = arith.addi %mul3A_4, %add3A_5 : i32
    %dma_start3A = arith.constant 0 : i32
    %dma_start3A_7 = tpu.memref_slice %arg5[%dma_start3A] : memref<62560xf32, #tpu.memory_space<vmem>> -> memref<20832xf32, #tpu.memory_space<vmem>>
    %dma_start3A_8 = tpu.memref_slice %arg2[%add3A_6] : memref<1000000xf32, #tpu.memory_space<hbm>> -> memref<20832xf32, #tpu.memory_space<hbm>>
    %dma_start3A_9 = arith.constant 0 : i32
    %dma_start3A_10 = tpu.memref_slice %arg5[%dma_start3A_9] : memref<62560xf32, #tpu.memory_space<vmem>> -> memref<20832xf32, #tpu.memory_space<vmem>>
    %dma_start3A_11 = tpu.memref_slice %arg2[%add3A_6] : memref<1000000xf32, #tpu.memory_space<hbm>> -> memref<20832xf32, #tpu.memory_space<hbm>>
    tpu.enqueue_dma source(%dma_start3A_11 : memref<20832xf32, #tpu.memory_space<hbm>>) target(%dma_start3A_10 : memref<20832xf32, #tpu.memory_space<vmem>>) target_semaphore(%arg12 : memref<!tpu.dma_semaphore, #tpu.memory_space<semaphore_mem>>)
    %add3A_12 = arith.constant 20832 : i32
    %add3A_13 = arith.addi %mul3A_4, %add3A_12 : i32
    %dma_start3A_14 = arith.constant 20832 : i32
    %dma_start3A_15 = tpu.memref_slice %arg5[%dma_start3A_14] : memref<62560xf32, #tpu.memory_space<vmem>> -> memref<20832xf32, #tpu.memory_space<vmem>>
    %dma_start3A_16 = tpu.memref_slice %arg2[%add3A_13] : memref<1000000xf32, #tpu.memory_space<hbm>> -> memref<20832xf32, #tpu.memory_space<hbm>>
    %dma_start3A_17 = arith.constant 20832 : i32
    %dma_start3A_18 = tpu.memref_slice %arg5[%dma_start3A_17] : memref<62560xf32, #tpu.memory_space<vmem>> -> memref<20832xf32, #tpu.memory_space<vmem>>
    %dma_start3A_19 = tpu.memref_slice %arg2[%add3A_13] : memref<1000000xf32, #tpu.memory_space<hbm>> -> memref<20832xf32, #tpu.memory_space<hbm>>
    tpu.enqueue_dma source(%dma_start3A_19 : memref<20832xf32, #tpu.memory_space<hbm>>) target(%dma_start3A_18 : memref<20832xf32, #tpu.memory_space<vmem>>) target_semaphore(%arg13 : memref<!tpu.dma_semaphore, #tpu.memory_space<semaphore_mem>>)
    %eq3A = arith.constant 15 : i32
    %eq3A_20 = arith.cmpi eq, %arg1, %eq3A : i32
    %convert_element_type3A = arith.extui %eq3A_20 : i1 to i32
    %cond3A = arith.constant 0 : i32
    %cond3A_21 = arith.cmpi ne, %convert_element_type3A, %cond3A : i32
    scf.if %cond3A_21 {
      %dma_start3A_823 = arith.constant 62496 : i32
      %dma_start3A_824 = tpu.memref_slice %arg5[%dma_start3A_823] : memref<62560xf32, #tpu.memory_space<vmem>> -> memref<64xf32, #tpu.memory_space<vmem>>
      %dma_start3A_825 = arith.constant 999936 : i32
      %dma_start3A_826 = tpu.memref_slice %arg2[%dma_start3A_825] : memref<1000000xf32, #tpu.memory_space<hbm>> -> memref<64xf32, #tpu.memory_space<hbm>>
      %dma_start3A_827 = arith.constant 62496 : i32
      %dma_start3A_828 = tpu.memref_slice %arg5[%dma_start3A_827] : memref<62560xf32, #tpu.memory_space<vmem>> -> memref<64xf32, #tpu.memory_space<vmem>>
      %dma_start3A_829 = arith.constant 999936 : i32
      %dma_start3A_830 = tpu.memref_slice %arg2[%dma_start3A_829] : memref<1000000xf32, #tpu.memory_space<hbm>> -> memref<64xf32, #tpu.memory_space<hbm>>
      tpu.enqueue_dma source(%dma_start3A_830 : memref<64xf32, #tpu.memory_space<hbm>>) target(%dma_start3A_828 : memref<64xf32, #tpu.memory_space<vmem>>) target_semaphore(%arg14 : memref<!tpu.dma_semaphore, #tpu.memory_space<semaphore_mem>>)
    } else {
    }
    "tpu.region"() ({
      %run_scoped3A = tpu.sem_alloc : memref<!tpu.dma_semaphore, #tpu.memory_space<semaphore_mem>>
      %dma_start3A_823 = arith.constant 0 : i32
      %dma_start3A_824 = tpu.memref_slice %arg3[%mul3A_2, %dma_start3A_823] : memref<128x128xi32, #tpu.memory_space<hbm>> -> memref<4x128xi32, #tpu.memory_space<hbm>>
      %dma_start3A_825 = arith.constant 0 : i32
      %dma_start3A_826 = tpu.memref_slice %arg3[%mul3A_2, %dma_start3A_825] : memref<128x128xi32, #tpu.memory_space<hbm>> -> memref<4x128xi32, #tpu.memory_space<hbm>>
      tpu.enqueue_dma source(%dma_start3A_826 : memref<4x128xi32, #tpu.memory_space<hbm>>) target(%arg6 : memref<4x128xi32, #tpu.memory_space<vmem>>) target_semaphore(%run_scoped3A : memref<!tpu.dma_semaphore, #tpu.memory_space<semaphore_mem>>)
      %dma_wait3A_827 = arith.constant 0 : i32
      %dma_wait3A_828 = tpu.memref_slice %arg3[%mul3A_2, %dma_wait3A_827] : memref<128x128xi32, #tpu.memory_space<hbm>> -> memref<4x128xi32, #tpu.memory_space<hbm>>
      %dma_wait3A_829 = arith.constant 0 : i32
      %dma_wait3A_830 = tpu.memref_slice %arg3[%mul3A_2, %dma_wait3A_829] : memref<128x128xi32, #tpu.memory_space<hbm>> -> memref<4x128xi32, #tpu.memory_space<hbm>>
      tpu.wait_dma2 semaphore(%run_scoped3A : memref<!tpu.dma_semaphore, #tpu.memory_space<semaphore_mem>>) src(%dma_wait3A_830 : memref<4x128xi32, #tpu.memory_space<hbm>>) dst(%arg6 : memref<4x128xi32, #tpu.memory_space<vmem>>)
      tpu.yield
    }) : () -> ()
    %dma_start3A_22 = arith.constant 0 : i32
    %dma_start3A_23 = arith.constant 0 : i32
    %dma_start3A_24 = arith.constant 0 : i32
    %dma_start3A_25 = tpu.memref_slice %arg7[%dma_start3A_23, %dma_start3A_24] : memref<4x128xf32, #tpu.memory_space<vmem>> -> memref<1x128xf32, #tpu.memory_space<vmem>>
    %dma_start3A_26 = tpu.memref_squeeze %dma_start3A_25 : memref<1x128xf32, #tpu.memory_space<vmem>> -> memref<128xf32, #tpu.memory_space<vmem>>
    %dma_start3A_27 = arith.constant 0 : i32
    %dma_start3A_28 = tpu.memref_slice %arg6[%dma_start3A_22, %dma_start3A_27] : memref<4x128xi32, #tpu.memory_space<vmem>> -> memref<1x128xi32, #tpu.memory_space<vmem>>
    %dma_start3A_29 = tpu.memref_squeeze %dma_start3A_28 : memref<1x128xi32, #tpu.memory_space<vmem>> -> memref<128xi32, #tpu.memory_space<vmem>>
    %dma_start3A_30 = arith.constant 0 : i32
    %dma_start3A_31 = tpu.memref_slice %arg2[%dma_start3A_30] : memref<1000000xf32, #tpu.memory_space<hbm>> -> memref<1000000xf32, #tpu.memory_space<hbm>>
    tpu.enqueue_indirect_dma source(%dma_start3A_31 : memref<1000000xf32, #tpu.memory_space<hbm>>) target(%dma_start3A_26 : memref<128xf32, #tpu.memory_space<vmem>>) offsets(%dma_start3A_29 : memref<128xi32, #tpu.memory_space<vmem>>) semaphore(%arg11 : memref<!tpu.dma_semaphore, #tpu.memory_space<semaphore_mem>>)
    %dma_start3A_32 = arith.constant 1 : i32
    %dma_start3A_33 = arith.constant 1 : i32
    %dma_start3A_34 = arith.constant 0 : i32
    %dma_start3A_35 = tpu.memref_slice %arg7[%dma_start3A_33, %dma_start3A_34] : memref<4x128xf32, #tpu.memory_space<vmem>> -> memref<1x128xf32, #tpu.memory_space<vmem>>
    %dma_start3A_36 = tpu.memref_squeeze %dma_start3A_35 : memref<1x128xf32, #tpu.memory_space<vmem>> -> memref<128xf32, #tpu.memory_space<vmem>>
    %dma_start3A_37 = arith.constant 0 : i32
    %dma_start3A_38 = tpu.memref_slice %arg6[%dma_start3A_32, %dma_start3A_37] : memref<4x128xi32, #tpu.memory_space<vmem>> -> memref<1x128xi32, #tpu.memory_space<vmem>>
    %dma_start3A_39 = tpu.memref_squeeze %dma_start3A_38 : memref<1x128xi32, #tpu.memory_space<vmem>> -> memref<128xi32, #tpu.memory_space<vmem>>
    %dma_start3A_40 = arith.constant 0 : i32
    %dma_start3A_41 = tpu.memref_slice %arg2[%dma_start3A_40] : memref<1000000xf32, #tpu.memory_space<hbm>> -> memref<1000000xf32, #tpu.memory_space<hbm>>
    tpu.enqueue_indirect_dma source(%dma_start3A_41 : memref<1000000xf32, #tpu.memory_space<hbm>>) target(%dma_start3A_36 : memref<128xf32, #tpu.memory_space<vmem>>) offsets(%dma_start3A_39 : memref<128xi32, #tpu.memory_space<vmem>>) semaphore(%arg11 : memref<!tpu.dma_semaphore, #tpu.memory_space<semaphore_mem>>)
    %dma_start3A_42 = arith.constant 2 : i32
    %dma_start3A_43 = arith.constant 2 : i32
    %dma_start3A_44 = arith.constant 0 : i32
    %dma_start3A_45 = tpu.memref_slice %arg7[%dma_start3A_43, %dma_start3A_44] : memref<4x128xf32, #tpu.memory_space<vmem>> -> memref<1x128xf32, #tpu.memory_space<vmem>>
    %dma_start3A_46 = tpu.memref_squeeze %dma_start3A_45 : memref<1x128xf32, #tpu.memory_space<vmem>> -> memref<128xf32, #tpu.memory_space<vmem>>
    %dma_start3A_47 = arith.constant 0 : i32
    %dma_start3A_48 = tpu.memref_slice %arg6[%dma_start3A_42, %dma_start3A_47] : memref<4x128xi32, #tpu.memory_space<vmem>> -> memref<1x128xi32, #tpu.memory_space<vmem>>
    %dma_start3A_49 = tpu.memref_squeeze %dma_start3A_48 : memref<1x128xi32, #tpu.memory_space<vmem>> -> memref<128xi32, #tpu.memory_space<vmem>>
    %dma_start3A_50 = arith.constant 0 : i32
    %dma_start3A_51 = tpu.memref_slice %arg2[%dma_start3A_50] : memref<1000000xf32, #tpu.memory_space<hbm>> -> memref<1000000xf32, #tpu.memory_space<hbm>>
    tpu.enqueue_indirect_dma source(%dma_start3A_51 : memref<1000000xf32, #tpu.memory_space<hbm>>) target(%dma_start3A_46 : memref<128xf32, #tpu.memory_space<vmem>>) offsets(%dma_start3A_49 : memref<128xi32, #tpu.memory_space<vmem>>) semaphore(%arg11 : memref<!tpu.dma_semaphore, #tpu.memory_space<semaphore_mem>>)
    %dma_start3A_52 = arith.constant 3 : i32
    %dma_start3A_53 = arith.constant 3 : i32
    %dma_start3A_54 = arith.constant 0 : i32
    %dma_start3A_55 = tpu.memref_slice %arg7[%dma_start3A_53, %dma_start3A_54] : memref<4x128xf32, #tpu.memory_space<vmem>> -> memref<1x128xf32, #tpu.memory_space<vmem>>
    %dma_start3A_56 = tpu.memref_squeeze %dma_start3A_55 : memref<1x128xf32, #tpu.memory_space<vmem>> -> memref<128xf32, #tpu.memory_space<vmem>>
    %dma_start3A_57 = arith.constant 0 : i32
    %dma_start3A_58 = tpu.memref_slice %arg6[%dma_start3A_52, %dma_start3A_57] : memref<4x128xi32, #tpu.memory_space<vmem>> -> memref<1x128xi32, #tpu.memory_space<vmem>>
    %dma_start3A_59 = tpu.memref_squeeze %dma_start3A_58 : memref<1x128xi32, #tpu.memory_space<vmem>> -> memref<128xi32, #tpu.memory_space<vmem>>
    %dma_start3A_60 = arith.constant 0 : i32
    %dma_start3A_61 = tpu.memref_slice %arg2[%dma_start3A_60] : memref<1000000xf32, #tpu.memory_space<hbm>> -> memref<1000000xf32, #tpu.memory_space<hbm>>
    tpu.enqueue_indirect_dma source(%dma_start3A_61 : memref<1000000xf32, #tpu.memory_space<hbm>>) target(%dma_start3A_56 : memref<128xf32, #tpu.memory_space<vmem>>) offsets(%dma_start3A_59 : memref<128xi32, #tpu.memory_space<vmem>>) semaphore(%arg11 : memref<!tpu.dma_semaphore, #tpu.memory_space<semaphore_mem>>)
    %broadcast_in_dim3A = arith.constant 0.000000e+00 : f32
    %broadcast_in_dim3A_62 = vector.broadcast %broadcast_in_dim3A : f32 to vector<16xf32>
    %broadcast_in_dim3A_63 = arith.constant 0.000000e+00 : f32
    %broadcast_in_dim3A_64 = vector.broadcast %broadcast_in_dim3A_63 : f32 to vector<16xf32>
    %broadcast_in_dim3A_65 = arith.constant 0.000000e+00 : f32
    %broadcast_in_dim3A_66 = vector.broadcast %broadcast_in_dim3A_65 : f32 to vector<16xf32>
    %broadcast_in_dim3A_67 = arith.constant 0.000000e+00 : f32
    %broadcast_in_dim3A_68 = vector.broadcast %broadcast_in_dim3A_67 : f32 to vector<16xf32>
    %broadcast_in_dim3A_69 = arith.constant 0.000000e+00 : f32
    %broadcast_in_dim3A_70 = vector.broadcast %broadcast_in_dim3A_69 : f32 to vector<16xf32>
    %broadcast_in_dim3A_71 = arith.constant 0.000000e+00 : f32
    %broadcast_in_dim3A_72 = vector.broadcast %broadcast_in_dim3A_71 : f32 to vector<16xf32>
    %broadcast_in_dim3A_73 = arith.constant 0.000000e+00 : f32
    %broadcast_in_dim3A_74 = vector.broadcast %broadcast_in_dim3A_73 : f32 to vector<16xf32>
    %broadcast_in_dim3A_75 = arith.constant 0.000000e+00 : f32
    %broadcast_in_dim3A_76 = vector.broadcast %broadcast_in_dim3A_75 : f32 to vector<16xf32>
    %dma_wait3A = arith.constant 0 : i32
    %dma_wait3A_77 = tpu.memref_slice %arg5[%dma_wait3A] : memref<62560xf32, #tpu.memory_space<vmem>> -> memref<20832xf32, #tpu.memory_space<vmem>>
    %dma_wait3A_78 = tpu.memref_slice %arg2[%add3A_6] : memref<1000000xf32, #tpu.memory_space<hbm>> -> memref<20832xf32, #tpu.memory_space<hbm>>
    %dma_wait3A_79 = arith.constant 0 : i32
    %dma_wait3A_80 = tpu.memref_slice %arg5[%dma_wait3A_79] : memref<62560xf32, #tpu.memory_space<vmem>> -> memref<20832xf32, #tpu.memory_space<vmem>>
    %dma_wait3A_81 = tpu.memref_slice %arg2[%add3A_6] : memref<1000000xf32, #tpu.memory_space<hbm>> -> memref<20832xf32, #tpu.memory_space<hbm>>
    tpu.wait_dma2 semaphore(%arg12 : memref<!tpu.dma_semaphore, #tpu.memory_space<semaphore_mem>>) src(%dma_wait3A_81 : memref<20832xf32, #tpu.memory_space<hbm>>) dst(%dma_wait3A_80 : memref<20832xf32, #tpu.memory_space<vmem>>)
    %add3A_82 = arith.constant 41664 : i32
    %add3A_83 = arith.addi %mul3A_4, %add3A_82 : i32
    %dma_start3A_84 = arith.constant 41664 : i32
    %dma_start3A_85 = tpu.memref_slice %arg5[%dma_start3A_84] : memref<62560xf32, #tpu.memory_space<vmem>> -> memref<20832xf32, #tpu.memory_space<vmem>>
    %dma_start3A_86 = tpu.memref_slice %arg2[%add3A_83] : memref<1000000xf32, #tpu.memory_space<hbm>> -> memref<20832xf32, #tpu.memory_space<hbm>>
    %dma_start3A_87 = arith.constant 41664 : i32
    %dma_start3A_88 = tpu.memref_slice %arg5[%dma_start3A_87] : memref<62560xf32, #tpu.memory_space<vmem>> -> memref<20832xf32, #tpu.memory_space<vmem>>
    %dma_start3A_89 = tpu.memref_slice %arg2[%add3A_83] : memref<1000000xf32, #tpu.memory_space<hbm>> -> memref<20832xf32, #tpu.memory_space<hbm>>
    tpu.enqueue_dma source(%dma_start3A_89 : memref<20832xf32, #tpu.memory_space<hbm>>) target(%dma_start3A_88 : memref<20832xf32, #tpu.memory_space<vmem>>) target_semaphore(%arg12 : memref<!tpu.dma_semaphore, #tpu.memory_space<semaphore_mem>>)
    %scan3A = arith.constant 0 : i32
    %scan3A_90 = arith.constant 31 : i32
    %scan3A_91 = arith.addi %scan3A, %scan3A_90 : i32
    %scan3A_92 = arith.constant 1 : i32
    %scan3A_93:8 = scf.for %scan3A_823 = %scan3A to %scan3A_91 step %scan3A_92 iter_args(%scan3A_824 = %broadcast_in_dim3A_62, %scan3A_825 = %broadcast_in_dim3A_64, %scan3A_826 = %broadcast_in_dim3A_66, %scan3A_827 = %broadcast_in_dim3A_68, %scan3A_828 = %broadcast_in_dim3A_70, %scan3A_829 = %broadcast_in_dim3A_72, %scan3A_830 = %broadcast_in_dim3A_74, %scan3A_831 = %broadcast_in_dim3A_76) -> (vector<16xf32>, vector<16xf32>, vector<16xf32>, vector<16xf32>, vector<16xf32>, vector<16xf32>, vector<16xf32>, vector<16xf32>)  : i32 {
      %mul3A_832 = arith.constant 672 : i32
      %mul3A_833 = arith.muli %scan3A_823, %mul3A_832 : i32
      %add3A_834 = arith.constant 0 : i32
      %add3A_835 = arith.addi %add3A_834, %mul3A_833 : i32
      %add3A_836 = arith.constant 0 : i32
      %add3A_837 = arith.addi %add3A_835, %add3A_836 : i32
      %get3A_838 = arith.index_cast %add3A_837 : i32 to index
      %get3A_839 = tpu.vector_load %arg5[%get3A_838] {strides = array<i32>} : memref<62560xf32, #tpu.memory_space<vmem>>, vector<16xf32>,
      %get3A_840 = vector.shape_cast %get3A_839 : vector<16xf32> to vector<16xf32>
      %exp3A = math.exp %get3A_840 : vector<16xf32>
      %add3A_841 = arith.addf %scan3A_824, %exp3A : vector<16xf32>
      %add3A_842 = arith.constant 16 : i32
      %add3A_843 = arith.addi %add3A_835, %add3A_842 : i32
      %get3A_844 = arith.index_cast %add3A_843 : i32 to index
      %get3A_845 = tpu.vector_load %arg5[%get3A_844] {strides = array<i32>} : memref<62560xf32, #tpu.memory_space<vmem>>, vector<16xf32>,
      %get3A_846 = vector.shape_cast %get3A_845 : vector<16xf32> to vector<16xf32>
      %exp3A_847 = math.exp %get3A_846 : vector<16xf32>
      %add3A_848 = arith.addf %scan3A_825, %exp3A_847 : vector<16xf32>
      %add3A_849 = arith.constant 32 : i32
      %add3A_850 = arith.addi %add3A_835, %add3A_849 : i32
      %get3A_851 = arith.index_cast %add3A_850 : i32 to index
      %get3A_852 = tpu.vector_load %arg5[%get3A_851] {strides = array<i32>} : memref<62560xf32, #tpu.memory_space<vmem>>, vector<16xf32>,
      %get3A_853 = vector.shape_cast %get3A_852 : vector<16xf32> to vector<16xf32>
      %exp3A_854 = math.exp %get3A_853 : vector<16xf32>
      %add3A_855 = arith.addf %scan3A_826, %exp3A_854 : vector<16xf32>
      %add3A_856 = arith.constant 48 : i32
      %add3A_857 = arith.addi %add3A_835, %add3A_856 : i32
      %get3A_858 = arith.index_cast %add3A_857 : i32 to index
      %get3A_859 = tpu.vector_load %arg5[%get3A_858] {strides = array<i32>} : memref<62560xf32, #tpu.memory_space<vmem>>, vector<16xf32>,
      %get3A_860 = vector.shape_cast %get3A_859 : vector<16xf32> to vector<16xf32>
      %exp3A_861 = math.exp %get3A_860 : vector<16xf32>
      %add3A_862 = arith.addf %scan3A_827, %exp3A_861 : vector<16xf32>
      %add3A_863 = arith.constant 64 : i32
      %add3A_864 = arith.addi %add3A_835, %add3A_863 : i32
      %get3A_865 = arith.index_cast %add3A_864 : i32 to index
      %get3A_866 = tpu.vector_load %arg5[%get3A_865] {strides = array<i32>} : memref<62560xf32, #tpu.memory_space<vmem>>, vector<16xf32>,
      %get3A_867 = vector.shape_cast %get3A_866 : vector<16xf32> to vector<16xf32>
      %exp3A_868 = math.exp %get3A_867 : vector<16xf32>
      %add3A_869 = arith.addf %scan3A_828, %exp3A_868 : vector<16xf32>
      %add3A_870 = arith.constant 80 : i32
      %add3A_871 = arith.addi %add3A_835, %add3A_870 : i32
      %get3A_872 = arith.index_cast %add3A_871 : i32 to index
      %get3A_873 = tpu.vector_load %arg5[%get3A_872] {strides = array<i32>} : memref<62560xf32, #tpu.memory_space<vmem>>, vector<16xf32>,
      %get3A_874 = vector.shape_cast %get3A_873 : vector<16xf32> to vector<16xf32>
      %exp3A_875 = math.exp %get3A_874 : vector<16xf32>
      %add3A_876 = arith.addf %scan3A_829, %exp3A_875 : vector<16xf32>
      %add3A_877 = arith.constant 96 : i32
      %add3A_878 = arith.addi %add3A_835, %add3A_877 : i32
      %get3A_879 = arith.index_cast %add3A_878 : i32 to index
      %get3A_880 = tpu.vector_load %arg5[%get3A_879] {strides = array<i32>} : memref<62560xf32, #tpu.memory_space<vmem>>, vector<16xf32>,
      %get3A_881 = vector.shape_cast %get3A_880 : vector<16xf32> to vector<16xf32>
      %exp3A_882 = math.exp %get3A_881 : vector<16xf32>
      %add3A_883 = arith.addf %scan3A_830, %exp3A_882 : vector<16xf32>
      %add3A_884 = arith.constant 112 : i32
      %add3A_885 = arith.addi %add3A_835, %add3A_884 : i32
      %get3A_886 = arith.index_cast %add3A_885 : i32 to index
      %get3A_887 = tpu.vector_load %arg5[%get3A_886] {strides = array<i32>} : memref<62560xf32, #tpu.memory_space<vmem>>, vector<16xf32>,
      %get3A_888 = vector.shape_cast %get3A_887 : vector<16xf32> to vector<16xf32>
      %exp3A_889 = math.exp %get3A_888 : vector<16xf32>
      %add3A_890 = arith.addf %scan3A_831, %exp3A_889 : vector<16xf32>
      %add3A_891 = arith.constant 128 : i32
      %add3A_892 = arith.addi %add3A_835, %add3A_891 : i32
      %get3A_893 = arith.index_cast %add3A_892 : i32 to index
      %get3A_894 = tpu.vector_load %arg5[%get3A_893] {strides = array<i32>} : memref<62560xf32, #tpu.memory_space<vmem>>, vector<16xf32>,
      %get3A_895 = vector.shape_cast %get3A_894 : vector<16xf32> to vector<16xf32>
      %exp3A_896 = math.exp %get3A_895 : vector<16xf32>
      %add3A_897 = arith.addf %add3A_841, %exp3A_896 : vector<16xf32>
      %add3A_898 = arith.constant 144 : i32
      %add3A_899 = arith.addi %add3A_835, %add3A_898 : i32
      %get3A_900 = arith.index_cast %add3A_899 : i32 to index
      %get3A_901 = tpu.vector_load %arg5[%get3A_900] {strides = array<i32>} : memref<62560xf32, #tpu.memory_space<vmem>>, vector<16xf32>,
      %get3A_902 = vector.shape_cast %get3A_901 : vector<16xf32> to vector<16xf32>
      %exp3A_903 = math.exp %get3A_902 : vector<16xf32>
      %add3A_904 = arith.addf %add3A_848, %exp3A_903 : vector<16xf32>
      %add3A_905 = arith.constant 160 : i32
      %add3A_906 = arith.addi %add3A_835, %add3A_905 : i32
      %get3A_907 = arith.index_cast %add3A_906 : i32 to index
      %get3A_908 = tpu.vector_load %arg5[%get3A_907] {strides = array<i32>} : memref<62560xf32, #tpu.memory_space<vmem>>, vector<16xf32>,
      %get3A_909 = vector.shape_cast %get3A_908 : vector<16xf32> to vector<16xf32>
      %exp3A_910 = math.exp %get3A_909 : vector<16xf32>
      %add3A_911 = arith.addf %add3A_855, %exp3A_910 : vector<16xf32>
      %add3A_912 = arith.constant 176 : i32
      %add3A_913 = arith.addi %add3A_835, %add3A_912 : i32
      %get3A_914 = arith.index_cast %add3A_913 : i32 to index
      %get3A_915 = tpu.vector_load %arg5[%get3A_914] {strides = array<i32>} : memref<62560xf32, #tpu.memory_space<vmem>>, vector<16xf32>,
      %get3A_916 = vector.shape_cast %get3A_915 : vector<16xf32> to vector<16xf32>
      %exp3A_917 = math.exp %get3A_916 : vector<16xf32>
      %add3A_918 = arith.addf %add3A_862, %exp3A_917 : vector<16xf32>
      %add3A_919 = arith.constant 192 : i32
      %add3A_920 = arith.addi %add3A_835, %add3A_919 : i32
      %get3A_921 = arith.index_cast %add3A_920 : i32 to index
      %get3A_922 = tpu.vector_load %arg5[%get3A_921] {strides = array<i32>} : memref<62560xf32, #tpu.memory_space<vmem>>, vector<16xf32>,
      %get3A_923 = vector.shape_cast %get3A_922 : vector<16xf32> to vector<16xf32>
      %exp3A_924 = math.exp %get3A_923 : vector<16xf32>
      %add3A_925 = arith.addf %add3A_869, %exp3A_924 : vector<16xf32>
      %add3A_926 = arith.constant 208 : i32
      %add3A_927 = arith.addi %add3A_835, %add3A_926 : i32
      %get3A_928 = arith.index_cast %add3A_927 : i32 to index
      %get3A_929 = tpu.vector_load %arg5[%get3A_928] {strides = array<i32>} : memref<62560xf32, #tpu.memory_space<vmem>>, vector<16xf32>,
      %get3A_930 = vector.shape_cast %get3A_929 : vector<16xf32> to vector<16xf32>
      %exp3A_931 = math.exp %get3A_930 : vector<16xf32>
      %add3A_932 = arith.addf %add3A_876, %exp3A_931 : vector<16xf32>
      %add3A_933 = arith.constant 224 : i32
      %add3A_934 = arith.addi %add3A_835, %add3A_933 : i32
      %get3A_935 = arith.index_cast %add3A_934 : i32 to index
      %get3A_936 = tpu.vector_load %arg5[%get3A_935] {strides = array<i32>} : memref<62560xf32, #tpu.memory_space<vmem>>, vector<16xf32>,
      %get3A_937 = vector.shape_cast %get3A_936 : vector<16xf32> to vector<16xf32>
      %exp3A_938 = math.exp %get3A_937 : vector<16xf32>
      %add3A_939 = arith.addf %add3A_883, %exp3A_938 : vector<16xf32>
      %add3A_940 = arith.constant 240 : i32
      %add3A_941 = arith.addi %add3A_835, %add3A_940 : i32
      %get3A_942 = arith.index_cast %add3A_941 : i32 to index
      %get3A_943 = tpu.vector_load %arg5[%get3A_942] {strides = array<i32>} : memref<62560xf32, #tpu.memory_space<vmem>>, vector<16xf32>,
      %get3A_944 = vector.shape_cast %get3A_943 : vector<16xf32> to vector<16xf32>
      %exp3A_945 = math.exp %get3A_944 : vector<16xf32>
      %add3A_946 = arith.addf %add3A_890, %exp3A_945 : vector<16xf32>
      %add3A_947 = arith.constant 256 : i32
      %add3A_948 = arith.addi %add3A_835, %add3A_947 : i32
      %get3A_949 = arith.index_cast %add3A_948 : i32 to index
      %get3A_950 = tpu.vector_load %arg5[%get3A_949] {strides = array<i32>} : memref<62560xf32, #tpu.memory_space<vmem>>, vector<16xf32>,
      %get3A_951 = vector.shape_cast %get3A_950 : vector<16xf32> to vector<16xf32>
      %exp3A_952 = math.exp %get3A_951 : vector<16xf32>
      %add3A_953 = arith.addf %add3A_897, %exp3A_952 : vector<16xf32>
      %add3A_954 = arith.constant 272 : i32
      %add3A_955 = arith.addi %add3A_835, %add3A_954 : i32
      %get3A_956 = arith.index_cast %add3A_955 : i32 to index
      %get3A_957 = tpu.vector_load %arg5[%get3A_956] {strides = array<i32>} : memref<62560xf32, #tpu.memory_space<vmem>>, vector<16xf32>,
      %get3A_958 = vector.shape_cast %get3A_957 : vector<16xf32> to vector<16xf32>
      %exp3A_959 = math.exp %get3A_958 : vector<16xf32>
      %add3A_960 = arith.addf %add3A_904, %exp3A_959 : vector<16xf32>
      %add3A_961 = arith.constant 288 : i32
      %add3A_962 = arith.addi %add3A_835, %add3A_961 : i32
      %get3A_963 = arith.index_cast %add3A_962 : i32 to index
      %get3A_964 = tpu.vector_load %arg5[%get3A_963] {strides = array<i32>} : memref<62560xf32, #tpu.memory_space<vmem>>, vector<16xf32>,
      %get3A_965 = vector.shape_cast %get3A_964 : vector<16xf32> to vector<16xf32>
      %exp3A_966 = math.exp %get3A_965 : vector<16xf32>
      %add3A_967 = arith.addf %add3A_911, %exp3A_966 : vector<16xf32>
      %add3A_968 = arith.constant 304 : i32
      %add3A_969 = arith.addi %add3A_835, %add3A_968 : i32
      %get3A_970 = arith.index_cast %add3A_969 : i32 to index
      %get3A_971 = tpu.vector_load %arg5[%get3A_970] {strides = array<i32>} : memref<62560xf32, #tpu.memory_space<vmem>>, vector<16xf32>,
      %get3A_972 = vector.shape_cast %get3A_971 : vector<16xf32> to vector<16xf32>
      %exp3A_973 = math.exp %get3A_972 : vector<16xf32>
      %add3A_974 = arith.addf %add3A_918, %exp3A_973 : vector<16xf32>
      %add3A_975 = arith.constant 320 : i32
      %add3A_976 = arith.addi %add3A_835, %add3A_975 : i32
      %get3A_977 = arith.index_cast %add3A_976 : i32 to index
      %get3A_978 = tpu.vector_load %arg5[%get3A_977] {strides = array<i32>} : memref<62560xf32, #tpu.memory_space<vmem>>, vector<16xf32>,
      %get3A_979 = vector.shape_cast %get3A_978 : vector<16xf32> to vector<16xf32>
      %exp3A_980 = math.exp %get3A_979 : vector<16xf32>
      %add3A_981 = arith.addf %add3A_925, %exp3A_980 : vector<16xf32>
      %add3A_982 = arith.constant 336 : i32
      %add3A_983 = arith.addi %add3A_835, %add3A_982 : i32
      %get3A_984 = arith.index_cast %add3A_983 : i32 to index
      %get3A_985 = tpu.vector_load %arg5[%get3A_984] {strides = array<i32>} : memref<62560xf32, #tpu.memory_space<vmem>>, vector<16xf32>,
      %get3A_986 = vector.shape_cast %get3A_985 : vector<16xf32> to vector<16xf32>
      %exp3A_987 = math.exp %get3A_986 : vector<16xf32>
      %add3A_988 = arith.addf %add3A_932, %exp3A_987 : vector<16xf32>
      %add3A_989 = arith.constant 352 : i32
      %add3A_990 = arith.addi %add3A_835, %add3A_989 : i32
      %get3A_991 = arith.index_cast %add3A_990 : i32 to index
      %get3A_992 = tpu.vector_load %arg5[%get3A_991] {strides = array<i32>} : memref<62560xf32, #tpu.memory_space<vmem>>, vector<16xf32>,
      %get3A_993 = vector.shape_cast %get3A_992 : vector<16xf32> to vector<16xf32>
      %exp3A_994 = math.exp %get3A_993 : vector<16xf32>
      %add3A_995 = arith.addf %add3A_939, %exp3A_994 : vector<16xf32>
      %add3A_996 = arith.constant 368 : i32
      %add3A_997 = arith.addi %add3A_835, %add3A_996 : i32
      %get3A_998 = arith.index_cast %add3A_997 : i32 to index
      %get3A_999 = tpu.vector_load %arg5[%get3A_998] {strides = array<i32>} : memref<62560xf32, #tpu.memory_space<vmem>>, vector<16xf32>,
      %get3A_1000 = vector.shape_cast %get3A_999 : vector<16xf32> to vector<16xf32>
      %exp3A_1001 = math.exp %get3A_1000 : vector<16xf32>
      %add3A_1002 = arith.addf %add3A_946, %exp3A_1001 : vector<16xf32>
      %add3A_1003 = arith.constant 384 : i32
      %add3A_1004 = arith.addi %add3A_835, %add3A_1003 : i32
      %get3A_1005 = arith.index_cast %add3A_1004 : i32 to index
      %get3A_1006 = tpu.vector_load %arg5[%get3A_1005] {strides = array<i32>} : memref<62560xf32, #tpu.memory_space<vmem>>, vector<16xf32>,
      %get3A_1007 = vector.shape_cast %get3A_1006 : vector<16xf32> to vector<16xf32>
      %exp3A_1008 = math.exp %get3A_1007 : vector<16xf32>
      %add3A_1009 = arith.addf %add3A_953, %exp3A_1008 : vector<16xf32>
      %add3A_1010 = arith.constant 400 : i32
      %add3A_1011 = arith.addi %add3A_835, %add3A_1010 : i32
      %get3A_1012 = arith.index_cast %add3A_1011 : i32 to index
      %get3A_1013 = tpu.vector_load %arg5[%get3A_1012] {strides = array<i32>} : memref<62560xf32, #tpu.memory_space<vmem>>, vector<16xf32>,
      %get3A_1014 = vector.shape_cast %get3A_1013 : vector<16xf32> to vector<16xf32>
      %exp3A_1015 = math.exp %get3A_1014 : vector<16xf32>
      %add3A_1016 = arith.addf %add3A_960, %exp3A_1015 : vector<16xf32>
      %add3A_1017 = arith.constant 416 : i32
      %add3A_1018 = arith.addi %add3A_835, %add3A_1017 : i32
      %get3A_1019 = arith.index_cast %add3A_1018 : i32 to index
      %get3A_1020 = tpu.vector_load %arg5[%get3A_1019] {strides = array<i32>} : memref<62560xf32, #tpu.memory_space<vmem>>, vector<16xf32>,
      %get3A_1021 = vector.shape_cast %get3A_1020 : vector<16xf32> to vector<16xf32>
      %exp3A_1022 = math.exp %get3A_1021 : vector<16xf32>
      %add3A_1023 = arith.addf %add3A_967, %exp3A_1022 : vector<16xf32>
      %add3A_1024 = arith.constant 432 : i32
      %add3A_1025 = arith.addi %add3A_835, %add3A_1024 : i32
      %get3A_1026 = arith.index_cast %add3A_1025 : i32 to index
      %get3A_1027 = tpu.vector_load %arg5[%get3A_1026] {strides = array<i32>} : memref<62560xf32, #tpu.memory_space<vmem>>, vector<16xf32>,
      %get3A_1028 = vector.shape_cast %get3A_1027 : vector<16xf32> to vector<16xf32>
      %exp3A_1029 = math.exp %get3A_1028 : vector<16xf32>
      %add3A_1030 = arith.addf %add3A_974, %exp3A_1029 : vector<16xf32>
      %add3A_1031 = arith.constant 448 : i32
      %add3A_1032 = arith.addi %add3A_835, %add3A_1031 : i32
      %get3A_1033 = arith.index_cast %add3A_1032 : i32 to index
      %get3A_1034 = tpu.vector_load %arg5[%get3A_1033] {strides = array<i32>} : memref<62560xf32, #tpu.memory_space<vmem>>, vector<16xf32>,
      %get3A_1035 = vector.shape_cast %get3A_1034 : vector<16xf32> to vector<16xf32>
      %exp3A_1036 = math.exp %get3A_1035 : vector<16xf32>
      %add3A_1037 = arith.addf %add3A_981, %exp3A_1036 : vector<16xf32>
      %add3A_1038 = arith.constant 464 : i32
      %add3A_1039 = arith.addi %add3A_835, %add3A_1038 : i32
      %get3A_1040 = arith.index_cast %add3A_1039 : i32 to index
      %get3A_1041 = tpu.vector_load %arg5[%get3A_1040] {strides = array<i32>} : memref<62560xf32, #tpu.memory_space<vmem>>, vector<16xf32>,
      %get3A_1042 = vector.shape_cast %get3A_1041 : vector<16xf32> to vector<16xf32>
      %exp3A_1043 = math.exp %get3A_1042 : vector<16xf32>
      %add3A_1044 = arith.addf %add3A_988, %exp3A_1043 : vector<16xf32>
      %add3A_1045 = arith.constant 480 : i32
      %add3A_1046 = arith.addi %add3A_835, %add3A_1045 : i32
      %get3A_1047 = arith.index_cast %add3A_1046 : i32 to index
      %get3A_1048 = tpu.vector_load %arg5[%get3A_1047] {strides = array<i32>} : memref<62560xf32, #tpu.memory_space<vmem>>, vector<16xf32>,
      %get3A_1049 = vector.shape_cast %get3A_1048 : vector<16xf32> to vector<16xf32>
      %exp3A_1050 = math.exp %get3A_1049 : vector<16xf32>
      %add3A_1051 = arith.addf %add3A_995, %exp3A_1050 : vector<16xf32>
      %add3A_1052 = arith.constant 496 : i32
      %add3A_1053 = arith.addi %add3A_835, %add3A_1052 : i32
      %get3A_1054 = arith.index_cast %add3A_1053 : i32 to index
      %get3A_1055 = tpu.vector_load %arg5[%get3A_1054] {strides = array<i32>} : memref<62560xf32, #tpu.memory_space<vmem>>, vector<16xf32>,
      %get3A_1056 = vector.shape_cast %get3A_1055 : vector<16xf32> to vector<16xf32>
      %exp3A_1057 = math.exp %get3A_1056 : vector<16xf32>
      %add3A_1058 = arith.addf %add3A_1002, %exp3A_1057 : vector<16xf32>
      %add3A_1059 = arith.constant 512 : i32
      %add3A_1060 = arith.addi %add3A_835, %add3A_1059 : i32
      %get3A_1061 = arith.index_cast %add3A_1060 : i32 to index
      %get3A_1062 = tpu.vector_load %arg5[%get3A_1061] {strides = array<i32>} : memref<62560xf32, #tpu.memory_space<vmem>>, vector<16xf32>,
      %get3A_1063 = vector.shape_cast %get3A_1062 : vector<16xf32> to vector<16xf32>
      %exp3A_1064 = math.exp %get3A_1063 : vector<16xf32>
      %add3A_1065 = arith.addf %add3A_1009, %exp3A_1064 : vector<16xf32>
      %add3A_1066 = arith.constant 528 : i32
      %add3A_1067 = arith.addi %add3A_835, %add3A_1066 : i32
      %get3A_1068 = arith.index_cast %add3A_1067 : i32 to index
      %get3A_1069 = tpu.vector_load %arg5[%get3A_1068] {strides = array<i32>} : memref<62560xf32, #tpu.memory_space<vmem>>, vector<16xf32>,
      %get3A_1070 = vector.shape_cast %get3A_1069 : vector<16xf32> to vector<16xf32>
      %exp3A_1071 = math.exp %get3A_1070 : vector<16xf32>
      %add3A_1072 = arith.addf %add3A_1016, %exp3A_1071 : vector<16xf32>
      %add3A_1073 = arith.constant 544 : i32
      %add3A_1074 = arith.addi %add3A_835, %add3A_1073 : i32
      %get3A_1075 = arith.index_cast %add3A_1074 : i32 to index
      %get3A_1076 = tpu.vector_load %arg5[%get3A_1075] {strides = array<i32>} : memref<62560xf32, #tpu.memory_space<vmem>>, vector<16xf32>,
      %get3A_1077 = vector.shape_cast %get3A_1076 : vector<16xf32> to vector<16xf32>
      %exp3A_1078 = math.exp %get3A_1077 : vector<16xf32>
      %add3A_1079 = arith.addf %add3A_1023, %exp3A_1078 : vector<16xf32>
      %add3A_1080 = arith.constant 560 : i32
      %add3A_1081 = arith.addi %add3A_835, %add3A_1080 : i32
      %get3A_1082 = arith.index_cast %add3A_1081 : i32 to index
      %get3A_1083 = tpu.vector_load %arg5[%get3A_1082] {strides = array<i32>} : memref<62560xf32, #tpu.memory_space<vmem>>, vector<16xf32>,
      %get3A_1084 = vector.shape_cast %get3A_1083 : vector<16xf32> to vector<16xf32>
      %exp3A_1085 = math.exp %get3A_1084 : vector<16xf32>
      %add3A_1086 = arith.addf %add3A_1030, %exp3A_1085 : vector<16xf32>
      %add3A_1087 = arith.constant 576 : i32
      %add3A_1088 = arith.addi %add3A_835, %add3A_1087 : i32
      %get3A_1089 = arith.index_cast %add3A_1088 : i32 to index
      %get3A_1090 = tpu.vector_load %arg5[%get3A_1089] {strides = array<i32>} : memref<62560xf32, #tpu.memory_space<vmem>>, vector<16xf32>,
      %get3A_1091 = vector.shape_cast %get3A_1090 : vector<16xf32> to vector<16xf32>
      %exp3A_1092 = math.exp %get3A_1091 : vector<16xf32>
      %add3A_1093 = arith.addf %add3A_1037, %exp3A_1092 : vector<16xf32>
      %add3A_1094 = arith.constant 592 : i32
      %add3A_1095 = arith.addi %add3A_835, %add3A_1094 : i32
      %get3A_1096 = arith.index_cast %add3A_1095 : i32 to index
      %get3A_1097 = tpu.vector_load %arg5[%get3A_1096] {strides = array<i32>} : memref<62560xf32, #tpu.memory_space<vmem>>, vector<16xf32>,
      %get3A_1098 = vector.shape_cast %get3A_1097 : vector<16xf32> to vector<16xf32>
      %exp3A_1099 = math.exp %get3A_1098 : vector<16xf32>
      %add3A_1100 = arith.addf %add3A_1044, %exp3A_1099 : vector<16xf32>
      %add3A_1101 = arith.constant 608 : i32
      %add3A_1102 = arith.addi %add3A_835, %add3A_1101 : i32
      %get3A_1103 = arith.index_cast %add3A_1102 : i32 to index
      %get3A_1104 = tpu.vector_load %arg5[%get3A_1103] {strides = array<i32>} : memref<62560xf32, #tpu.memory_space<vmem>>, vector<16xf32>,
      %get3A_1105 = vector.shape_cast %get3A_1104 : vector<16xf32> to vector<16xf32>
      %exp3A_1106 = math.exp %get3A_1105 : vector<16xf32>
      %add3A_1107 = arith.addf %add3A_1051, %exp3A_1106 : vector<16xf32>
      %add3A_1108 = arith.constant 624 : i32
      %add3A_1109 = arith.addi %add3A_835, %add3A_1108 : i32
      %get3A_1110 = arith.index_cast %add3A_1109 : i32 to index
      %get3A_1111 = tpu.vector_load %arg5[%get3A_1110] {strides = array<i32>} : memref<62560xf32, #tpu.memory_space<vmem>>, vector<16xf32>,
      %get3A_1112 = vector.shape_cast %get3A_1111 : vector<16xf32> to vector<16xf32>
      %exp3A_1113 = math.exp %get3A_1112 : vector<16xf32>
      %add3A_1114 = arith.addf %add3A_1058, %exp3A_1113 : vector<16xf32>
      %add3A_1115 = arith.constant 640 : i32
      %add3A_1116 = arith.addi %add3A_835, %add3A_1115 : i32
      %get3A_1117 = arith.index_cast %add3A_1116 : i32 to index
      %get3A_1118 = tpu.vector_load %arg5[%get3A_1117] {strides = array<i32>} : memref<62560xf32, #tpu.memory_space<vmem>>, vector<16xf32>,
      %get3A_1119 = vector.shape_cast %get3A_1118 : vector<16xf32> to vector<16xf32>
      %exp3A_1120 = math.exp %get3A_1119 : vector<16xf32>
      %add3A_1121 = arith.addf %add3A_1065, %exp3A_1120 : vector<16xf32>
      %add3A_1122 = arith.constant 656 : i32
      %add3A_1123 = arith.addi %add3A_835, %add3A_1122 : i32
      %get3A_1124 = arith.index_cast %add3A_1123 : i32 to index
      %get3A_1125 = tpu.vector_load %arg5[%get3A_1124] {strides = array<i32>} : memref<62560xf32, #tpu.memory_space<vmem>>, vector<16xf32>,
      %get3A_1126 = vector.shape_cast %get3A_1125 : vector<16xf32> to vector<16xf32>
      %exp3A_1127 = math.exp %get3A_1126 : vector<16xf32>
      %add3A_1128 = arith.addf %add3A_1072, %exp3A_1127 : vector<16xf32>
      scf.yield %add3A_1121, %add3A_1128, %add3A_1079, %add3A_1086, %add3A_1093, %add3A_1100, %add3A_1107, %add3A_1114 : vector<16xf32>, vector<16xf32>, vector<16xf32>, vector<16xf32>, vector<16xf32>, vector<16xf32>, vector<16xf32>, vector<16xf32>
    }
    %scan3A_94 = arith.constant 31 : i32
    %dma_wait3A_95 = arith.constant 20832 : i32
    %dma_wait3A_96 = tpu.memref_slice %arg5[%dma_wait3A_95] : memref<62560xf32, #tpu.memory_space<vmem>> -> memref<20832xf32, #tpu.memory_space<vmem>>
    %dma_wait3A_97 = tpu.memref_slice %arg2[%add3A_13] : memref<1000000xf32, #tpu.memory_space<hbm>> -> memref<20832xf32, #tpu.memory_space<hbm>>
    %dma_wait3A_98 = arith.constant 20832 : i32
    %dma_wait3A_99 = tpu.memref_slice %arg5[%dma_wait3A_98] : memref<62560xf32, #tpu.memory_space<vmem>> -> memref<20832xf32, #tpu.memory_space<vmem>>
    %dma_wait3A_100 = tpu.memref_slice %arg2[%add3A_13] : memref<1000000xf32, #tpu.memory_space<hbm>> -> memref<20832xf32, #tpu.memory_space<hbm>>
    tpu.wait_dma2 semaphore(%arg13 : memref<!tpu.dma_semaphore, #tpu.memory_space<semaphore_mem>>) src(%dma_wait3A_100 : memref<20832xf32, #tpu.memory_space<hbm>>) dst(%dma_wait3A_99 : memref<20832xf32, #tpu.memory_space<vmem>>)
    %scan3A_101 = arith.constant 0 : i32
    %scan3A_102 = arith.constant 31 : i32
    %scan3A_103 = arith.addi %scan3A_101, %scan3A_102 : i32
    %scan3A_104 = arith.constant 1 : i32
    %scan3A_105:8 = scf.for %scan3A_823 = %scan3A_101 to %scan3A_103 step %scan3A_104 iter_args(%scan3A_824 = %scan3A_93#0, %scan3A_825 = %scan3A_93#1, %scan3A_826 = %scan3A_93#2, %scan3A_827 = %scan3A_93#3, %scan3A_828 = %scan3A_93#4, %scan3A_829 = %scan3A_93#5, %scan3A_830 = %scan3A_93#6, %scan3A_831 = %scan3A_93#7) -> (vector<16xf32>, vector<16xf32>, vector<16xf32>, vector<16xf32>, vector<16xf32>, vector<16xf32>, vector<16xf32>, vector<16xf32>)  : i32 {
      %mul3A_832 = arith.constant 672 : i32
      %mul3A_833 = arith.muli %scan3A_823, %mul3A_832 : i32
      %add3A_834 = arith.constant 20832 : i32
      %add3A_835 = arith.addi %add3A_834, %mul3A_833 : i32
      %add3A_836 = arith.constant 0 : i32
      %add3A_837 = arith.addi %add3A_835, %add3A_836 : i32
      %get3A_838 = arith.index_cast %add3A_837 : i32 to index
      %get3A_839 = tpu.vector_load %arg5[%get3A_838] {strides = array<i32>} : memref<62560xf32, #tpu.memory_space<vmem>>, vector<16xf32>,
      %get3A_840 = vector.shape_cast %get3A_839 : vector<16xf32> to vector<16xf32>
      %exp3A = math.exp %get3A_840 : vector<16xf32>
      %add3A_841 = arith.addf %scan3A_824, %exp3A : vector<16xf32>
      %add3A_842 = arith.constant 16 : i32
      %add3A_843 = arith.addi %add3A_835, %add3A_842 : i32
      %get3A_844 = arith.index_cast %add3A_843 : i32 to index
      %get3A_845 = tpu.vector_load %arg5[%get3A_844] {strides = array<i32>} : memref<62560xf32, #tpu.memory_space<vmem>>, vector<16xf32>,
      %get3A_846 = vector.shape_cast %get3A_845 : vector<16xf32> to vector<16xf32>
      %exp3A_847 = math.exp %get3A_846 : vector<16xf32>
      %add3A_848 = arith.addf %scan3A_825, %exp3A_847 : vector<16xf32>
      %add3A_849 = arith.constant 32 : i32
      %add3A_850 = arith.addi %add3A_835, %add3A_849 : i32
      %get3A_851 = arith.index_cast %add3A_850 : i32 to index
      %get3A_852 = tpu.vector_load %arg5[%get3A_851] {strides = array<i32>} : memref<62560xf32, #tpu.memory_space<vmem>>, vector<16xf32>,
      %get3A_853 = vector.shape_cast %get3A_852 : vector<16xf32> to vector<16xf32>
      %exp3A_854 = math.exp %get3A_853 : vector<16xf32>
      %add3A_855 = arith.addf %scan3A_826, %exp3A_854 : vector<16xf32>
      %add3A_856 = arith.constant 48 : i32
      %add3A_857 = arith.addi %add3A_835, %add3A_856 : i32
      %get3A_858 = arith.index_cast %add3A_857 : i32 to index
      %get3A_859 = tpu.vector_load %arg5[%get3A_858] {strides = array<i32>} : memref<62560xf32, #tpu.memory_space<vmem>>, vector<16xf32>,
      %get3A_860 = vector.shape_cast %get3A_859 : vector<16xf32> to vector<16xf32>
      %exp3A_861 = math.exp %get3A_860 : vector<16xf32>
      %add3A_862 = arith.addf %scan3A_827, %exp3A_861 : vector<16xf32>
      %add3A_863 = arith.constant 64 : i32
      %add3A_864 = arith.addi %add3A_835, %add3A_863 : i32
      %get3A_865 = arith.index_cast %add3A_864 : i32 to index
      %get3A_866 = tpu.vector_load %arg5[%get3A_865] {strides = array<i32>} : memref<62560xf32, #tpu.memory_space<vmem>>, vector<16xf32>,
      %get3A_867 = vector.shape_cast %get3A_866 : vector<16xf32> to vector<16xf32>
      %exp3A_868 = math.exp %get3A_867 : vector<16xf32>
      %add3A_869 = arith.addf %scan3A_828, %exp3A_868 : vector<16xf32>
      %add3A_870 = arith.constant 80 : i32
      %add3A_871 = arith.addi %add3A_835, %add3A_870 : i32
      %get3A_872 = arith.index_cast %add3A_871 : i32 to index
      %get3A_873 = tpu.vector_load %arg5[%get3A_872] {strides = array<i32>} : memref<62560xf32, #tpu.memory_space<vmem>>, vector<16xf32>,
      %get3A_874 = vector.shape_cast %get3A_873 : vector<16xf32> to vector<16xf32>
      %exp3A_875 = math.exp %get3A_874 : vector<16xf32>
      %add3A_876 = arith.addf %scan3A_829, %exp3A_875 : vector<16xf32>
      %add3A_877 = arith.constant 96 : i32
      %add3A_878 = arith.addi %add3A_835, %add3A_877 : i32
      %get3A_879 = arith.index_cast %add3A_878 : i32 to index
      %get3A_880 = tpu.vector_load %arg5[%get3A_879] {strides = array<i32>} : memref<62560xf32, #tpu.memory_space<vmem>>, vector<16xf32>,
      %get3A_881 = vector.shape_cast %get3A_880 : vector<16xf32> to vector<16xf32>
      %exp3A_882 = math.exp %get3A_881 : vector<16xf32>
      %add3A_883 = arith.addf %scan3A_830, %exp3A_882 : vector<16xf32>
      %add3A_884 = arith.constant 112 : i32
      %add3A_885 = arith.addi %add3A_835, %add3A_884 : i32
      %get3A_886 = arith.index_cast %add3A_885 : i32 to index
      %get3A_887 = tpu.vector_load %arg5[%get3A_886] {strides = array<i32>} : memref<62560xf32, #tpu.memory_space<vmem>>, vector<16xf32>,
      %get3A_888 = vector.shape_cast %get3A_887 : vector<16xf32> to vector<16xf32>
      %exp3A_889 = math.exp %get3A_888 : vector<16xf32>
      %add3A_890 = arith.addf %scan3A_831, %exp3A_889 : vector<16xf32>
      %add3A_891 = arith.constant 128 : i32
      %add3A_892 = arith.addi %add3A_835, %add3A_891 : i32
      %get3A_893 = arith.index_cast %add3A_892 : i32 to index
      %get3A_894 = tpu.vector_load %arg5[%get3A_893] {strides = array<i32>} : memref<62560xf32, #tpu.memory_space<vmem>>, vector<16xf32>,
      %get3A_895 = vector.shape_cast %get3A_894 : vector<16xf32> to vector<16xf32>
      %exp3A_896 = math.exp %get3A_895 : vector<16xf32>
      %add3A_897 = arith.addf %add3A_841, %exp3A_896 : vector<16xf32>
      %add3A_898 = arith.constant 144 : i32
      %add3A_899 = arith.addi %add3A_835, %add3A_898 : i32
      %get3A_900 = arith.index_cast %add3A_899 : i32 to index
      %get3A_901 = tpu.vector_load %arg5[%get3A_900] {strides = array<i32>} : memref<62560xf32, #tpu.memory_space<vmem>>, vector<16xf32>,
      %get3A_902 = vector.shape_cast %get3A_901 : vector<16xf32> to vector<16xf32>
      %exp3A_903 = math.exp %get3A_902 : vector<16xf32>
      %add3A_904 = arith.addf %add3A_848, %exp3A_903 : vector<16xf32>
      %add3A_905 = arith.constant 160 : i32
      %add3A_906 = arith.addi %add3A_835, %add3A_905 : i32
      %get3A_907 = arith.index_cast %add3A_906 : i32 to index
      %get3A_908 = tpu.vector_load %arg5[%get3A_907] {strides = array<i32>} : memref<62560xf32, #tpu.memory_space<vmem>>, vector<16xf32>,
      %get3A_909 = vector.shape_cast %get3A_908 : vector<16xf32> to vector<16xf32>
      %exp3A_910 = math.exp %get3A_909 : vector<16xf32>
      %add3A_911 = arith.addf %add3A_855, %exp3A_910 : vector<16xf32>
      %add3A_912 = arith.constant 176 : i32
      %add3A_913 = arith.addi %add3A_835, %add3A_912 : i32
      %get3A_914 = arith.index_cast %add3A_913 : i32 to index
      %get3A_915 = tpu.vector_load %arg5[%get3A_914] {strides = array<i32>} : memref<62560xf32, #tpu.memory_space<vmem>>, vector<16xf32>,
      %get3A_916 = vector.shape_cast %get3A_915 : vector<16xf32> to vector<16xf32>
      %exp3A_917 = math.exp %get3A_916 : vector<16xf32>
      %add3A_918 = arith.addf %add3A_862, %exp3A_917 : vector<16xf32>
      %add3A_919 = arith.constant 192 : i32
      %add3A_920 = arith.addi %add3A_835, %add3A_919 : i32
      %get3A_921 = arith.index_cast %add3A_920 : i32 to index
      %get3A_922 = tpu.vector_load %arg5[%get3A_921] {strides = array<i32>} : memref<62560xf32, #tpu.memory_space<vmem>>, vector<16xf32>,
      %get3A_923 = vector.shape_cast %get3A_922 : vector<16xf32> to vector<16xf32>
      %exp3A_924 = math.exp %get3A_923 : vector<16xf32>
      %add3A_925 = arith.addf %add3A_869, %exp3A_924 : vector<16xf32>
      %add3A_926 = arith.constant 208 : i32
      %add3A_927 = arith.addi %add3A_835, %add3A_926 : i32
      %get3A_928 = arith.index_cast %add3A_927 : i32 to index
      %get3A_929 = tpu.vector_load %arg5[%get3A_928] {strides = array<i32>} : memref<62560xf32, #tpu.memory_space<vmem>>, vector<16xf32>,
      %get3A_930 = vector.shape_cast %get3A_929 : vector<16xf32> to vector<16xf32>
      %exp3A_931 = math.exp %get3A_930 : vector<16xf32>
      %add3A_932 = arith.addf %add3A_876, %exp3A_931 : vector<16xf32>
      %add3A_933 = arith.constant 224 : i32
      %add3A_934 = arith.addi %add3A_835, %add3A_933 : i32
      %get3A_935 = arith.index_cast %add3A_934 : i32 to index
      %get3A_936 = tpu.vector_load %arg5[%get3A_935] {strides = array<i32>} : memref<62560xf32, #tpu.memory_space<vmem>>, vector<16xf32>,
      %get3A_937 = vector.shape_cast %get3A_936 : vector<16xf32> to vector<16xf32>
      %exp3A_938 = math.exp %get3A_937 : vector<16xf32>
      %add3A_939 = arith.addf %add3A_883, %exp3A_938 : vector<16xf32>
      %add3A_940 = arith.constant 240 : i32
      %add3A_941 = arith.addi %add3A_835, %add3A_940 : i32
      %get3A_942 = arith.index_cast %add3A_941 : i32 to index
      %get3A_943 = tpu.vector_load %arg5[%get3A_942] {strides = array<i32>} : memref<62560xf32, #tpu.memory_space<vmem>>, vector<16xf32>,
      %get3A_944 = vector.shape_cast %get3A_943 : vector<16xf32> to vector<16xf32>
      %exp3A_945 = math.exp %get3A_944 : vector<16xf32>
      %add3A_946 = arith.addf %add3A_890, %exp3A_945 : vector<16xf32>
      %add3A_947 = arith.constant 256 : i32
      %add3A_948 = arith.addi %add3A_835, %add3A_947 : i32
      %get3A_949 = arith.index_cast %add3A_948 : i32 to index
      %get3A_950 = tpu.vector_load %arg5[%get3A_949] {strides = array<i32>} : memref<62560xf32, #tpu.memory_space<vmem>>, vector<16xf32>,
      %get3A_951 = vector.shape_cast %get3A_950 : vector<16xf32> to vector<16xf32>
      %exp3A_952 = math.exp %get3A_951 : vector<16xf32>
      %add3A_953 = arith.addf %add3A_897, %exp3A_952 : vector<16xf32>
      %add3A_954 = arith.constant 272 : i32
      %add3A_955 = arith.addi %add3A_835, %add3A_954 : i32
      %get3A_956 = arith.index_cast %add3A_955 : i32 to index
      %get3A_957 = tpu.vector_load %arg5[%get3A_956] {strides = array<i32>} : memref<62560xf32, #tpu.memory_space<vmem>>, vector<16xf32>,
      %get3A_958 = vector.shape_cast %get3A_957 : vector<16xf32> to vector<16xf32>
      %exp3A_959 = math.exp %get3A_958 : vector<16xf32>
      %add3A_960 = arith.addf %add3A_904, %exp3A_959 : vector<16xf32>
      %add3A_961 = arith.constant 288 : i32
      %add3A_962 = arith.addi %add3A_835, %add3A_961 : i32
      %get3A_963 = arith.index_cast %add3A_962 : i32 to index
      %get3A_964 = tpu.vector_load %arg5[%get3A_963] {strides = array<i32>} : memref<62560xf32, #tpu.memory_space<vmem>>, vector<16xf32>,
      %get3A_965 = vector.shape_cast %get3A_964 : vector<16xf32> to vector<16xf32>
      %exp3A_966 = math.exp %get3A_965 : vector<16xf32>
      %add3A_967 = arith.addf %add3A_911, %exp3A_966 : vector<16xf32>
      %add3A_968 = arith.constant 304 : i32
      %add3A_969 = arith.addi %add3A_835, %add3A_968 : i32
      %get3A_970 = arith.index_cast %add3A_969 : i32 to index
      %get3A_971 = tpu.vector_load %arg5[%get3A_970] {strides = array<i32>} : memref<62560xf32, #tpu.memory_space<vmem>>, vector<16xf32>,
      %get3A_972 = vector.shape_cast %get3A_971 : vector<16xf32> to vector<16xf32>
      %exp3A_973 = math.exp %get3A_972 : vector<16xf32>
      %add3A_974 = arith.addf %add3A_918, %exp3A_973 : vector<16xf32>
      %add3A_975 = arith.constant 320 : i32
      %add3A_976 = arith.addi %add3A_835, %add3A_975 : i32
      %get3A_977 = arith.index_cast %add3A_976 : i32 to index
      %get3A_978 = tpu.vector_load %arg5[%get3A_977] {strides = array<i32>} : memref<62560xf32, #tpu.memory_space<vmem>>, vector<16xf32>,
      %get3A_979 = vector.shape_cast %get3A_978 : vector<16xf32> to vector<16xf32>
      %exp3A_980 = math.exp %get3A_979 : vector<16xf32>
      %add3A_981 = arith.addf %add3A_925, %exp3A_980 : vector<16xf32>
      %add3A_982 = arith.constant 336 : i32
      %add3A_983 = arith.addi %add3A_835, %add3A_982 : i32
      %get3A_984 = arith.index_cast %add3A_983 : i32 to index
      %get3A_985 = tpu.vector_load %arg5[%get3A_984] {strides = array<i32>} : memref<62560xf32, #tpu.memory_space<vmem>>, vector<16xf32>,
      %get3A_986 = vector.shape_cast %get3A_985 : vector<16xf32> to vector<16xf32>
      %exp3A_987 = math.exp %get3A_986 : vector<16xf32>
      %add3A_988 = arith.addf %add3A_932, %exp3A_987 : vector<16xf32>
      %add3A_989 = arith.constant 352 : i32
      %add3A_990 = arith.addi %add3A_835, %add3A_989 : i32
      %get3A_991 = arith.index_cast %add3A_990 : i32 to index
      %get3A_992 = tpu.vector_load %arg5[%get3A_991] {strides = array<i32>} : memref<62560xf32, #tpu.memory_space<vmem>>, vector<16xf32>,
      %get3A_993 = vector.shape_cast %get3A_992 : vector<16xf32> to vector<16xf32>
      %exp3A_994 = math.exp %get3A_993 : vector<16xf32>
      %add3A_995 = arith.addf %add3A_939, %exp3A_994 : vector<16xf32>
      %add3A_996 = arith.constant 368 : i32
      %add3A_997 = arith.addi %add3A_835, %add3A_996 : i32
      %get3A_998 = arith.index_cast %add3A_997 : i32 to index
      %get3A_999 = tpu.vector_load %arg5[%get3A_998] {strides = array<i32>} : memref<62560xf32, #tpu.memory_space<vmem>>, vector<16xf32>,
      %get3A_1000 = vector.shape_cast %get3A_999 : vector<16xf32> to vector<16xf32>
      %exp3A_1001 = math.exp %get3A_1000 : vector<16xf32>
      %add3A_1002 = arith.addf %add3A_946, %exp3A_1001 : vector<16xf32>
      %add3A_1003 = arith.constant 384 : i32
      %add3A_1004 = arith.addi %add3A_835, %add3A_1003 : i32
      %get3A_1005 = arith.index_cast %add3A_1004 : i32 to index
      %get3A_1006 = tpu.vector_load %arg5[%get3A_1005] {strides = array<i32>} : memref<62560xf32, #tpu.memory_space<vmem>>, vector<16xf32>,
      %get3A_1007 = vector.shape_cast %get3A_1006 : vector<16xf32> to vector<16xf32>
      %exp3A_1008 = math.exp %get3A_1007 : vector<16xf32>
      %add3A_1009 = arith.addf %add3A_953, %exp3A_1008 : vector<16xf32>
      %add3A_1010 = arith.constant 400 : i32
      %add3A_1011 = arith.addi %add3A_835, %add3A_1010 : i32
      %get3A_1012 = arith.index_cast %add3A_1011 : i32 to index
      %get3A_1013 = tpu.vector_load %arg5[%get3A_1012] {strides = array<i32>} : memref<62560xf32, #tpu.memory_space<vmem>>, vector<16xf32>,
      %get3A_1014 = vector.shape_cast %get3A_1013 : vector<16xf32> to vector<16xf32>
      %exp3A_1015 = math.exp %get3A_1014 : vector<16xf32>
      %add3A_1016 = arith.addf %add3A_960, %exp3A_1015 : vector<16xf32>
      %add3A_1017 = arith.constant 416 : i32
      %add3A_1018 = arith.addi %add3A_835, %add3A_1017 : i32
      %get3A_1019 = arith.index_cast %add3A_1018 : i32 to index
      %get3A_1020 = tpu.vector_load %arg5[%get3A_1019] {strides = array<i32>} : memref<62560xf32, #tpu.memory_space<vmem>>, vector<16xf32>,
      %get3A_1021 = vector.shape_cast %get3A_1020 : vector<16xf32> to vector<16xf32>
      %exp3A_1022 = math.exp %get3A_1021 : vector<16xf32>
      %add3A_1023 = arith.addf %add3A_967, %exp3A_1022 : vector<16xf32>
      %add3A_1024 = arith.constant 432 : i32
      %add3A_1025 = arith.addi %add3A_835, %add3A_1024 : i32
      %get3A_1026 = arith.index_cast %add3A_1025 : i32 to index
      %get3A_1027 = tpu.vector_load %arg5[%get3A_1026] {strides = array<i32>} : memref<62560xf32, #tpu.memory_space<vmem>>, vector<16xf32>,
      %get3A_1028 = vector.shape_cast %get3A_1027 : vector<16xf32> to vector<16xf32>
      %exp3A_1029 = math.exp %get3A_1028 : vector<16xf32>
      %add3A_1030 = arith.addf %add3A_974, %exp3A_1029 : vector<16xf32>
      %add3A_1031 = arith.constant 448 : i32
      %add3A_1032 = arith.addi %add3A_835, %add3A_1031 : i32
      %get3A_1033 = arith.index_cast %add3A_1032 : i32 to index
      %get3A_1034 = tpu.vector_load %arg5[%get3A_1033] {strides = array<i32>} : memref<62560xf32, #tpu.memory_space<vmem>>, vector<16xf32>,
      %get3A_1035 = vector.shape_cast %get3A_1034 : vector<16xf32> to vector<16xf32>
      %exp3A_1036 = math.exp %get3A_1035 : vector<16xf32>
      %add3A_1037 = arith.addf %add3A_981, %exp3A_1036 : vector<16xf32>
      %add3A_1038 = arith.constant 464 : i32
      %add3A_1039 = arith.addi %add3A_835, %add3A_1038 : i32
      %get3A_1040 = arith.index_cast %add3A_1039 : i32 to index
      %get3A_1041 = tpu.vector_load %arg5[%get3A_1040] {strides = array<i32>} : memref<62560xf32, #tpu.memory_space<vmem>>, vector<16xf32>,
      %get3A_1042 = vector.shape_cast %get3A_1041 : vector<16xf32> to vector<16xf32>
      %exp3A_1043 = math.exp %get3A_1042 : vector<16xf32>
      %add3A_1044 = arith.addf %add3A_988, %exp3A_1043 : vector<16xf32>
      %add3A_1045 = arith.constant 480 : i32
      %add3A_1046 = arith.addi %add3A_835, %add3A_1045 : i32
      %get3A_1047 = arith.index_cast %add3A_1046 : i32 to index
      %get3A_1048 = tpu.vector_load %arg5[%get3A_1047] {strides = array<i32>} : memref<62560xf32, #tpu.memory_space<vmem>>, vector<16xf32>,
      %get3A_1049 = vector.shape_cast %get3A_1048 : vector<16xf32> to vector<16xf32>
      %exp3A_1050 = math.exp %get3A_1049 : vector<16xf32>
      %add3A_1051 = arith.addf %add3A_995, %exp3A_1050 : vector<16xf32>
      %add3A_1052 = arith.constant 496 : i32
      %add3A_1053 = arith.addi %add3A_835, %add3A_1052 : i32
      %get3A_1054 = arith.index_cast %add3A_1053 : i32 to index
      %get3A_1055 = tpu.vector_load %arg5[%get3A_1054] {strides = array<i32>} : memref<62560xf32, #tpu.memory_space<vmem>>, vector<16xf32>,
      %get3A_1056 = vector.shape_cast %get3A_1055 : vector<16xf32> to vector<16xf32>
      %exp3A_1057 = math.exp %get3A_1056 : vector<16xf32>
      %add3A_1058 = arith.addf %add3A_1002, %exp3A_1057 : vector<16xf32>
      %add3A_1059 = arith.constant 512 : i32
      %add3A_1060 = arith.addi %add3A_835, %add3A_1059 : i32
      %get3A_1061 = arith.index_cast %add3A_1060 : i32 to index
      %get3A_1062 = tpu.vector_load %arg5[%get3A_1061] {strides = array<i32>} : memref<62560xf32, #tpu.memory_space<vmem>>, vector<16xf32>,
      %get3A_1063 = vector.shape_cast %get3A_1062 : vector<16xf32> to vector<16xf32>
      %exp3A_1064 = math.exp %get3A_1063 : vector<16xf32>
      %add3A_1065 = arith.addf %add3A_1009, %exp3A_1064 : vector<16xf32>
      %add3A_1066 = arith.constant 528 : i32
      %add3A_1067 = arith.addi %add3A_835, %add3A_1066 : i32
      %get3A_1068 = arith.index_cast %add3A_1067 : i32 to index
      %get3A_1069 = tpu.vector_load %arg5[%get3A_1068] {strides = array<i32>} : memref<62560xf32, #tpu.memory_space<vmem>>, vector<16xf32>,
      %get3A_1070 = vector.shape_cast %get3A_1069 : vector<16xf32> to vector<16xf32>
      %exp3A_1071 = math.exp %get3A_1070 : vector<16xf32>
      %add3A_1072 = arith.addf %add3A_1016, %exp3A_1071 : vector<16xf32>
      %add3A_1073 = arith.constant 544 : i32
      %add3A_1074 = arith.addi %add3A_835, %add3A_1073 : i32
      %get3A_1075 = arith.index_cast %add3A_1074 : i32 to index
      %get3A_1076 = tpu.vector_load %arg5[%get3A_1075] {strides = array<i32>} : memref<62560xf32, #tpu.memory_space<vmem>>, vector<16xf32>,
      %get3A_1077 = vector.shape_cast %get3A_1076 : vector<16xf32> to vector<16xf32>
      %exp3A_1078 = math.exp %get3A_1077 : vector<16xf32>
      %add3A_1079 = arith.addf %add3A_1023, %exp3A_1078 : vector<16xf32>
      %add3A_1080 = arith.constant 560 : i32
      %add3A_1081 = arith.addi %add3A_835, %add3A_1080 : i32
      %get3A_1082 = arith.index_cast %add3A_1081 : i32 to index
      %get3A_1083 = tpu.vector_load %arg5[%get3A_1082] {strides = array<i32>} : memref<62560xf32, #tpu.memory_space<vmem>>, vector<16xf32>,
      %get3A_1084 = vector.shape_cast %get3A_1083 : vector<16xf32> to vector<16xf32>
      %exp3A_1085 = math.exp %get3A_1084 : vector<16xf32>
      %add3A_1086 = arith.addf %add3A_1030, %exp3A_1085 : vector<16xf32>
      %add3A_1087 = arith.constant 576 : i32
      %add3A_1088 = arith.addi %add3A_835, %add3A_1087 : i32
      %get3A_1089 = arith.index_cast %add3A_1088 : i32 to index
      %get3A_1090 = tpu.vector_load %arg5[%get3A_1089] {strides = array<i32>} : memref<62560xf32, #tpu.memory_space<vmem>>, vector<16xf32>,
      %get3A_1091 = vector.shape_cast %get3A_1090 : vector<16xf32> to vector<16xf32>
      %exp3A_1092 = math.exp %get3A_1091 : vector<16xf32>
      %add3A_1093 = arith.addf %add3A_1037, %exp3A_1092 : vector<16xf32>
      %add3A_1094 = arith.constant 592 : i32
      %add3A_1095 = arith.addi %add3A_835, %add3A_1094 : i32
      %get3A_1096 = arith.index_cast %add3A_1095 : i32 to index
      %get3A_1097 = tpu.vector_load %arg5[%get3A_1096] {strides = array<i32>} : memref<62560xf32, #tpu.memory_space<vmem>>, vector<16xf32>,
      %get3A_1098 = vector.shape_cast %get3A_1097 : vector<16xf32> to vector<16xf32>
      %exp3A_1099 = math.exp %get3A_1098 : vector<16xf32>
      %add3A_1100 = arith.addf %add3A_1044, %exp3A_1099 : vector<16xf32>
      %add3A_1101 = arith.constant 608 : i32
      %add3A_1102 = arith.addi %add3A_835, %add3A_1101 : i32
      %get3A_1103 = arith.index_cast %add3A_1102 : i32 to index
      %get3A_1104 = tpu.vector_load %arg5[%get3A_1103] {strides = array<i32>} : memref<62560xf32, #tpu.memory_space<vmem>>, vector<16xf32>,
      %get3A_1105 = vector.shape_cast %get3A_1104 : vector<16xf32> to vector<16xf32>
      %exp3A_1106 = math.exp %get3A_1105 : vector<16xf32>
      %add3A_1107 = arith.addf %add3A_1051, %exp3A_1106 : vector<16xf32>
      %add3A_1108 = arith.constant 624 : i32
      %add3A_1109 = arith.addi %add3A_835, %add3A_1108 : i32
      %get3A_1110 = arith.index_cast %add3A_1109 : i32 to index
      %get3A_1111 = tpu.vector_load %arg5[%get3A_1110] {strides = array<i32>} : memref<62560xf32, #tpu.memory_space<vmem>>, vector<16xf32>,
      %get3A_1112 = vector.shape_cast %get3A_1111 : vector<16xf32> to vector<16xf32>
      %exp3A_1113 = math.exp %get3A_1112 : vector<16xf32>
      %add3A_1114 = arith.addf %add3A_1058, %exp3A_1113 : vector<16xf32>
      %add3A_1115 = arith.constant 640 : i32
      %add3A_1116 = arith.addi %add3A_835, %add3A_1115 : i32
      %get3A_1117 = arith.index_cast %add3A_1116 : i32 to index
      %get3A_1118 = tpu.vector_load %arg5[%get3A_1117] {strides = array<i32>} : memref<62560xf32, #tpu.memory_space<vmem>>, vector<16xf32>,
      %get3A_1119 = vector.shape_cast %get3A_1118 : vector<16xf32> to vector<16xf32>
      %exp3A_1120 = math.exp %get3A_1119 : vector<16xf32>
      %add3A_1121 = arith.addf %add3A_1065, %exp3A_1120 : vector<16xf32>
      %add3A_1122 = arith.constant 656 : i32
      %add3A_1123 = arith.addi %add3A_835, %add3A_1122 : i32
      %get3A_1124 = arith.index_cast %add3A_1123 : i32 to index
      %get3A_1125 = tpu.vector_load %arg5[%get3A_1124] {strides = array<i32>} : memref<62560xf32, #tpu.memory_space<vmem>>, vector<16xf32>,
      %get3A_1126 = vector.shape_cast %get3A_1125 : vector<16xf32> to vector<16xf32>
      %exp3A_1127 = math.exp %get3A_1126 : vector<16xf32>
      %add3A_1128 = arith.addf %add3A_1072, %exp3A_1127 : vector<16xf32>
      scf.yield %add3A_1121, %add3A_1128, %add3A_1079, %add3A_1086, %add3A_1093, %add3A_1100, %add3A_1107, %add3A_1114 : vector<16xf32>, vector<16xf32>, vector<16xf32>, vector<16xf32>, vector<16xf32>, vector<16xf32>, vector<16xf32>, vector<16xf32>
    }
    %scan3A_106 = arith.constant 31 : i32
    %dma_wait3A_107 = arith.constant 41664 : i32
    %dma_wait3A_108 = tpu.memref_slice %arg5[%dma_wait3A_107] : memref<62560xf32, #tpu.memory_space<vmem>> -> memref<20832xf32, #tpu.memory_space<vmem>>
    %dma_wait3A_109 = tpu.memref_slice %arg2[%add3A_83] : memref<1000000xf32, #tpu.memory_space<hbm>> -> memref<20832xf32, #tpu.memory_space<hbm>>
    %dma_wait3A_110 = arith.constant 41664 : i32
    %dma_wait3A_111 = tpu.memref_slice %arg5[%dma_wait3A_110] : memref<62560xf32, #tpu.memory_space<vmem>> -> memref<20832xf32, #tpu.memory_space<vmem>>
    %dma_wait3A_112 = tpu.memref_slice %arg2[%add3A_83] : memref<1000000xf32, #tpu.memory_space<hbm>> -> memref<20832xf32, #tpu.memory_space<hbm>>
    tpu.wait_dma2 semaphore(%arg12 : memref<!tpu.dma_semaphore, #tpu.memory_space<semaphore_mem>>) src(%dma_wait3A_112 : memref<20832xf32, #tpu.memory_space<hbm>>) dst(%dma_wait3A_111 : memref<20832xf32, #tpu.memory_space<vmem>>)
    %scan3A_113 = arith.constant 0 : i32
    %scan3A_114 = arith.constant 31 : i32
    %scan3A_115 = arith.addi %scan3A_113, %scan3A_114 : i32
    %scan3A_116 = arith.constant 1 : i32
    %scan3A_117:8 = scf.for %scan3A_823 = %scan3A_113 to %scan3A_115 step %scan3A_116 iter_args(%scan3A_824 = %scan3A_105#0, %scan3A_825 = %scan3A_105#1, %scan3A_826 = %scan3A_105#2, %scan3A_827 = %scan3A_105#3, %scan3A_828 = %scan3A_105#4, %scan3A_829 = %scan3A_105#5, %scan3A_830 = %scan3A_105#6, %scan3A_831 = %scan3A_105#7) -> (vector<16xf32>, vector<16xf32>, vector<16xf32>, vector<16xf32>, vector<16xf32>, vector<16xf32>, vector<16xf32>, vector<16xf32>)  : i32 {
      %mul3A_832 = arith.constant 672 : i32
      %mul3A_833 = arith.muli %scan3A_823, %mul3A_832 : i32
      %add3A_834 = arith.constant 41664 : i32
      %add3A_835 = arith.addi %add3A_834, %mul3A_833 : i32
      %add3A_836 = arith.constant 0 : i32
      %add3A_837 = arith.addi %add3A_835, %add3A_836 : i32
      %get3A_838 = arith.index_cast %add3A_837 : i32 to index
      %get3A_839 = tpu.vector_load %arg5[%get3A_838] {strides = array<i32>} : memref<62560xf32, #tpu.memory_space<vmem>>, vector<16xf32>,
      %get3A_840 = vector.shape_cast %get3A_839 : vector<16xf32> to vector<16xf32>
      %exp3A = math.exp %get3A_840 : vector<16xf32>
      %add3A_841 = arith.addf %scan3A_824, %exp3A : vector<16xf32>
      %add3A_842 = arith.constant 16 : i32
      %add3A_843 = arith.addi %add3A_835, %add3A_842 : i32
      %get3A_844 = arith.index_cast %add3A_843 : i32 to index
      %get3A_845 = tpu.vector_load %arg5[%get3A_844] {strides = array<i32>} : memref<62560xf32, #tpu.memory_space<vmem>>, vector<16xf32>,
      %get3A_846 = vector.shape_cast %get3A_845 : vector<16xf32> to vector<16xf32>
      %exp3A_847 = math.exp %get3A_846 : vector<16xf32>
      %add3A_848 = arith.addf %scan3A_825, %exp3A_847 : vector<16xf32>
      %add3A_849 = arith.constant 32 : i32
      %add3A_850 = arith.addi %add3A_835, %add3A_849 : i32
      %get3A_851 = arith.index_cast %add3A_850 : i32 to index
      %get3A_852 = tpu.vector_load %arg5[%get3A_851] {strides = array<i32>} : memref<62560xf32, #tpu.memory_space<vmem>>, vector<16xf32>,
      %get3A_853 = vector.shape_cast %get3A_852 : vector<16xf32> to vector<16xf32>
      %exp3A_854 = math.exp %get3A_853 : vector<16xf32>
      %add3A_855 = arith.addf %scan3A_826, %exp3A_854 : vector<16xf32>
      %add3A_856 = arith.constant 48 : i32
      %add3A_857 = arith.addi %add3A_835, %add3A_856 : i32
      %get3A_858 = arith.index_cast %add3A_857 : i32 to index
      %get3A_859 = tpu.vector_load %arg5[%get3A_858] {strides = array<i32>} : memref<62560xf32, #tpu.memory_space<vmem>>, vector<16xf32>,
      %get3A_860 = vector.shape_cast %get3A_859 : vector<16xf32> to vector<16xf32>
      %exp3A_861 = math.exp %get3A_860 : vector<16xf32>
      %add3A_862 = arith.addf %scan3A_827, %exp3A_861 : vector<16xf32>
      %add3A_863 = arith.constant 64 : i32
      %add3A_864 = arith.addi %add3A_835, %add3A_863 : i32
      %get3A_865 = arith.index_cast %add3A_864 : i32 to index
      %get3A_866 = tpu.vector_load %arg5[%get3A_865] {strides = array<i32>} : memref<62560xf32, #tpu.memory_space<vmem>>, vector<16xf32>,
      %get3A_867 = vector.shape_cast %get3A_866 : vector<16xf32> to vector<16xf32>
      %exp3A_868 = math.exp %get3A_867 : vector<16xf32>
      %add3A_869 = arith.addf %scan3A_828, %exp3A_868 : vector<16xf32>
      %add3A_870 = arith.constant 80 : i32
      %add3A_871 = arith.addi %add3A_835, %add3A_870 : i32
      %get3A_872 = arith.index_cast %add3A_871 : i32 to index
      %get3A_873 = tpu.vector_load %arg5[%get3A_872] {strides = array<i32>} : memref<62560xf32, #tpu.memory_space<vmem>>, vector<16xf32>,
      %get3A_874 = vector.shape_cast %get3A_873 : vector<16xf32> to vector<16xf32>
      %exp3A_875 = math.exp %get3A_874 : vector<16xf32>
      %add3A_876 = arith.addf %scan3A_829, %exp3A_875 : vector<16xf32>
      %add3A_877 = arith.constant 96 : i32
      %add3A_878 = arith.addi %add3A_835, %add3A_877 : i32
      %get3A_879 = arith.index_cast %add3A_878 : i32 to index
      %get3A_880 = tpu.vector_load %arg5[%get3A_879] {strides = array<i32>} : memref<62560xf32, #tpu.memory_space<vmem>>, vector<16xf32>,
      %get3A_881 = vector.shape_cast %get3A_880 : vector<16xf32> to vector<16xf32>
      %exp3A_882 = math.exp %get3A_881 : vector<16xf32>
      %add3A_883 = arith.addf %scan3A_830, %exp3A_882 : vector<16xf32>
      %add3A_884 = arith.constant 112 : i32
      %add3A_885 = arith.addi %add3A_835, %add3A_884 : i32
      %get3A_886 = arith.index_cast %add3A_885 : i32 to index
      %get3A_887 = tpu.vector_load %arg5[%get3A_886] {strides = array<i32>} : memref<62560xf32, #tpu.memory_space<vmem>>, vector<16xf32>,
      %get3A_888 = vector.shape_cast %get3A_887 : vector<16xf32> to vector<16xf32>
      %exp3A_889 = math.exp %get3A_888 : vector<16xf32>
      %add3A_890 = arith.addf %scan3A_831, %exp3A_889 : vector<16xf32>
      %add3A_891 = arith.constant 128 : i32
      %add3A_892 = arith.addi %add3A_835, %add3A_891 : i32
      %get3A_893 = arith.index_cast %add3A_892 : i32 to index
      %get3A_894 = tpu.vector_load %arg5[%get3A_893] {strides = array<i32>} : memref<62560xf32, #tpu.memory_space<vmem>>, vector<16xf32>,
      %get3A_895 = vector.shape_cast %get3A_894 : vector<16xf32> to vector<16xf32>
      %exp3A_896 = math.exp %get3A_895 : vector<16xf32>
      %add3A_897 = arith.addf %add3A_841, %exp3A_896 : vector<16xf32>
      %add3A_898 = arith.constant 144 : i32
      %add3A_899 = arith.addi %add3A_835, %add3A_898 : i32
      %get3A_900 = arith.index_cast %add3A_899 : i32 to index
      %get3A_901 = tpu.vector_load %arg5[%get3A_900] {strides = array<i32>} : memref<62560xf32, #tpu.memory_space<vmem>>, vector<16xf32>,
      %get3A_902 = vector.shape_cast %get3A_901 : vector<16xf32> to vector<16xf32>
      %exp3A_903 = math.exp %get3A_902 : vector<16xf32>
      %add3A_904 = arith.addf %add3A_848, %exp3A_903 : vector<16xf32>
      %add3A_905 = arith.constant 160 : i32
      %add3A_906 = arith.addi %add3A_835, %add3A_905 : i32
      %get3A_907 = arith.index_cast %add3A_906 : i32 to index
      %get3A_908 = tpu.vector_load %arg5[%get3A_907] {strides = array<i32>} : memref<62560xf32, #tpu.memory_space<vmem>>, vector<16xf32>,
      %get3A_909 = vector.shape_cast %get3A_908 : vector<16xf32> to vector<16xf32>
      %exp3A_910 = math.exp %get3A_909 : vector<16xf32>
      %add3A_911 = arith.addf %add3A_855, %exp3A_910 : vector<16xf32>
      %add3A_912 = arith.constant 176 : i32
      %add3A_913 = arith.addi %add3A_835, %add3A_912 : i32
      %get3A_914 = arith.index_cast %add3A_913 : i32 to index
      %get3A_915 = tpu.vector_load %arg5[%get3A_914] {strides = array<i32>} : memref<62560xf32, #tpu.memory_space<vmem>>, vector<16xf32>,
      %get3A_916 = vector.shape_cast %get3A_915 : vector<16xf32> to vector<16xf32>
      %exp3A_917 = math.exp %get3A_916 : vector<16xf32>
      %add3A_918 = arith.addf %add3A_862, %exp3A_917 : vector<16xf32>
      %add3A_919 = arith.constant 192 : i32
      %add3A_920 = arith.addi %add3A_835, %add3A_919 : i32
      %get3A_921 = arith.index_cast %add3A_920 : i32 to index
      %get3A_922 = tpu.vector_load %arg5[%get3A_921] {strides = array<i32>} : memref<62560xf32, #tpu.memory_space<vmem>>, vector<16xf32>,
      %get3A_923 = vector.shape_cast %get3A_922 : vector<16xf32> to vector<16xf32>
      %exp3A_924 = math.exp %get3A_923 : vector<16xf32>
      %add3A_925 = arith.addf %add3A_869, %exp3A_924 : vector<16xf32>
      %add3A_926 = arith.constant 208 : i32
      %add3A_927 = arith.addi %add3A_835, %add3A_926 : i32
      %get3A_928 = arith.index_cast %add3A_927 : i32 to index
      %get3A_929 = tpu.vector_load %arg5[%get3A_928] {strides = array<i32>} : memref<62560xf32, #tpu.memory_space<vmem>>, vector<16xf32>,
      %get3A_930 = vector.shape_cast %get3A_929 : vector<16xf32> to vector<16xf32>
      %exp3A_931 = math.exp %get3A_930 : vector<16xf32>
      %add3A_932 = arith.addf %add3A_876, %exp3A_931 : vector<16xf32>
      %add3A_933 = arith.constant 224 : i32
      %add3A_934 = arith.addi %add3A_835, %add3A_933 : i32
      %get3A_935 = arith.index_cast %add3A_934 : i32 to index
      %get3A_936 = tpu.vector_load %arg5[%get3A_935] {strides = array<i32>} : memref<62560xf32, #tpu.memory_space<vmem>>, vector<16xf32>,
      %get3A_937 = vector.shape_cast %get3A_936 : vector<16xf32> to vector<16xf32>
      %exp3A_938 = math.exp %get3A_937 : vector<16xf32>
      %add3A_939 = arith.addf %add3A_883, %exp3A_938 : vector<16xf32>
      %add3A_940 = arith.constant 240 : i32
      %add3A_941 = arith.addi %add3A_835, %add3A_940 : i32
      %get3A_942 = arith.index_cast %add3A_941 : i32 to index
      %get3A_943 = tpu.vector_load %arg5[%get3A_942] {strides = array<i32>} : memref<62560xf32, #tpu.memory_space<vmem>>, vector<16xf32>,
      %get3A_944 = vector.shape_cast %get3A_943 : vector<16xf32> to vector<16xf32>
      %exp3A_945 = math.exp %get3A_944 : vector<16xf32>
      %add3A_946 = arith.addf %add3A_890, %exp3A_945 : vector<16xf32>
      %add3A_947 = arith.constant 256 : i32
      %add3A_948 = arith.addi %add3A_835, %add3A_947 : i32
      %get3A_949 = arith.index_cast %add3A_948 : i32 to index
      %get3A_950 = tpu.vector_load %arg5[%get3A_949] {strides = array<i32>} : memref<62560xf32, #tpu.memory_space<vmem>>, vector<16xf32>,
      %get3A_951 = vector.shape_cast %get3A_950 : vector<16xf32> to vector<16xf32>
      %exp3A_952 = math.exp %get3A_951 : vector<16xf32>
      %add3A_953 = arith.addf %add3A_897, %exp3A_952 : vector<16xf32>
      %add3A_954 = arith.constant 272 : i32
      %add3A_955 = arith.addi %add3A_835, %add3A_954 : i32
      %get3A_956 = arith.index_cast %add3A_955 : i32 to index
      %get3A_957 = tpu.vector_load %arg5[%get3A_956] {strides = array<i32>} : memref<62560xf32, #tpu.memory_space<vmem>>, vector<16xf32>,
      %get3A_958 = vector.shape_cast %get3A_957 : vector<16xf32> to vector<16xf32>
      %exp3A_959 = math.exp %get3A_958 : vector<16xf32>
      %add3A_960 = arith.addf %add3A_904, %exp3A_959 : vector<16xf32>
      %add3A_961 = arith.constant 288 : i32
      %add3A_962 = arith.addi %add3A_835, %add3A_961 : i32
      %get3A_963 = arith.index_cast %add3A_962 : i32 to index
      %get3A_964 = tpu.vector_load %arg5[%get3A_963] {strides = array<i32>} : memref<62560xf32, #tpu.memory_space<vmem>>, vector<16xf32>,
      %get3A_965 = vector.shape_cast %get3A_964 : vector<16xf32> to vector<16xf32>
      %exp3A_966 = math.exp %get3A_965 : vector<16xf32>
      %add3A_967 = arith.addf %add3A_911, %exp3A_966 : vector<16xf32>
      %add3A_968 = arith.constant 304 : i32
      %add3A_969 = arith.addi %add3A_835, %add3A_968 : i32
      %get3A_970 = arith.index_cast %add3A_969 : i32 to index
      %get3A_971 = tpu.vector_load %arg5[%get3A_970] {strides = array<i32>} : memref<62560xf32, #tpu.memory_space<vmem>>, vector<16xf32>,
      %get3A_972 = vector.shape_cast %get3A_971 : vector<16xf32> to vector<16xf32>
      %exp3A_973 = math.exp %get3A_972 : vector<16xf32>
      %add3A_974 = arith.addf %add3A_918, %exp3A_973 : vector<16xf32>
      %add3A_975 = arith.constant 320 : i32
      %add3A_976 = arith.addi %add3A_835, %add3A_975 : i32
      %get3A_977 = arith.index_cast %add3A_976 : i32 to index
      %get3A_978 = tpu.vector_load %arg5[%get3A_977] {strides = array<i32>} : memref<62560xf32, #tpu.memory_space<vmem>>, vector<16xf32>,
      %get3A_979 = vector.shape_cast %get3A_978 : vector<16xf32> to vector<16xf32>
      %exp3A_980 = math.exp %get3A_979 : vector<16xf32>
      %add3A_981 = arith.addf %add3A_925, %exp3A_980 : vector<16xf32>
      %add3A_982 = arith.constant 336 : i32
      %add3A_983 = arith.addi %add3A_835, %add3A_982 : i32
      %get3A_984 = arith.index_cast %add3A_983 : i32 to index
      %get3A_985 = tpu.vector_load %arg5[%get3A_984] {strides = array<i32>} : memref<62560xf32, #tpu.memory_space<vmem>>, vector<16xf32>,
      %get3A_986 = vector.shape_cast %get3A_985 : vector<16xf32> to vector<16xf32>
      %exp3A_987 = math.exp %get3A_986 : vector<16xf32>
      %add3A_988 = arith.addf %add3A_932, %exp3A_987 : vector<16xf32>
      %add3A_989 = arith.constant 352 : i32
      %add3A_990 = arith.addi %add3A_835, %add3A_989 : i32
      %get3A_991 = arith.index_cast %add3A_990 : i32 to index
      %get3A_992 = tpu.vector_load %arg5[%get3A_991] {strides = array<i32>} : memref<62560xf32, #tpu.memory_space<vmem>>, vector<16xf32>,
      %get3A_993 = vector.shape_cast %get3A_992 : vector<16xf32> to vector<16xf32>
      %exp3A_994 = math.exp %get3A_993 : vector<16xf32>
      %add3A_995 = arith.addf %add3A_939, %exp3A_994 : vector<16xf32>
      %add3A_996 = arith.constant 368 : i32
      %add3A_997 = arith.addi %add3A_835, %add3A_996 : i32
      %get3A_998 = arith.index_cast %add3A_997 : i32 to index
      %get3A_999 = tpu.vector_load %arg5[%get3A_998] {strides = array<i32>} : memref<62560xf32, #tpu.memory_space<vmem>>, vector<16xf32>,
      %get3A_1000 = vector.shape_cast %get3A_999 : vector<16xf32> to vector<16xf32>
      %exp3A_1001 = math.exp %get3A_1000 : vector<16xf32>
      %add3A_1002 = arith.addf %add3A_946, %exp3A_1001 : vector<16xf32>
      %add3A_1003 = arith.constant 384 : i32
      %add3A_1004 = arith.addi %add3A_835, %add3A_1003 : i32
      %get3A_1005 = arith.index_cast %add3A_1004 : i32 to index
      %get3A_1006 = tpu.vector_load %arg5[%get3A_1005] {strides = array<i32>} : memref<62560xf32, #tpu.memory_space<vmem>>, vector<16xf32>,
      %get3A_1007 = vector.shape_cast %get3A_1006 : vector<16xf32> to vector<16xf32>
      %exp3A_1008 = math.exp %get3A_1007 : vector<16xf32>
      %add3A_1009 = arith.addf %add3A_953, %exp3A_1008 : vector<16xf32>
      %add3A_1010 = arith.constant 400 : i32
      %add3A_1011 = arith.addi %add3A_835, %add3A_1010 : i32
      %get3A_1012 = arith.index_cast %add3A_1011 : i32 to index
      %get3A_1013 = tpu.vector_load %arg5[%get3A_1012] {strides = array<i32>} : memref<62560xf32, #tpu.memory_space<vmem>>, vector<16xf32>,
      %get3A_1014 = vector.shape_cast %get3A_1013 : vector<16xf32> to vector<16xf32>
      %exp3A_1015 = math.exp %get3A_1014 : vector<16xf32>
      %add3A_1016 = arith.addf %add3A_960, %exp3A_1015 : vector<16xf32>
      %add3A_1017 = arith.constant 416 : i32
      %add3A_1018 = arith.addi %add3A_835, %add3A_1017 : i32
      %get3A_1019 = arith.index_cast %add3A_1018 : i32 to index
      %get3A_1020 = tpu.vector_load %arg5[%get3A_1019] {strides = array<i32>} : memref<62560xf32, #tpu.memory_space<vmem>>, vector<16xf32>,
      %get3A_1021 = vector.shape_cast %get3A_1020 : vector<16xf32> to vector<16xf32>
      %exp3A_1022 = math.exp %get3A_1021 : vector<16xf32>
      %add3A_1023 = arith.addf %add3A_967, %exp3A_1022 : vector<16xf32>
      %add3A_1024 = arith.constant 432 : i32
      %add3A_1025 = arith.addi %add3A_835, %add3A_1024 : i32
      %get3A_1026 = arith.index_cast %add3A_1025 : i32 to index
      %get3A_1027 = tpu.vector_load %arg5[%get3A_1026] {strides = array<i32>} : memref<62560xf32, #tpu.memory_space<vmem>>, vector<16xf32>,
      %get3A_1028 = vector.shape_cast %get3A_1027 : vector<16xf32> to vector<16xf32>
      %exp3A_1029 = math.exp %get3A_1028 : vector<16xf32>
      %add3A_1030 = arith.addf %add3A_974, %exp3A_1029 : vector<16xf32>
      %add3A_1031 = arith.constant 448 : i32
      %add3A_1032 = arith.addi %add3A_835, %add3A_1031 : i32
      %get3A_1033 = arith.index_cast %add3A_1032 : i32 to index
      %get3A_1034 = tpu.vector_load %arg5[%get3A_1033] {strides = array<i32>} : memref<62560xf32, #tpu.memory_space<vmem>>, vector<16xf32>,
      %get3A_1035 = vector.shape_cast %get3A_1034 : vector<16xf32> to vector<16xf32>
      %exp3A_1036 = math.exp %get3A_1035 : vector<16xf32>
      %add3A_1037 = arith.addf %add3A_981, %exp3A_1036 : vector<16xf32>
      %add3A_1038 = arith.constant 464 : i32
      %add3A_1039 = arith.addi %add3A_835, %add3A_1038 : i32
      %get3A_1040 = arith.index_cast %add3A_1039 : i32 to index
      %get3A_1041 = tpu.vector_load %arg5[%get3A_1040] {strides = array<i32>} : memref<62560xf32, #tpu.memory_space<vmem>>, vector<16xf32>,
      %get3A_1042 = vector.shape_cast %get3A_1041 : vector<16xf32> to vector<16xf32>
      %exp3A_1043 = math.exp %get3A_1042 : vector<16xf32>
      %add3A_1044 = arith.addf %add3A_988, %exp3A_1043 : vector<16xf32>
      %add3A_1045 = arith.constant 480 : i32
      %add3A_1046 = arith.addi %add3A_835, %add3A_1045 : i32
      %get3A_1047 = arith.index_cast %add3A_1046 : i32 to index
      %get3A_1048 = tpu.vector_load %arg5[%get3A_1047] {strides = array<i32>} : memref<62560xf32, #tpu.memory_space<vmem>>, vector<16xf32>,
      %get3A_1049 = vector.shape_cast %get3A_1048 : vector<16xf32> to vector<16xf32>
      %exp3A_1050 = math.exp %get3A_1049 : vector<16xf32>
      %add3A_1051 = arith.addf %add3A_995, %exp3A_1050 : vector<16xf32>
      %add3A_1052 = arith.constant 496 : i32
      %add3A_1053 = arith.addi %add3A_835, %add3A_1052 : i32
      %get3A_1054 = arith.index_cast %add3A_1053 : i32 to index
      %get3A_1055 = tpu.vector_load %arg5[%get3A_1054] {strides = array<i32>} : memref<62560xf32, #tpu.memory_space<vmem>>, vector<16xf32>,
      %get3A_1056 = vector.shape_cast %get3A_1055 : vector<16xf32> to vector<16xf32>
      %exp3A_1057 = math.exp %get3A_1056 : vector<16xf32>
      %add3A_1058 = arith.addf %add3A_1002, %exp3A_1057 : vector<16xf32>
      %add3A_1059 = arith.constant 512 : i32
      %add3A_1060 = arith.addi %add3A_835, %add3A_1059 : i32
      %get3A_1061 = arith.index_cast %add3A_1060 : i32 to index
      %get3A_1062 = tpu.vector_load %arg5[%get3A_1061] {strides = array<i32>} : memref<62560xf32, #tpu.memory_space<vmem>>, vector<16xf32>,
      %get3A_1063 = vector.shape_cast %get3A_1062 : vector<16xf32> to vector<16xf32>
      %exp3A_1064 = math.exp %get3A_1063 : vector<16xf32>
      %add3A_1065 = arith.addf %add3A_1009, %exp3A_1064 : vector<16xf32>
      %add3A_1066 = arith.constant 528 : i32
      %add3A_1067 = arith.addi %add3A_835, %add3A_1066 : i32
      %get3A_1068 = arith.index_cast %add3A_1067 : i32 to index
      %get3A_1069 = tpu.vector_load %arg5[%get3A_1068] {strides = array<i32>} : memref<62560xf32, #tpu.memory_space<vmem>>, vector<16xf32>,
      %get3A_1070 = vector.shape_cast %get3A_1069 : vector<16xf32> to vector<16xf32>
      %exp3A_1071 = math.exp %get3A_1070 : vector<16xf32>
      %add3A_1072 = arith.addf %add3A_1016, %exp3A_1071 : vector<16xf32>
      %add3A_1073 = arith.constant 544 : i32
      %add3A_1074 = arith.addi %add3A_835, %add3A_1073 : i32
      %get3A_1075 = arith.index_cast %add3A_1074 : i32 to index
      %get3A_1076 = tpu.vector_load %arg5[%get3A_1075] {strides = array<i32>} : memref<62560xf32, #tpu.memory_space<vmem>>, vector<16xf32>,
      %get3A_1077 = vector.shape_cast %get3A_1076 : vector<16xf32> to vector<16xf32>
      %exp3A_1078 = math.exp %get3A_1077 : vector<16xf32>
      %add3A_1079 = arith.addf %add3A_1023, %exp3A_1078 : vector<16xf32>
      %add3A_1080 = arith.constant 560 : i32
      %add3A_1081 = arith.addi %add3A_835, %add3A_1080 : i32
      %get3A_1082 = arith.index_cast %add3A_1081 : i32 to index
      %get3A_1083 = tpu.vector_load %arg5[%get3A_1082] {strides = array<i32>} : memref<62560xf32, #tpu.memory_space<vmem>>, vector<16xf32>,
      %get3A_1084 = vector.shape_cast %get3A_1083 : vector<16xf32> to vector<16xf32>
      %exp3A_1085 = math.exp %get3A_1084 : vector<16xf32>
      %add3A_1086 = arith.addf %add3A_1030, %exp3A_1085 : vector<16xf32>
      %add3A_1087 = arith.constant 576 : i32
      %add3A_1088 = arith.addi %add3A_835, %add3A_1087 : i32
      %get3A_1089 = arith.index_cast %add3A_1088 : i32 to index
      %get3A_1090 = tpu.vector_load %arg5[%get3A_1089] {strides = array<i32>} : memref<62560xf32, #tpu.memory_space<vmem>>, vector<16xf32>,
      %get3A_1091 = vector.shape_cast %get3A_1090 : vector<16xf32> to vector<16xf32>
      %exp3A_1092 = math.exp %get3A_1091 : vector<16xf32>
      %add3A_1093 = arith.addf %add3A_1037, %exp3A_1092 : vector<16xf32>
      %add3A_1094 = arith.constant 592 : i32
      %add3A_1095 = arith.addi %add3A_835, %add3A_1094 : i32
      %get3A_1096 = arith.index_cast %add3A_1095 : i32 to index
      %get3A_1097 = tpu.vector_load %arg5[%get3A_1096] {strides = array<i32>} : memref<62560xf32, #tpu.memory_space<vmem>>, vector<16xf32>,
      %get3A_1098 = vector.shape_cast %get3A_1097 : vector<16xf32> to vector<16xf32>
      %exp3A_1099 = math.exp %get3A_1098 : vector<16xf32>
      %add3A_1100 = arith.addf %add3A_1044, %exp3A_1099 : vector<16xf32>
      %add3A_1101 = arith.constant 608 : i32
      %add3A_1102 = arith.addi %add3A_835, %add3A_1101 : i32
      %get3A_1103 = arith.index_cast %add3A_1102 : i32 to index
      %get3A_1104 = tpu.vector_load %arg5[%get3A_1103] {strides = array<i32>} : memref<62560xf32, #tpu.memory_space<vmem>>, vector<16xf32>,
      %get3A_1105 = vector.shape_cast %get3A_1104 : vector<16xf32> to vector<16xf32>
      %exp3A_1106 = math.exp %get3A_1105 : vector<16xf32>
      %add3A_1107 = arith.addf %add3A_1051, %exp3A_1106 : vector<16xf32>
      %add3A_1108 = arith.constant 624 : i32
      %add3A_1109 = arith.addi %add3A_835, %add3A_1108 : i32
      %get3A_1110 = arith.index_cast %add3A_1109 : i32 to index
      %get3A_1111 = tpu.vector_load %arg5[%get3A_1110] {strides = array<i32>} : memref<62560xf32, #tpu.memory_space<vmem>>, vector<16xf32>,
      %get3A_1112 = vector.shape_cast %get3A_1111 : vector<16xf32> to vector<16xf32>
      %exp3A_1113 = math.exp %get3A_1112 : vector<16xf32>
      %add3A_1114 = arith.addf %add3A_1058, %exp3A_1113 : vector<16xf32>
      %add3A_1115 = arith.constant 640 : i32
      %add3A_1116 = arith.addi %add3A_835, %add3A_1115 : i32
      %get3A_1117 = arith.index_cast %add3A_1116 : i32 to index
      %get3A_1118 = tpu.vector_load %arg5[%get3A_1117] {strides = array<i32>} : memref<62560xf32, #tpu.memory_space<vmem>>, vector<16xf32>,
      %get3A_1119 = vector.shape_cast %get3A_1118 : vector<16xf32> to vector<16xf32>
      %exp3A_1120 = math.exp %get3A_1119 : vector<16xf32>
      %add3A_1121 = arith.addf %add3A_1065, %exp3A_1120 : vector<16xf32>
      %add3A_1122 = arith.constant 656 : i32
      %add3A_1123 = arith.addi %add3A_835, %add3A_1122 : i32
      %get3A_1124 = arith.index_cast %add3A_1123 : i32 to index
      %get3A_1125 = tpu.vector_load %arg5[%get3A_1124] {strides = array<i32>} : memref<62560xf32, #tpu.memory_space<vmem>>, vector<16xf32>,
      %get3A_1126 = vector.shape_cast %get3A_1125 : vector<16xf32> to vector<16xf32>
      %exp3A_1127 = math.exp %get3A_1126 : vector<16xf32>
      %add3A_1128 = arith.addf %add3A_1072, %exp3A_1127 : vector<16xf32>
      scf.yield %add3A_1121, %add3A_1128, %add3A_1079, %add3A_1086, %add3A_1093, %add3A_1100, %add3A_1107, %add3A_1114 : vector<16xf32>, vector<16xf32>, vector<16xf32>, vector<16xf32>, vector<16xf32>, vector<16xf32>, vector<16xf32>, vector<16xf32>
    }
    %scan3A_118 = arith.constant 31 : i32
    %add3A_119 = arith.addf %scan3A_117#0, %scan3A_117#1 : vector<16xf32>
    %add3A_120 = arith.addf %scan3A_117#2, %scan3A_117#3 : vector<16xf32>
    %add3A_121 = arith.addf %add3A_119, %add3A_120 : vector<16xf32>
    %add3A_122 = arith.addf %scan3A_117#4, %scan3A_117#5 : vector<16xf32>
    %add3A_123 = arith.addf %scan3A_117#6, %scan3A_117#7 : vector<16xf32>
    %add3A_124 = arith.addf %add3A_122, %add3A_123 : vector<16xf32>
    %add3A_125 = arith.addf %add3A_121, %add3A_124 : vector<16xf32>
    %swap3A = arith.constant 0 : index
    %swap3A_126 = tpu.vector_load %arg8[%swap3A] {strides = array<i32>} : memref<16xf32, #tpu.memory_space<vmem>>, vector<16xf32>,
    %swap3A_127 = vector.shape_cast %swap3A_126 : vector<16xf32> to vector<16xf32>
    %swap3A_128 = vector.shape_cast %add3A_125 : vector<16xf32> to vector<16xf32>
    tpu.vector_store %arg8[%swap3A], %swap3A_128 {strides = array<i32>} : memref<16xf32, #tpu.memory_space<vmem>>, vector<16xf32>,
    %eq3A_129 = arith.constant 15 : i32
    %eq3A_130 = arith.cmpi eq, %arg1, %eq3A_129 : i32
    %convert_element_type3A_131 = arith.extui %eq3A_130 : i1 to i32
    %cond3A_132 = arith.constant 0 : i32
    %cond3A_133 = arith.cmpi ne, %convert_element_type3A_131, %cond3A_132 : i32
    scf.if %cond3A_133 {
      %dma_wait3A_823 = arith.constant 62496 : i32
      %dma_wait3A_824 = tpu.memref_slice %arg5[%dma_wait3A_823] : memref<62560xf32, #tpu.memory_space<vmem>> -> memref<64xf32, #tpu.memory_space<vmem>>
      %dma_wait3A_825 = arith.constant 999936 : i32
      %dma_wait3A_826 = tpu.memref_slice %arg2[%dma_wait3A_825] : memref<1000000xf32, #tpu.memory_space<hbm>> -> memref<64xf32, #tpu.memory_space<hbm>>
      %dma_wait3A_827 = arith.constant 62496 : i32
      %dma_wait3A_828 = tpu.memref_slice %arg5[%dma_wait3A_827] : memref<62560xf32, #tpu.memory_space<vmem>> -> memref<64xf32, #tpu.memory_space<vmem>>
      %dma_wait3A_829 = arith.constant 999936 : i32
      %dma_wait3A_830 = tpu.memref_slice %arg2[%dma_wait3A_829] : memref<1000000xf32, #tpu.memory_space<hbm>> -> memref<64xf32, #tpu.memory_space<hbm>>
      tpu.wait_dma2 semaphore(%arg14 : memref<!tpu.dma_semaphore, #tpu.memory_space<semaphore_mem>>) src(%dma_wait3A_830 : memref<64xf32, #tpu.memory_space<hbm>>) dst(%dma_wait3A_828 : memref<64xf32, #tpu.memory_space<vmem>>)
      %get3A_831 = arith.constant 0 : index
      %get3A_832 = tpu.vector_load %arg8[%get3A_831] {strides = array<i32>} : memref<16xf32, #tpu.memory_space<vmem>>, vector<16xf32>,
      %get3A_833 = vector.shape_cast %get3A_832 : vector<16xf32> to vector<16xf32>
      %get3A_834 = arith.constant 62496 : index
      %get3A_835 = tpu.vector_load %arg5[%get3A_834] {strides = array<i32>} : memref<62560xf32, #tpu.memory_space<vmem>>, vector<16xf32>,
      %get3A_836 = vector.shape_cast %get3A_835 : vector<16xf32> to vector<16xf32>
      %exp3A = math.exp %get3A_836 : vector<16xf32>
      %add3A_837 = arith.addf %get3A_833, %exp3A : vector<16xf32>
      %swap3A_838 = arith.constant 0 : index
      %swap3A_839 = tpu.vector_load %arg8[%swap3A_838] {strides = array<i32>} : memref<16xf32, #tpu.memory_space<vmem>>, vector<16xf32>,
      %swap3A_840 = vector.shape_cast %swap3A_839 : vector<16xf32> to vector<16xf32>
      %swap3A_841 = vector.shape_cast %add3A_837 : vector<16xf32> to vector<16xf32>
      tpu.vector_store %arg8[%swap3A_838], %swap3A_841 {strides = array<i32>} : memref<16xf32, #tpu.memory_space<vmem>>, vector<16xf32>,
      %get3A_842 = arith.constant 0 : index
      %get3A_843 = tpu.vector_load %arg8[%get3A_842] {strides = array<i32>} : memref<16xf32, #tpu.memory_space<vmem>>, vector<16xf32>,
      %get3A_844 = vector.shape_cast %get3A_843 : vector<16xf32> to vector<16xf32>
      %get3A_845 = arith.constant 62512 : index
      %get3A_846 = tpu.vector_load %arg5[%get3A_845] {strides = array<i32>} : memref<62560xf32, #tpu.memory_space<vmem>>, vector<16xf32>,
      %get3A_847 = vector.shape_cast %get3A_846 : vector<16xf32> to vector<16xf32>
      %exp3A_848 = math.exp %get3A_847 : vector<16xf32>
      %add3A_849 = arith.addf %get3A_844, %exp3A_848 : vector<16xf32>
      %swap3A_850 = arith.constant 0 : index
      %swap3A_851 = tpu.vector_load %arg8[%swap3A_850] {strides = array<i32>} : memref<16xf32, #tpu.memory_space<vmem>>, vector<16xf32>,
      %swap3A_852 = vector.shape_cast %swap3A_851 : vector<16xf32> to vector<16xf32>
      %swap3A_853 = vector.shape_cast %add3A_849 : vector<16xf32> to vector<16xf32>
      tpu.vector_store %arg8[%swap3A_850], %swap3A_853 {strides = array<i32>} : memref<16xf32, #tpu.memory_space<vmem>>, vector<16xf32>,
      %get3A_854 = arith.constant 0 : index
      %get3A_855 = tpu.vector_load %arg8[%get3A_854] {strides = array<i32>} : memref<16xf32, #tpu.memory_space<vmem>>, vector<16xf32>,
      %get3A_856 = vector.shape_cast %get3A_855 : vector<16xf32> to vector<16xf32>
      %get3A_857 = arith.constant 62528 : index
      %get3A_858 = tpu.vector_load %arg5[%get3A_857] {strides = array<i32>} : memref<62560xf32, #tpu.memory_space<vmem>>, vector<16xf32>,
      %get3A_859 = vector.shape_cast %get3A_858 : vector<16xf32> to vector<16xf32>
      %exp3A_860 = math.exp %get3A_859 : vector<16xf32>
      %add3A_861 = arith.addf %get3A_856, %exp3A_860 : vector<16xf32>
      %swap3A_862 = arith.constant 0 : index
      %swap3A_863 = tpu.vector_load %arg8[%swap3A_862] {strides = array<i32>} : memref<16xf32, #tpu.memory_space<vmem>>, vector<16xf32>,
      %swap3A_864 = vector.shape_cast %swap3A_863 : vector<16xf32> to vector<16xf32>
      %swap3A_865 = vector.shape_cast %add3A_861 : vector<16xf32> to vector<16xf32>
      tpu.vector_store %arg8[%swap3A_862], %swap3A_865 {strides = array<i32>} : memref<16xf32, #tpu.memory_space<vmem>>, vector<16xf32>,
      %get3A_866 = arith.constant 0 : index
      %get3A_867 = tpu.vector_load %arg8[%get3A_866] {strides = array<i32>} : memref<16xf32, #tpu.memory_space<vmem>>, vector<16xf32>,
      %get3A_868 = vector.shape_cast %get3A_867 : vector<16xf32> to vector<16xf32>
      %get3A_869 = arith.constant 62544 : index
      %get3A_870 = tpu.vector_load %arg5[%get3A_869] {strides = array<i32>} : memref<62560xf32, #tpu.memory_space<vmem>>, vector<16xf32>,
      %get3A_871 = vector.shape_cast %get3A_870 : vector<16xf32> to vector<16xf32>
      %exp3A_872 = math.exp %get3A_871 : vector<16xf32>
      %add3A_873 = arith.addf %get3A_868, %exp3A_872 : vector<16xf32>
      %swap3A_874 = arith.constant 0 : index
      %swap3A_875 = tpu.vector_load %arg8[%swap3A_874] {strides = array<i32>} : memref<16xf32, #tpu.memory_space<vmem>>, vector<16xf32>,
      %swap3A_876 = vector.shape_cast %swap3A_875 : vector<16xf32> to vector<16xf32>
      %swap3A_877 = vector.shape_cast %add3A_873 : vector<16xf32> to vector<16xf32>
      tpu.vector_store %arg8[%swap3A_874], %swap3A_877 {strides = array<i32>} : memref<16xf32, #tpu.memory_space<vmem>>, vector<16xf32>,
    } else {
    }
    "tpu.region"() ({
      %run_scoped3A = tpu.sem_alloc : memref<!tpu.dma_semaphore, #tpu.memory_space<semaphore_mem>>
      %dma_start3A_823 = arith.constant 0 : i32
      %dma_start3A_824 = tpu.memref_slice %arg10[%arg1, %dma_start3A_823] : memref<16x128xf32, #tpu.memory_space<vmem_shared>> -> memref<1x16xf32, #tpu.memory_space<vmem_shared>>
      %dma_start3A_825 = tpu.memref_squeeze %dma_start3A_824 : memref<1x16xf32, #tpu.memory_space<vmem_shared>> -> memref<16xf32, #tpu.memory_space<vmem_shared>>
      %dma_start3A_826 = arith.constant 0 : i32
      %dma_start3A_827 = tpu.memref_slice %arg10[%arg1, %dma_start3A_826] : memref<16x128xf32, #tpu.memory_space<vmem_shared>> -> memref<1x16xf32, #tpu.memory_space<vmem_shared>>
      %dma_start3A_828 = tpu.memref_squeeze %dma_start3A_827 : memref<1x16xf32, #tpu.memory_space<vmem_shared>> -> memref<16xf32, #tpu.memory_space<vmem_shared>>
      tpu.enqueue_dma source(%arg8 : memref<16xf32, #tpu.memory_space<vmem>>) target(%dma_start3A_828 : memref<16xf32, #tpu.memory_space<vmem_shared>>) target_semaphore(%run_scoped3A : memref<!tpu.dma_semaphore, #tpu.memory_space<semaphore_mem>>)
      %dma_wait3A_829 = arith.constant 0 : i32
      %dma_wait3A_830 = tpu.memref_slice %arg10[%arg1, %dma_wait3A_829] : memref<16x128xf32, #tpu.memory_space<vmem_shared>> -> memref<1x16xf32, #tpu.memory_space<vmem_shared>>
      %dma_wait3A_831 = tpu.memref_squeeze %dma_wait3A_830 : memref<1x16xf32, #tpu.memory_space<vmem_shared>> -> memref<16xf32, #tpu.memory_space<vmem_shared>>
      %dma_wait3A_832 = arith.constant 0 : i32
      %dma_wait3A_833 = tpu.memref_slice %arg10[%arg1, %dma_wait3A_832] : memref<16x128xf32, #tpu.memory_space<vmem_shared>> -> memref<1x16xf32, #tpu.memory_space<vmem_shared>>
      %dma_wait3A_834 = tpu.memref_squeeze %dma_wait3A_833 : memref<1x16xf32, #tpu.memory_space<vmem_shared>> -> memref<16xf32, #tpu.memory_space<vmem_shared>>
      tpu.wait_dma2 semaphore(%run_scoped3A : memref<!tpu.dma_semaphore, #tpu.memory_space<semaphore_mem>>) src(%arg8 : memref<16xf32, #tpu.memory_space<vmem>>) dst(%dma_wait3A_834 : memref<16xf32, #tpu.memory_space<vmem_shared>>)
      tpu.yield
    }) : () -> ()
    %barrier3A = arith.constant 0 : index
    tpu.barrier barrier_id(%barrier3A)
    "tpu.region"() ({
      %run_scoped3A = tpu.sem_alloc : memref<!tpu.dma_semaphore, #tpu.memory_space<semaphore_mem>>
      tpu.enqueue_dma source(%arg10 : memref<16x128xf32, #tpu.memory_space<vmem_shared>>) target(%arg9 : memref<16x128xf32, #tpu.memory_space<vmem>>) target_semaphore(%run_scoped3A : memref<!tpu.dma_semaphore, #tpu.memory_space<semaphore_mem>>)
      tpu.wait_dma2 semaphore(%run_scoped3A : memref<!tpu.dma_semaphore, #tpu.memory_space<semaphore_mem>>) src(%arg10 : memref<16x128xf32, #tpu.memory_space<vmem_shared>>) dst(%arg9 : memref<16x128xf32, #tpu.memory_space<vmem>>)
      tpu.yield
    }) : () -> ()
    %get3A = arith.constant 0 : i32
    %get3A_134 = arith.index_cast %get3A : i32 to index
    %get3A_135 = arith.constant 0 : index
    %get3A_136 = tpu.vector_load %arg9[%get3A_134, %get3A_135] {strides = array<i32>} : memref<16x128xf32, #tpu.memory_space<vmem>>, vector<1x16xf32>,
    %get3A_137 = vector.shape_cast %get3A_136 : vector<1x16xf32> to vector<16xf32>
    %get3A_138 = arith.constant 1 : i32
    %get3A_139 = arith.index_cast %get3A_138 : i32 to index
    %get3A_140 = arith.constant 0 : index
    %get3A_141 = tpu.vector_load %arg9[%get3A_139, %get3A_140] {strides = array<i32>} : memref<16x128xf32, #tpu.memory_space<vmem>>, vector<1x16xf32>,
    %get3A_142 = vector.shape_cast %get3A_141 : vector<1x16xf32> to vector<16xf32>
    %add3A_143 = arith.addf %get3A_137, %get3A_142 : vector<16xf32>
    %get3A_144 = arith.constant 2 : i32
    %get3A_145 = arith.index_cast %get3A_144 : i32 to index
    %get3A_146 = arith.constant 0 : index
    %get3A_147 = tpu.vector_load %arg9[%get3A_145, %get3A_146] {strides = array<i32>} : memref<16x128xf32, #tpu.memory_space<vmem>>, vector<1x16xf32>,
    %get3A_148 = vector.shape_cast %get3A_147 : vector<1x16xf32> to vector<16xf32>
    %add3A_149 = arith.addf %add3A_143, %get3A_148 : vector<16xf32>
    %get3A_150 = arith.constant 3 : i32
    %get3A_151 = arith.index_cast %get3A_150 : i32 to index
    %get3A_152 = arith.constant 0 : index
    %get3A_153 = tpu.vector_load %arg9[%get3A_151, %get3A_152] {strides = array<i32>} : memref<16x128xf32, #tpu.memory_space<vmem>>, vector<1x16xf32>,
    %get3A_154 = vector.shape_cast %get3A_153 : vector<1x16xf32> to vector<16xf32>
    %add3A_155 = arith.addf %add3A_149, %get3A_154 : vector<16xf32>
    %get3A_156 = arith.constant 4 : i32
    %get3A_157 = arith.index_cast %get3A_156 : i32 to index
    %get3A_158 = arith.constant 0 : index
    %get3A_159 = tpu.vector_load %arg9[%get3A_157, %get3A_158] {strides = array<i32>} : memref<16x128xf32, #tpu.memory_space<vmem>>, vector<1x16xf32>,
    %get3A_160 = vector.shape_cast %get3A_159 : vector<1x16xf32> to vector<16xf32>
    %add3A_161 = arith.addf %add3A_155, %get3A_160 : vector<16xf32>
    %get3A_162 = arith.constant 5 : i32
    %get3A_163 = arith.index_cast %get3A_162 : i32 to index
    %get3A_164 = arith.constant 0 : index
    %get3A_165 = tpu.vector_load %arg9[%get3A_163, %get3A_164] {strides = array<i32>} : memref<16x128xf32, #tpu.memory_space<vmem>>, vector<1x16xf32>,
    %get3A_166 = vector.shape_cast %get3A_165 : vector<1x16xf32> to vector<16xf32>
    %add3A_167 = arith.addf %add3A_161, %get3A_166 : vector<16xf32>
    %get3A_168 = arith.constant 6 : i32
    %get3A_169 = arith.index_cast %get3A_168 : i32 to index
    %get3A_170 = arith.constant 0 : index
    %get3A_171 = tpu.vector_load %arg9[%get3A_169, %get3A_170] {strides = array<i32>} : memref<16x128xf32, #tpu.memory_space<vmem>>, vector<1x16xf32>,
    %get3A_172 = vector.shape_cast %get3A_171 : vector<1x16xf32> to vector<16xf32>
    %add3A_173 = arith.addf %add3A_167, %get3A_172 : vector<16xf32>
    %get3A_174 = arith.constant 7 : i32
    %get3A_175 = arith.index_cast %get3A_174 : i32 to index
    %get3A_176 = arith.constant 0 : index
    %get3A_177 = tpu.vector_load %arg9[%get3A_175, %get3A_176] {strides = array<i32>} : memref<16x128xf32, #tpu.memory_space<vmem>>, vector<1x16xf32>,
    %get3A_178 = vector.shape_cast %get3A_177 : vector<1x16xf32> to vector<16xf32>
    %add3A_179 = arith.addf %add3A_173, %get3A_178 : vector<16xf32>
    %get3A_180 = arith.constant 8 : i32
    %get3A_181 = arith.index_cast %get3A_180 : i32 to index
    %get3A_182 = arith.constant 0 : index
    %get3A_183 = tpu.vector_load %arg9[%get3A_181, %get3A_182] {strides = array<i32>} : memref<16x128xf32, #tpu.memory_space<vmem>>, vector<1x16xf32>,
    %get3A_184 = vector.shape_cast %get3A_183 : vector<1x16xf32> to vector<16xf32>
    %add3A_185 = arith.addf %add3A_179, %get3A_184 : vector<16xf32>
    %get3A_186 = arith.constant 9 : i32
    %get3A_187 = arith.index_cast %get3A_186 : i32 to index
    %get3A_188 = arith.constant 0 : index
    %get3A_189 = tpu.vector_load %arg9[%get3A_187, %get3A_188] {strides = array<i32>} : memref<16x128xf32, #tpu.memory_space<vmem>>, vector<1x16xf32>,
    %get3A_190 = vector.shape_cast %get3A_189 : vector<1x16xf32> to vector<16xf32>
    %add3A_191 = arith.addf %add3A_185, %get3A_190 : vector<16xf32>
    %get3A_192 = arith.constant 10 : i32
    %get3A_193 = arith.index_cast %get3A_192 : i32 to index
    %get3A_194 = arith.constant 0 : index
    %get3A_195 = tpu.vector_load %arg9[%get3A_193, %get3A_194] {strides = array<i32>} : memref<16x128xf32, #tpu.memory_space<vmem>>, vector<1x16xf32>,
    %get3A_196 = vector.shape_cast %get3A_195 : vector<1x16xf32> to vector<16xf32>
    %add3A_197 = arith.addf %add3A_191, %get3A_196 : vector<16xf32>
    %get3A_198 = arith.constant 11 : i32
    %get3A_199 = arith.index_cast %get3A_198 : i32 to index
    %get3A_200 = arith.constant 0 : index
    %get3A_201 = tpu.vector_load %arg9[%get3A_199, %get3A_200] {strides = array<i32>} : memref<16x128xf32, #tpu.memory_space<vmem>>, vector<1x16xf32>,
    %get3A_202 = vector.shape_cast %get3A_201 : vector<1x16xf32> to vector<16xf32>
    %add3A_203 = arith.addf %add3A_197, %get3A_202 : vector<16xf32>
    %get3A_204 = arith.constant 12 : i32
    %get3A_205 = arith.index_cast %get3A_204 : i32 to index
    %get3A_206 = arith.constant 0 : index
    %get3A_207 = tpu.vector_load %arg9[%get3A_205, %get3A_206] {strides = array<i32>} : memref<16x128xf32, #tpu.memory_space<vmem>>, vector<1x16xf32>,
    %get3A_208 = vector.shape_cast %get3A_207 : vector<1x16xf32> to vector<16xf32>
    %add3A_209 = arith.addf %add3A_203, %get3A_208 : vector<16xf32>
    %get3A_210 = arith.constant 13 : i32
    %get3A_211 = arith.index_cast %get3A_210 : i32 to index
    %get3A_212 = arith.constant 0 : index
    %get3A_213 = tpu.vector_load %arg9[%get3A_211, %get3A_212] {strides = array<i32>} : memref<16x128xf32, #tpu.memory_space<vmem>>, vector<1x16xf32>,
    %get3A_214 = vector.shape_cast %get3A_213 : vector<1x16xf32> to vector<16xf32>
    %add3A_215 = arith.addf %add3A_209, %get3A_214 : vector<16xf32>
    %get3A_216 = arith.constant 14 : i32
    %get3A_217 = arith.index_cast %get3A_216 : i32 to index
    %get3A_218 = arith.constant 0 : index
    %get3A_219 = tpu.vector_load %arg9[%get3A_217, %get3A_218] {strides = array<i32>} : memref<16x128xf32, #tpu.memory_space<vmem>>, vector<1x16xf32>,
    %get3A_220 = vector.shape_cast %get3A_219 : vector<1x16xf32> to vector<16xf32>
    %add3A_221 = arith.addf %add3A_215, %get3A_220 : vector<16xf32>
    %get3A_222 = arith.constant 15 : i32
    %get3A_223 = arith.index_cast %get3A_222 : i32 to index
    %get3A_224 = arith.constant 0 : index
    %get3A_225 = tpu.vector_load %arg9[%get3A_223, %get3A_224] {strides = array<i32>} : memref<16x128xf32, #tpu.memory_space<vmem>>, vector<1x16xf32>,
    %get3A_226 = vector.shape_cast %get3A_225 : vector<1x16xf32> to vector<16xf32>
    %add3A_227 = arith.addf %add3A_221, %get3A_226 : vector<16xf32>
    %iota3A = tpu.iota {dimensions = array<i32: 0>} : vector<16xi32>
    %add3A_228 = arith.constant 8 : i32
    %add3A_229 = vector.broadcast %add3A_228 : i32 to vector<16xi32>
    %add3A_230 = arith.addi %iota3A, %add3A_229 : vector<16xi32>
    %and3A = arith.constant 15 : i32
    %and3A_231 = vector.broadcast %and3A : i32 to vector<16xi32>
    %and3A_232 = arith.andi %add3A_230, %and3A_231 : vector<16xi32>
    %reshape3A = vector.shape_cast %and3A_232 : vector<16xi32> to vector<16x1xi32>
    %gather3A = vector.shape_cast %reshape3A : vector<16x1xi32> to vector<16xi32>
    %gather3A_233 = tpu.dynamic_gather %add3A_227[%gather3A] in [0] : vector<16xf32>, vector<16xi32> -> vector<16xf32>
    %add3A_234 = arith.addf %add3A_227, %gather3A_233 : vector<16xf32>
    %iota3A_235 = tpu.iota {dimensions = array<i32: 0>} : vector<16xi32>
    %add3A_236 = arith.constant 4 : i32
    %add3A_237 = vector.broadcast %add3A_236 : i32 to vector<16xi32>
    %add3A_238 = arith.addi %iota3A_235, %add3A_237 : vector<16xi32>
    %and3A_239 = arith.constant 15 : i32
    %and3A_240 = vector.broadcast %and3A_239 : i32 to vector<16xi32>
    %and3A_241 = arith.andi %add3A_238, %and3A_240 : vector<16xi32>
    %reshape3A_242 = vector.shape_cast %and3A_241 : vector<16xi32> to vector<16x1xi32>
    %gather3A_243 = vector.shape_cast %reshape3A_242 : vector<16x1xi32> to vector<16xi32>
    %gather3A_244 = tpu.dynamic_gather %add3A_234[%gather3A_243] in [0] : vector<16xf32>, vector<16xi32> -> vector<16xf32>
    %add3A_245 = arith.addf %add3A_234, %gather3A_244 : vector<16xf32>
    %iota3A_246 = tpu.iota {dimensions = array<i32: 0>} : vector<16xi32>
    %add3A_247 = arith.constant 2 : i32
    %add3A_248 = vector.broadcast %add3A_247 : i32 to vector<16xi32>
    %add3A_249 = arith.addi %iota3A_246, %add3A_248 : vector<16xi32>
    %and3A_250 = arith.constant 15 : i32
    %and3A_251 = vector.broadcast %and3A_250 : i32 to vector<16xi32>
    %and3A_252 = arith.andi %add3A_249, %and3A_251 : vector<16xi32>
    %reshape3A_253 = vector.shape_cast %and3A_252 : vector<16xi32> to vector<16x1xi32>
    %gather3A_254 = vector.shape_cast %reshape3A_253 : vector<16x1xi32> to vector<16xi32>
    %gather3A_255 = tpu.dynamic_gather %add3A_245[%gather3A_254] in [0] : vector<16xf32>, vector<16xi32> -> vector<16xf32>
    %add3A_256 = arith.addf %add3A_245, %gather3A_255 : vector<16xf32>
    %iota3A_257 = tpu.iota {dimensions = array<i32: 0>} : vector<16xi32>
    %add3A_258 = arith.constant 1 : i32
    %add3A_259 = vector.broadcast %add3A_258 : i32 to vector<16xi32>
    %add3A_260 = arith.addi %iota3A_257, %add3A_259 : vector<16xi32>
    %and3A_261 = arith.constant 15 : i32
    %and3A_262 = vector.broadcast %and3A_261 : i32 to vector<16xi32>
    %and3A_263 = arith.andi %add3A_260, %and3A_262 : vector<16xi32>
    %reshape3A_264 = vector.shape_cast %and3A_263 : vector<16xi32> to vector<16x1xi32>
    %gather3A_265 = vector.shape_cast %reshape3A_264 : vector<16x1xi32> to vector<16xi32>
    %gather3A_266 = tpu.dynamic_gather %add3A_256[%gather3A_265] in [0] : vector<16xf32>, vector<16xi32> -> vector<16xf32>
    %add3A_267 = arith.addf %add3A_256, %gather3A_266 : vector<16xf32>
    %lt3A = arith.constant 1.000000e+00 : f32
    %lt3A_268 = vector.broadcast %lt3A : f32 to vector<16xf32>
    %lt3A_269 = arith.cmpf olt, %add3A_267, %lt3A_268 : vector<16xf32>
    %mul3A_270 = arith.constant 1.84467441E+19 : f32
    %mul3A_271 = vector.broadcast %mul3A_270 : f32 to vector<16xf32>
    %mul3A_272 = arith.mulf %add3A_267, %mul3A_271 : vector<16xf32>
    %select_n3A = arith.select %lt3A_269, %mul3A_272, %add3A_267 : vector<16xi1>, vector<16xf32>
    %jit3A = arith.constant -6.400000e+01 : f32
    %jit3A_273 = arith.constant 0.000000e+00 : f32
    %broadcast_in_dim3A_274 = vector.broadcast %jit3A : f32 to vector<16xf32>
    %broadcast_in_dim3A_275 = vector.broadcast %jit3A_273 : f32 to vector<16xf32>
    %select_n3A_276 = arith.select %lt3A_269, %broadcast_in_dim3A_274, %broadcast_in_dim3A_275 : vector<16xi1>, vector<16xf32>
    %ge3A = arith.constant 1.84467441E+19 : f32
    %ge3A_277 = vector.broadcast %ge3A : f32 to vector<16xf32>
    %ge3A_278 = arith.cmpf oge, %select_n3A, %ge3A_277 : vector<16xf32>
    %mul3A_279 = arith.constant 5.42101086E-20 : f32
    %mul3A_280 = vector.broadcast %mul3A_279 : f32 to vector<16xf32>
    %mul3A_281 = arith.mulf %select_n3A, %mul3A_280 : vector<16xf32>
    %select_n3A_282 = arith.select %ge3A_278, %mul3A_281, %select_n3A : vector<16xi1>, vector<16xf32>
    %jit3A_283 = arith.constant 6.400000e+01 : f32
    %jit3A_284 = arith.constant 0.000000e+00 : f32
    %broadcast_in_dim3A_285 = vector.broadcast %jit3A_283 : f32 to vector<16xf32>
    %broadcast_in_dim3A_286 = vector.broadcast %jit3A_284 : f32 to vector<16xf32>
    %select_n3A_287 = arith.select %ge3A_278, %broadcast_in_dim3A_285, %broadcast_in_dim3A_286 : vector<16xi1>, vector<16xf32>
    %add3A_288 = arith.addf %select_n3A_276, %select_n3A_287 : vector<16xf32>
    %ge3A_289 = arith.constant 4.2949673E+9 : f32
    %ge3A_290 = vector.broadcast %ge3A_289 : f32 to vector<16xf32>
    %ge3A_291 = arith.cmpf oge, %select_n3A_282, %ge3A_290 : vector<16xf32>
    %mul3A_292 = arith.constant 2.32830644E-10 : f32
    %mul3A_293 = vector.broadcast %mul3A_292 : f32 to vector<16xf32>
    %mul3A_294 = arith.mulf %select_n3A_282, %mul3A_293 : vector<16xf32>
    %select_n3A_295 = arith.select %ge3A_291, %mul3A_294, %select_n3A_282 : vector<16xi1>, vector<16xf32>
    %jit3A_296 = arith.constant 3.200000e+01 : f32
    %jit3A_297 = arith.constant 0.000000e+00 : f32
    %broadcast_in_dim3A_298 = vector.broadcast %jit3A_296 : f32 to vector<16xf32>
    %broadcast_in_dim3A_299 = vector.broadcast %jit3A_297 : f32 to vector<16xf32>
    %select_n3A_300 = arith.select %ge3A_291, %broadcast_in_dim3A_298, %broadcast_in_dim3A_299 : vector<16xi1>, vector<16xf32>
    %add3A_301 = arith.addf %add3A_288, %select_n3A_300 : vector<16xf32>
    %ge3A_302 = arith.constant 6.553600e+04 : f32
    %ge3A_303 = vector.broadcast %ge3A_302 : f32 to vector<16xf32>
    %ge3A_304 = arith.cmpf oge, %select_n3A_295, %ge3A_303 : vector<16xf32>
    %mul3A_305 = arith.constant 1.52587891E-5 : f32
    %mul3A_306 = vector.broadcast %mul3A_305 : f32 to vector<16xf32>
    %mul3A_307 = arith.mulf %select_n3A_295, %mul3A_306 : vector<16xf32>
    %select_n3A_308 = arith.select %ge3A_304, %mul3A_307, %select_n3A_295 : vector<16xi1>, vector<16xf32>
    %jit3A_309 = arith.constant 1.600000e+01 : f32
    %jit3A_310 = arith.constant 0.000000e+00 : f32
    %broadcast_in_dim3A_311 = vector.broadcast %jit3A_309 : f32 to vector<16xf32>
    %broadcast_in_dim3A_312 = vector.broadcast %jit3A_310 : f32 to vector<16xf32>
    %select_n3A_313 = arith.select %ge3A_304, %broadcast_in_dim3A_311, %broadcast_in_dim3A_312 : vector<16xi1>, vector<16xf32>
    %add3A_314 = arith.addf %add3A_301, %select_n3A_313 : vector<16xf32>
    %ge3A_315 = arith.constant 2.560000e+02 : f32
    %ge3A_316 = vector.broadcast %ge3A_315 : f32 to vector<16xf32>
    %ge3A_317 = arith.cmpf oge, %select_n3A_308, %ge3A_316 : vector<16xf32>
    %mul3A_318 = arith.constant 3.906250e-03 : f32
    %mul3A_319 = vector.broadcast %mul3A_318 : f32 to vector<16xf32>
    %mul3A_320 = arith.mulf %select_n3A_308, %mul3A_319 : vector<16xf32>
    %select_n3A_321 = arith.select %ge3A_317, %mul3A_320, %select_n3A_308 : vector<16xi1>, vector<16xf32>
    %jit3A_322 = arith.constant 8.000000e+00 : f32
    %jit3A_323 = arith.constant 0.000000e+00 : f32
    %broadcast_in_dim3A_324 = vector.broadcast %jit3A_322 : f32 to vector<16xf32>
    %broadcast_in_dim3A_325 = vector.broadcast %jit3A_323 : f32 to vector<16xf32>
    %select_n3A_326 = arith.select %ge3A_317, %broadcast_in_dim3A_324, %broadcast_in_dim3A_325 : vector<16xi1>, vector<16xf32>
    %add3A_327 = arith.addf %add3A_314, %select_n3A_326 : vector<16xf32>
    %ge3A_328 = arith.constant 1.600000e+01 : f32
    %ge3A_329 = vector.broadcast %ge3A_328 : f32 to vector<16xf32>
    %ge3A_330 = arith.cmpf oge, %select_n3A_321, %ge3A_329 : vector<16xf32>
    %mul3A_331 = arith.constant 6.250000e-02 : f32
    %mul3A_332 = vector.broadcast %mul3A_331 : f32 to vector<16xf32>
    %mul3A_333 = arith.mulf %select_n3A_321, %mul3A_332 : vector<16xf32>
    %select_n3A_334 = arith.select %ge3A_330, %mul3A_333, %select_n3A_321 : vector<16xi1>, vector<16xf32>
    %jit3A_335 = arith.constant 4.000000e+00 : f32
    %jit3A_336 = arith.constant 0.000000e+00 : f32
    %broadcast_in_dim3A_337 = vector.broadcast %jit3A_335 : f32 to vector<16xf32>
    %broadcast_in_dim3A_338 = vector.broadcast %jit3A_336 : f32 to vector<16xf32>
    %select_n3A_339 = arith.select %ge3A_330, %broadcast_in_dim3A_337, %broadcast_in_dim3A_338 : vector<16xi1>, vector<16xf32>
    %add3A_340 = arith.addf %add3A_327, %select_n3A_339 : vector<16xf32>
    %ge3A_341 = arith.constant 4.000000e+00 : f32
    %ge3A_342 = vector.broadcast %ge3A_341 : f32 to vector<16xf32>
    %ge3A_343 = arith.cmpf oge, %select_n3A_334, %ge3A_342 : vector<16xf32>
    %mul3A_344 = arith.constant 2.500000e-01 : f32
    %mul3A_345 = vector.broadcast %mul3A_344 : f32 to vector<16xf32>
    %mul3A_346 = arith.mulf %select_n3A_334, %mul3A_345 : vector<16xf32>
    %select_n3A_347 = arith.select %ge3A_343, %mul3A_346, %select_n3A_334 : vector<16xi1>, vector<16xf32>
    %jit3A_348 = arith.constant 2.000000e+00 : f32
    %jit3A_349 = arith.constant 0.000000e+00 : f32
    %broadcast_in_dim3A_350 = vector.broadcast %jit3A_348 : f32 to vector<16xf32>
    %broadcast_in_dim3A_351 = vector.broadcast %jit3A_349 : f32 to vector<16xf32>
    %select_n3A_352 = arith.select %ge3A_343, %broadcast_in_dim3A_350, %broadcast_in_dim3A_351 : vector<16xi1>, vector<16xf32>
    %add3A_353 = arith.addf %add3A_340, %select_n3A_352 : vector<16xf32>
    %ge3A_354 = arith.constant 2.000000e+00 : f32
    %ge3A_355 = vector.broadcast %ge3A_354 : f32 to vector<16xf32>
    %ge3A_356 = arith.cmpf oge, %select_n3A_347, %ge3A_355 : vector<16xf32>
    %mul3A_357 = arith.constant 5.000000e-01 : f32
    %mul3A_358 = vector.broadcast %mul3A_357 : f32 to vector<16xf32>
    %mul3A_359 = arith.mulf %select_n3A_347, %mul3A_358 : vector<16xf32>
    %select_n3A_360 = arith.select %ge3A_356, %mul3A_359, %select_n3A_347 : vector<16xi1>, vector<16xf32>
    %jit3A_361 = arith.constant 1.000000e+00 : f32
    %jit3A_362 = arith.constant 0.000000e+00 : f32
    %broadcast_in_dim3A_363 = vector.broadcast %jit3A_361 : f32 to vector<16xf32>
    %broadcast_in_dim3A_364 = vector.broadcast %jit3A_362 : f32 to vector<16xf32>
    %select_n3A_365 = arith.select %ge3A_356, %broadcast_in_dim3A_363, %broadcast_in_dim3A_364 : vector<16xi1>, vector<16xf32>
    %add3A_366 = arith.addf %add3A_353, %select_n3A_365 : vector<16xf32>
    %sub3A = arith.constant 1.000000e+00 : f32
    %sub3A_367 = vector.broadcast %sub3A : f32 to vector<16xf32>
    %sub3A_368 = arith.subf %select_n3A_360, %sub3A_367 : vector<16xf32>
    %add3A_369 = arith.constant 1.000000e+00 : f32
    %add3A_370 = vector.broadcast %add3A_369 : f32 to vector<16xf32>
    %add3A_371 = arith.addf %select_n3A_360, %add3A_370 : vector<16xf32>
    %div3A = arith.divf %sub3A_368, %add3A_371 : vector<16xf32>
    %mul3A_372 = arith.mulf %div3A, %div3A : vector<16xf32>
    %div3A_373 = arith.constant 9.000000e+00 : f32
    %div3A_374 = vector.broadcast %div3A_373 : f32 to vector<16xf32>
    %div3A_375 = arith.divf %mul3A_372, %div3A_374 : vector<16xf32>
    %add3A_376 = arith.constant 0.142857149 : f32
    %add3A_377 = vector.broadcast %add3A_376 : f32 to vector<16xf32>
    %add3A_378 = arith.addf %add3A_377, %div3A_375 : vector<16xf32>
    %mul3A_379 = arith.mulf %mul3A_372, %add3A_378 : vector<16xf32>
    %add3A_380 = arith.constant 2.000000e-01 : f32
    %add3A_381 = vector.broadcast %add3A_380 : f32 to vector<16xf32>
    %add3A_382 = arith.addf %add3A_381, %mul3A_379 : vector<16xf32>
    %mul3A_383 = arith.mulf %mul3A_372, %add3A_382 : vector<16xf32>
    %add3A_384 = arith.constant 0.333333343 : f32
    %add3A_385 = vector.broadcast %add3A_384 : f32 to vector<16xf32>
    %add3A_386 = arith.addf %add3A_385, %mul3A_383 : vector<16xf32>
    %mul3A_387 = arith.mulf %mul3A_372, %add3A_386 : vector<16xf32>
    %add3A_388 = arith.constant 1.000000e+00 : f32
    %add3A_389 = vector.broadcast %add3A_388 : f32 to vector<16xf32>
    %add3A_390 = arith.addf %add3A_389, %mul3A_387 : vector<16xf32>
    %mul3A_391 = arith.constant 0.693147182 : f32
    %mul3A_392 = vector.broadcast %mul3A_391 : f32 to vector<16xf32>
    %mul3A_393 = arith.mulf %add3A_366, %mul3A_392 : vector<16xf32>
    %mul3A_394 = arith.constant 2.000000e+00 : f32
    %mul3A_395 = vector.broadcast %mul3A_394 : f32 to vector<16xf32>
    %mul3A_396 = arith.mulf %mul3A_395, %div3A : vector<16xf32>
    %mul3A_397 = arith.mulf %mul3A_396, %add3A_390 : vector<16xf32>
    %add3A_398 = arith.addf %mul3A_393, %mul3A_397 : vector<16xf32>
    %dma_wait3A_399 = arith.constant 0 : i32
    %dma_wait3A_400 = arith.constant 0 : i32
    %dma_wait3A_401 = arith.constant 0 : i32
    %dma_wait3A_402 = tpu.memref_slice %arg7[%dma_wait3A_400, %dma_wait3A_401] : memref<4x128xf32, #tpu.memory_space<vmem>> -> memref<1x128xf32, #tpu.memory_space<vmem>>
    %dma_wait3A_403 = tpu.memref_squeeze %dma_wait3A_402 : memref<1x128xf32, #tpu.memory_space<vmem>> -> memref<128xf32, #tpu.memory_space<vmem>>
    %dma_wait3A_404 = arith.constant 0 : i32
    %dma_wait3A_405 = tpu.memref_slice %arg6[%dma_wait3A_399, %dma_wait3A_404] : memref<4x128xi32, #tpu.memory_space<vmem>> -> memref<1x128xi32, #tpu.memory_space<vmem>>
    %dma_wait3A_406 = tpu.memref_squeeze %dma_wait3A_405 : memref<1x128xi32, #tpu.memory_space<vmem>> -> memref<128xi32, #tpu.memory_space<vmem>>
    %dma_wait3A_407 = arith.constant 0 : i32
    %dma_wait3A_408 = tpu.memref_slice %arg2[%dma_wait3A_407] : memref<1000000xf32, #tpu.memory_space<hbm>> -> memref<1000000xf32, #tpu.memory_space<hbm>>
    tpu.wait_indirect_dma semaphore(%arg11 : memref<!tpu.dma_semaphore, #tpu.memory_space<semaphore_mem>>) src(%dma_wait3A_408 : memref<1000000xf32, #tpu.memory_space<hbm>>) dst(%dma_wait3A_403 : memref<128xf32, #tpu.memory_space<vmem>>)
    %dma_wait3A_409 = arith.constant 1 : i32
    %dma_wait3A_410 = arith.constant 1 : i32
    %dma_wait3A_411 = arith.constant 0 : i32
    %dma_wait3A_412 = tpu.memref_slice %arg7[%dma_wait3A_410, %dma_wait3A_411] : memref<4x128xf32, #tpu.memory_space<vmem>> -> memref<1x128xf32, #tpu.memory_space<vmem>>
    %dma_wait3A_413 = tpu.memref_squeeze %dma_wait3A_412 : memref<1x128xf32, #tpu.memory_space<vmem>> -> memref<128xf32, #tpu.memory_space<vmem>>
    %dma_wait3A_414 = arith.constant 0 : i32
    %dma_wait3A_415 = tpu.memref_slice %arg6[%dma_wait3A_409, %dma_wait3A_414] : memref<4x128xi32, #tpu.memory_space<vmem>> -> memref<1x128xi32, #tpu.memory_space<vmem>>
    %dma_wait3A_416 = tpu.memref_squeeze %dma_wait3A_415 : memref<1x128xi32, #tpu.memory_space<vmem>> -> memref<128xi32, #tpu.memory_space<vmem>>
    %dma_wait3A_417 = arith.constant 0 : i32
    %dma_wait3A_418 = tpu.memref_slice %arg2[%dma_wait3A_417] : memref<1000000xf32, #tpu.memory_space<hbm>> -> memref<1000000xf32, #tpu.memory_space<hbm>>
    tpu.wait_indirect_dma semaphore(%arg11 : memref<!tpu.dma_semaphore, #tpu.memory_space<semaphore_mem>>) src(%dma_wait3A_418 : memref<1000000xf32, #tpu.memory_space<hbm>>) dst(%dma_wait3A_413 : memref<128xf32, #tpu.memory_space<vmem>>)
    %dma_wait3A_419 = arith.constant 2 : i32
    %dma_wait3A_420 = arith.constant 2 : i32
    %dma_wait3A_421 = arith.constant 0 : i32
    %dma_wait3A_422 = tpu.memref_slice %arg7[%dma_wait3A_420, %dma_wait3A_421] : memref<4x128xf32, #tpu.memory_space<vmem>> -> memref<1x128xf32, #tpu.memory_space<vmem>>
    %dma_wait3A_423 = tpu.memref_squeeze %dma_wait3A_422 : memref<1x128xf32, #tpu.memory_space<vmem>> -> memref<128xf32, #tpu.memory_space<vmem>>
    %dma_wait3A_424 = arith.constant 0 : i32
    %dma_wait3A_425 = tpu.memref_slice %arg6[%dma_wait3A_419, %dma_wait3A_424] : memref<4x128xi32, #tpu.memory_space<vmem>> -> memref<1x128xi32, #tpu.memory_space<vmem>>
    %dma_wait3A_426 = tpu.memref_squeeze %dma_wait3A_425 : memref<1x128xi32, #tpu.memory_space<vmem>> -> memref<128xi32, #tpu.memory_space<vmem>>
    %dma_wait3A_427 = arith.constant 0 : i32
    %dma_wait3A_428 = tpu.memref_slice %arg2[%dma_wait3A_427] : memref<1000000xf32, #tpu.memory_space<hbm>> -> memref<1000000xf32, #tpu.memory_space<hbm>>
    tpu.wait_indirect_dma semaphore(%arg11 : memref<!tpu.dma_semaphore, #tpu.memory_space<semaphore_mem>>) src(%dma_wait3A_428 : memref<1000000xf32, #tpu.memory_space<hbm>>) dst(%dma_wait3A_423 : memref<128xf32, #tpu.memory_space<vmem>>)
    %dma_wait3A_429 = arith.constant 3 : i32
    %dma_wait3A_430 = arith.constant 3 : i32
    %dma_wait3A_431 = arith.constant 0 : i32
    %dma_wait3A_432 = tpu.memref_slice %arg7[%dma_wait3A_430, %dma_wait3A_431] : memref<4x128xf32, #tpu.memory_space<vmem>> -> memref<1x128xf32, #tpu.memory_space<vmem>>
    %dma_wait3A_433 = tpu.memref_squeeze %dma_wait3A_432 : memref<1x128xf32, #tpu.memory_space<vmem>> -> memref<128xf32, #tpu.memory_space<vmem>>
    %dma_wait3A_434 = arith.constant 0 : i32
    %dma_wait3A_435 = tpu.memref_slice %arg6[%dma_wait3A_429, %dma_wait3A_434] : memref<4x128xi32, #tpu.memory_space<vmem>> -> memref<1x128xi32, #tpu.memory_space<vmem>>
    %dma_wait3A_436 = tpu.memref_squeeze %dma_wait3A_435 : memref<1x128xi32, #tpu.memory_space<vmem>> -> memref<128xi32, #tpu.memory_space<vmem>>
    %dma_wait3A_437 = arith.constant 0 : i32
    %dma_wait3A_438 = tpu.memref_slice %arg2[%dma_wait3A_437] : memref<1000000xf32, #tpu.memory_space<hbm>> -> memref<1000000xf32, #tpu.memory_space<hbm>>
    tpu.wait_indirect_dma semaphore(%arg11 : memref<!tpu.dma_semaphore, #tpu.memory_space<semaphore_mem>>) src(%dma_wait3A_438 : memref<1000000xf32, #tpu.memory_space<hbm>>) dst(%dma_wait3A_433 : memref<128xf32, #tpu.memory_space<vmem>>)
    %get3A_439 = arith.constant 0 : i32
    %get3A_440 = arith.index_cast %get3A_439 : i32 to index
    %get3A_441 = arith.constant 0 : index
    %get3A_442 = tpu.vector_load %arg7[%get3A_440, %get3A_441] {strides = array<i32>} : memref<4x128xf32, #tpu.memory_space<vmem>>, vector<1x16xf32>,
    %get3A_443 = vector.shape_cast %get3A_442 : vector<1x16xf32> to vector<16xf32>
    %sub3A_444 = arith.subf %get3A_443, %add3A_398 : vector<16xf32>
    %swap3A_445 = arith.constant 0 : i32
    %swap3A_446 = arith.index_cast %swap3A_445 : i32 to index
    %swap3A_447 = arith.constant 0 : index
    %swap3A_448 = tpu.vector_load %arg7[%swap3A_446, %swap3A_447] {strides = array<i32>} : memref<4x128xf32, #tpu.memory_space<vmem>>, vector<1x16xf32>,
    %swap3A_449 = vector.shape_cast %swap3A_448 : vector<1x16xf32> to vector<16xf32>
    %swap3A_450 = vector.shape_cast %sub3A_444 : vector<16xf32> to vector<1x16xf32>
    tpu.vector_store %arg7[%swap3A_446, %swap3A_447], %swap3A_450 {strides = array<i32>} : memref<4x128xf32, #tpu.memory_space<vmem>>, vector<1x16xf32>,
    %get3A_451 = arith.constant 0 : i32
    %get3A_452 = arith.index_cast %get3A_451 : i32 to index
    %get3A_453 = arith.constant 16 : index
    %get3A_454 = tpu.vector_load %arg7[%get3A_452, %get3A_453] {strides = array<i32>} : memref<4x128xf32, #tpu.memory_space<vmem>>, vector<1x16xf32>,
    %get3A_455 = vector.shape_cast %get3A_454 : vector<1x16xf32> to vector<16xf32>
    %sub3A_456 = arith.subf %get3A_455, %add3A_398 : vector<16xf32>
    %swap3A_457 = arith.constant 0 : i32
    %swap3A_458 = arith.index_cast %swap3A_457 : i32 to index
    %swap3A_459 = arith.constant 16 : index
    %swap3A_460 = tpu.vector_load %arg7[%swap3A_458, %swap3A_459] {strides = array<i32>} : memref<4x128xf32, #tpu.memory_space<vmem>>, vector<1x16xf32>,
    %swap3A_461 = vector.shape_cast %swap3A_460 : vector<1x16xf32> to vector<16xf32>
    %swap3A_462 = vector.shape_cast %sub3A_456 : vector<16xf32> to vector<1x16xf32>
    tpu.vector_store %arg7[%swap3A_458, %swap3A_459], %swap3A_462 {strides = array<i32>} : memref<4x128xf32, #tpu.memory_space<vmem>>, vector<1x16xf32>,
    %get3A_463 = arith.constant 0 : i32
    %get3A_464 = arith.index_cast %get3A_463 : i32 to index
    %get3A_465 = arith.constant 32 : index
    %get3A_466 = tpu.vector_load %arg7[%get3A_464, %get3A_465] {strides = array<i32>} : memref<4x128xf32, #tpu.memory_space<vmem>>, vector<1x16xf32>,
    %get3A_467 = vector.shape_cast %get3A_466 : vector<1x16xf32> to vector<16xf32>
    %sub3A_468 = arith.subf %get3A_467, %add3A_398 : vector<16xf32>
    %swap3A_469 = arith.constant 0 : i32
    %swap3A_470 = arith.index_cast %swap3A_469 : i32 to index
    %swap3A_471 = arith.constant 32 : index
    %swap3A_472 = tpu.vector_load %arg7[%swap3A_470, %swap3A_471] {strides = array<i32>} : memref<4x128xf32, #tpu.memory_space<vmem>>, vector<1x16xf32>,
    %swap3A_473 = vector.shape_cast %swap3A_472 : vector<1x16xf32> to vector<16xf32>
    %swap3A_474 = vector.shape_cast %sub3A_468 : vector<16xf32> to vector<1x16xf32>
    tpu.vector_store %arg7[%swap3A_470, %swap3A_471], %swap3A_474 {strides = array<i32>} : memref<4x128xf32, #tpu.memory_space<vmem>>, vector<1x16xf32>,
    %get3A_475 = arith.constant 0 : i32
    %get3A_476 = arith.index_cast %get3A_475 : i32 to index
    %get3A_477 = arith.constant 48 : index
    %get3A_478 = tpu.vector_load %arg7[%get3A_476, %get3A_477] {strides = array<i32>} : memref<4x128xf32, #tpu.memory_space<vmem>>, vector<1x16xf32>,
    %get3A_479 = vector.shape_cast %get3A_478 : vector<1x16xf32> to vector<16xf32>
    %sub3A_480 = arith.subf %get3A_479, %add3A_398 : vector<16xf32>
    %swap3A_481 = arith.constant 0 : i32
    %swap3A_482 = arith.index_cast %swap3A_481 : i32 to index
    %swap3A_483 = arith.constant 48 : index
    %swap3A_484 = tpu.vector_load %arg7[%swap3A_482, %swap3A_483] {strides = array<i32>} : memref<4x128xf32, #tpu.memory_space<vmem>>, vector<1x16xf32>,
    %swap3A_485 = vector.shape_cast %swap3A_484 : vector<1x16xf32> to vector<16xf32>
    %swap3A_486 = vector.shape_cast %sub3A_480 : vector<16xf32> to vector<1x16xf32>
    tpu.vector_store %arg7[%swap3A_482, %swap3A_483], %swap3A_486 {strides = array<i32>} : memref<4x128xf32, #tpu.memory_space<vmem>>, vector<1x16xf32>,
    %get3A_487 = arith.constant 0 : i32
    %get3A_488 = arith.index_cast %get3A_487 : i32 to index
    %get3A_489 = arith.constant 64 : index
    %get3A_490 = tpu.vector_load %arg7[%get3A_488, %get3A_489] {strides = array<i32>} : memref<4x128xf32, #tpu.memory_space<vmem>>, vector<1x16xf32>,
    %get3A_491 = vector.shape_cast %get3A_490 : vector<1x16xf32> to vector<16xf32>
    %sub3A_492 = arith.subf %get3A_491, %add3A_398 : vector<16xf32>
    %swap3A_493 = arith.constant 0 : i32
    %swap3A_494 = arith.index_cast %swap3A_493 : i32 to index
    %swap3A_495 = arith.constant 64 : index
    %swap3A_496 = tpu.vector_load %arg7[%swap3A_494, %swap3A_495] {strides = array<i32>} : memref<4x128xf32, #tpu.memory_space<vmem>>, vector<1x16xf32>,
    %swap3A_497 = vector.shape_cast %swap3A_496 : vector<1x16xf32> to vector<16xf32>
    %swap3A_498 = vector.shape_cast %sub3A_492 : vector<16xf32> to vector<1x16xf32>
    tpu.vector_store %arg7[%swap3A_494, %swap3A_495], %swap3A_498 {strides = array<i32>} : memref<4x128xf32, #tpu.memory_space<vmem>>, vector<1x16xf32>,
    %get3A_499 = arith.constant 0 : i32
    %get3A_500 = arith.index_cast %get3A_499 : i32 to index
    %get3A_501 = arith.constant 80 : index
    %get3A_502 = tpu.vector_load %arg7[%get3A_500, %get3A_501] {strides = array<i32>} : memref<4x128xf32, #tpu.memory_space<vmem>>, vector<1x16xf32>,
    %get3A_503 = vector.shape_cast %get3A_502 : vector<1x16xf32> to vector<16xf32>
    %sub3A_504 = arith.subf %get3A_503, %add3A_398 : vector<16xf32>
    %swap3A_505 = arith.constant 0 : i32
    %swap3A_506 = arith.index_cast %swap3A_505 : i32 to index
    %swap3A_507 = arith.constant 80 : index
    %swap3A_508 = tpu.vector_load %arg7[%swap3A_506, %swap3A_507] {strides = array<i32>} : memref<4x128xf32, #tpu.memory_space<vmem>>, vector<1x16xf32>,
    %swap3A_509 = vector.shape_cast %swap3A_508 : vector<1x16xf32> to vector<16xf32>
    %swap3A_510 = vector.shape_cast %sub3A_504 : vector<16xf32> to vector<1x16xf32>
    tpu.vector_store %arg7[%swap3A_506, %swap3A_507], %swap3A_510 {strides = array<i32>} : memref<4x128xf32, #tpu.memory_space<vmem>>, vector<1x16xf32>,
    %get3A_511 = arith.constant 0 : i32
    %get3A_512 = arith.index_cast %get3A_511 : i32 to index
    %get3A_513 = arith.constant 96 : index
    %get3A_514 = tpu.vector_load %arg7[%get3A_512, %get3A_513] {strides = array<i32>} : memref<4x128xf32, #tpu.memory_space<vmem>>, vector<1x16xf32>,
    %get3A_515 = vector.shape_cast %get3A_514 : vector<1x16xf32> to vector<16xf32>
    %sub3A_516 = arith.subf %get3A_515, %add3A_398 : vector<16xf32>
    %swap3A_517 = arith.constant 0 : i32
    %swap3A_518 = arith.index_cast %swap3A_517 : i32 to index
    %swap3A_519 = arith.constant 96 : index
    %swap3A_520 = tpu.vector_load %arg7[%swap3A_518, %swap3A_519] {strides = array<i32>} : memref<4x128xf32, #tpu.memory_space<vmem>>, vector<1x16xf32>,
    %swap3A_521 = vector.shape_cast %swap3A_520 : vector<1x16xf32> to vector<16xf32>
    %swap3A_522 = vector.shape_cast %sub3A_516 : vector<16xf32> to vector<1x16xf32>
    tpu.vector_store %arg7[%swap3A_518, %swap3A_519], %swap3A_522 {strides = array<i32>} : memref<4x128xf32, #tpu.memory_space<vmem>>, vector<1x16xf32>,
    %get3A_523 = arith.constant 0 : i32
    %get3A_524 = arith.index_cast %get3A_523 : i32 to index
    %get3A_525 = arith.constant 112 : index
    %get3A_526 = tpu.vector_load %arg7[%get3A_524, %get3A_525] {strides = array<i32>} : memref<4x128xf32, #tpu.memory_space<vmem>>, vector<1x16xf32>,
    %get3A_527 = vector.shape_cast %get3A_526 : vector<1x16xf32> to vector<16xf32>
    %sub3A_528 = arith.subf %get3A_527, %add3A_398 : vector<16xf32>
    %swap3A_529 = arith.constant 0 : i32
    %swap3A_530 = arith.index_cast %swap3A_529 : i32 to index
    %swap3A_531 = arith.constant 112 : index
    %swap3A_532 = tpu.vector_load %arg7[%swap3A_530, %swap3A_531] {strides = array<i32>} : memref<4x128xf32, #tpu.memory_space<vmem>>, vector<1x16xf32>,
    %swap3A_533 = vector.shape_cast %swap3A_532 : vector<1x16xf32> to vector<16xf32>
    %swap3A_534 = vector.shape_cast %sub3A_528 : vector<16xf32> to vector<1x16xf32>
    tpu.vector_store %arg7[%swap3A_530, %swap3A_531], %swap3A_534 {strides = array<i32>} : memref<4x128xf32, #tpu.memory_space<vmem>>, vector<1x16xf32>,
    %get3A_535 = arith.constant 1 : i32
    %get3A_536 = arith.index_cast %get3A_535 : i32 to index
    %get3A_537 = arith.constant 0 : index
    %get3A_538 = tpu.vector_load %arg7[%get3A_536, %get3A_537] {strides = array<i32>} : memref<4x128xf32, #tpu.memory_space<vmem>>, vector<1x16xf32>,
    %get3A_539 = vector.shape_cast %get3A_538 : vector<1x16xf32> to vector<16xf32>
    %sub3A_540 = arith.subf %get3A_539, %add3A_398 : vector<16xf32>
    %swap3A_541 = arith.constant 1 : i32
    %swap3A_542 = arith.index_cast %swap3A_541 : i32 to index
    %swap3A_543 = arith.constant 0 : index
    %swap3A_544 = tpu.vector_load %arg7[%swap3A_542, %swap3A_543] {strides = array<i32>} : memref<4x128xf32, #tpu.memory_space<vmem>>, vector<1x16xf32>,
    %swap3A_545 = vector.shape_cast %swap3A_544 : vector<1x16xf32> to vector<16xf32>
    %swap3A_546 = vector.shape_cast %sub3A_540 : vector<16xf32> to vector<1x16xf32>
    tpu.vector_store %arg7[%swap3A_542, %swap3A_543], %swap3A_546 {strides = array<i32>} : memref<4x128xf32, #tpu.memory_space<vmem>>, vector<1x16xf32>,
    %get3A_547 = arith.constant 1 : i32
    %get3A_548 = arith.index_cast %get3A_547 : i32 to index
    %get3A_549 = arith.constant 16 : index
    %get3A_550 = tpu.vector_load %arg7[%get3A_548, %get3A_549] {strides = array<i32>} : memref<4x128xf32, #tpu.memory_space<vmem>>, vector<1x16xf32>,
    %get3A_551 = vector.shape_cast %get3A_550 : vector<1x16xf32> to vector<16xf32>
    %sub3A_552 = arith.subf %get3A_551, %add3A_398 : vector<16xf32>
    %swap3A_553 = arith.constant 1 : i32
    %swap3A_554 = arith.index_cast %swap3A_553 : i32 to index
    %swap3A_555 = arith.constant 16 : index
    %swap3A_556 = tpu.vector_load %arg7[%swap3A_554, %swap3A_555] {strides = array<i32>} : memref<4x128xf32, #tpu.memory_space<vmem>>, vector<1x16xf32>,
    %swap3A_557 = vector.shape_cast %swap3A_556 : vector<1x16xf32> to vector<16xf32>
    %swap3A_558 = vector.shape_cast %sub3A_552 : vector<16xf32> to vector<1x16xf32>
    tpu.vector_store %arg7[%swap3A_554, %swap3A_555], %swap3A_558 {strides = array<i32>} : memref<4x128xf32, #tpu.memory_space<vmem>>, vector<1x16xf32>,
    %get3A_559 = arith.constant 1 : i32
    %get3A_560 = arith.index_cast %get3A_559 : i32 to index
    %get3A_561 = arith.constant 32 : index
    %get3A_562 = tpu.vector_load %arg7[%get3A_560, %get3A_561] {strides = array<i32>} : memref<4x128xf32, #tpu.memory_space<vmem>>, vector<1x16xf32>,
    %get3A_563 = vector.shape_cast %get3A_562 : vector<1x16xf32> to vector<16xf32>
    %sub3A_564 = arith.subf %get3A_563, %add3A_398 : vector<16xf32>
    %swap3A_565 = arith.constant 1 : i32
    %swap3A_566 = arith.index_cast %swap3A_565 : i32 to index
    %swap3A_567 = arith.constant 32 : index
    %swap3A_568 = tpu.vector_load %arg7[%swap3A_566, %swap3A_567] {strides = array<i32>} : memref<4x128xf32, #tpu.memory_space<vmem>>, vector<1x16xf32>,
    %swap3A_569 = vector.shape_cast %swap3A_568 : vector<1x16xf32> to vector<16xf32>
    %swap3A_570 = vector.shape_cast %sub3A_564 : vector<16xf32> to vector<1x16xf32>
    tpu.vector_store %arg7[%swap3A_566, %swap3A_567], %swap3A_570 {strides = array<i32>} : memref<4x128xf32, #tpu.memory_space<vmem>>, vector<1x16xf32>,
    %get3A_571 = arith.constant 1 : i32
    %get3A_572 = arith.index_cast %get3A_571 : i32 to index
    %get3A_573 = arith.constant 48 : index
    %get3A_574 = tpu.vector_load %arg7[%get3A_572, %get3A_573] {strides = array<i32>} : memref<4x128xf32, #tpu.memory_space<vmem>>, vector<1x16xf32>,
    %get3A_575 = vector.shape_cast %get3A_574 : vector<1x16xf32> to vector<16xf32>
    %sub3A_576 = arith.subf %get3A_575, %add3A_398 : vector<16xf32>
    %swap3A_577 = arith.constant 1 : i32
    %swap3A_578 = arith.index_cast %swap3A_577 : i32 to index
    %swap3A_579 = arith.constant 48 : index
    %swap3A_580 = tpu.vector_load %arg7[%swap3A_578, %swap3A_579] {strides = array<i32>} : memref<4x128xf32, #tpu.memory_space<vmem>>, vector<1x16xf32>,
    %swap3A_581 = vector.shape_cast %swap3A_580 : vector<1x16xf32> to vector<16xf32>
    %swap3A_582 = vector.shape_cast %sub3A_576 : vector<16xf32> to vector<1x16xf32>
    tpu.vector_store %arg7[%swap3A_578, %swap3A_579], %swap3A_582 {strides = array<i32>} : memref<4x128xf32, #tpu.memory_space<vmem>>, vector<1x16xf32>,
    %get3A_583 = arith.constant 1 : i32
    %get3A_584 = arith.index_cast %get3A_583 : i32 to index
    %get3A_585 = arith.constant 64 : index
    %get3A_586 = tpu.vector_load %arg7[%get3A_584, %get3A_585] {strides = array<i32>} : memref<4x128xf32, #tpu.memory_space<vmem>>, vector<1x16xf32>,
    %get3A_587 = vector.shape_cast %get3A_586 : vector<1x16xf32> to vector<16xf32>
    %sub3A_588 = arith.subf %get3A_587, %add3A_398 : vector<16xf32>
    %swap3A_589 = arith.constant 1 : i32
    %swap3A_590 = arith.index_cast %swap3A_589 : i32 to index
    %swap3A_591 = arith.constant 64 : index
    %swap3A_592 = tpu.vector_load %arg7[%swap3A_590, %swap3A_591] {strides = array<i32>} : memref<4x128xf32, #tpu.memory_space<vmem>>, vector<1x16xf32>,
    %swap3A_593 = vector.shape_cast %swap3A_592 : vector<1x16xf32> to vector<16xf32>
    %swap3A_594 = vector.shape_cast %sub3A_588 : vector<16xf32> to vector<1x16xf32>
    tpu.vector_store %arg7[%swap3A_590, %swap3A_591], %swap3A_594 {strides = array<i32>} : memref<4x128xf32, #tpu.memory_space<vmem>>, vector<1x16xf32>,
    %get3A_595 = arith.constant 1 : i32
    %get3A_596 = arith.index_cast %get3A_595 : i32 to index
    %get3A_597 = arith.constant 80 : index
    %get3A_598 = tpu.vector_load %arg7[%get3A_596, %get3A_597] {strides = array<i32>} : memref<4x128xf32, #tpu.memory_space<vmem>>, vector<1x16xf32>,
    %get3A_599 = vector.shape_cast %get3A_598 : vector<1x16xf32> to vector<16xf32>
    %sub3A_600 = arith.subf %get3A_599, %add3A_398 : vector<16xf32>
    %swap3A_601 = arith.constant 1 : i32
    %swap3A_602 = arith.index_cast %swap3A_601 : i32 to index
    %swap3A_603 = arith.constant 80 : index
    %swap3A_604 = tpu.vector_load %arg7[%swap3A_602, %swap3A_603] {strides = array<i32>} : memref<4x128xf32, #tpu.memory_space<vmem>>, vector<1x16xf32>,
    %swap3A_605 = vector.shape_cast %swap3A_604 : vector<1x16xf32> to vector<16xf32>
    %swap3A_606 = vector.shape_cast %sub3A_600 : vector<16xf32> to vector<1x16xf32>
    tpu.vector_store %arg7[%swap3A_602, %swap3A_603], %swap3A_606 {strides = array<i32>} : memref<4x128xf32, #tpu.memory_space<vmem>>, vector<1x16xf32>,
    %get3A_607 = arith.constant 1 : i32
    %get3A_608 = arith.index_cast %get3A_607 : i32 to index
    %get3A_609 = arith.constant 96 : index
    %get3A_610 = tpu.vector_load %arg7[%get3A_608, %get3A_609] {strides = array<i32>} : memref<4x128xf32, #tpu.memory_space<vmem>>, vector<1x16xf32>,
    %get3A_611 = vector.shape_cast %get3A_610 : vector<1x16xf32> to vector<16xf32>
    %sub3A_612 = arith.subf %get3A_611, %add3A_398 : vector<16xf32>
    %swap3A_613 = arith.constant 1 : i32
    %swap3A_614 = arith.index_cast %swap3A_613 : i32 to index
    %swap3A_615 = arith.constant 96 : index
    %swap3A_616 = tpu.vector_load %arg7[%swap3A_614, %swap3A_615] {strides = array<i32>} : memref<4x128xf32, #tpu.memory_space<vmem>>, vector<1x16xf32>,
    %swap3A_617 = vector.shape_cast %swap3A_616 : vector<1x16xf32> to vector<16xf32>
    %swap3A_618 = vector.shape_cast %sub3A_612 : vector<16xf32> to vector<1x16xf32>
    tpu.vector_store %arg7[%swap3A_614, %swap3A_615], %swap3A_618 {strides = array<i32>} : memref<4x128xf32, #tpu.memory_space<vmem>>, vector<1x16xf32>,
    %get3A_619 = arith.constant 1 : i32
    %get3A_620 = arith.index_cast %get3A_619 : i32 to index
    %get3A_621 = arith.constant 112 : index
    %get3A_622 = tpu.vector_load %arg7[%get3A_620, %get3A_621] {strides = array<i32>} : memref<4x128xf32, #tpu.memory_space<vmem>>, vector<1x16xf32>,
    %get3A_623 = vector.shape_cast %get3A_622 : vector<1x16xf32> to vector<16xf32>
    %sub3A_624 = arith.subf %get3A_623, %add3A_398 : vector<16xf32>
    %swap3A_625 = arith.constant 1 : i32
    %swap3A_626 = arith.index_cast %swap3A_625 : i32 to index
    %swap3A_627 = arith.constant 112 : index
    %swap3A_628 = tpu.vector_load %arg7[%swap3A_626, %swap3A_627] {strides = array<i32>} : memref<4x128xf32, #tpu.memory_space<vmem>>, vector<1x16xf32>,
    %swap3A_629 = vector.shape_cast %swap3A_628 : vector<1x16xf32> to vector<16xf32>
    %swap3A_630 = vector.shape_cast %sub3A_624 : vector<16xf32> to vector<1x16xf32>
    tpu.vector_store %arg7[%swap3A_626, %swap3A_627], %swap3A_630 {strides = array<i32>} : memref<4x128xf32, #tpu.memory_space<vmem>>, vector<1x16xf32>,
    %get3A_631 = arith.constant 2 : i32
    %get3A_632 = arith.index_cast %get3A_631 : i32 to index
    %get3A_633 = arith.constant 0 : index
    %get3A_634 = tpu.vector_load %arg7[%get3A_632, %get3A_633] {strides = array<i32>} : memref<4x128xf32, #tpu.memory_space<vmem>>, vector<1x16xf32>,
    %get3A_635 = vector.shape_cast %get3A_634 : vector<1x16xf32> to vector<16xf32>
    %sub3A_636 = arith.subf %get3A_635, %add3A_398 : vector<16xf32>
    %swap3A_637 = arith.constant 2 : i32
    %swap3A_638 = arith.index_cast %swap3A_637 : i32 to index
    %swap3A_639 = arith.constant 0 : index
    %swap3A_640 = tpu.vector_load %arg7[%swap3A_638, %swap3A_639] {strides = array<i32>} : memref<4x128xf32, #tpu.memory_space<vmem>>, vector<1x16xf32>,
    %swap3A_641 = vector.shape_cast %swap3A_640 : vector<1x16xf32> to vector<16xf32>
    %swap3A_642 = vector.shape_cast %sub3A_636 : vector<16xf32> to vector<1x16xf32>
    tpu.vector_store %arg7[%swap3A_638, %swap3A_639], %swap3A_642 {strides = array<i32>} : memref<4x128xf32, #tpu.memory_space<vmem>>, vector<1x16xf32>,
    %get3A_643 = arith.constant 2 : i32
    %get3A_644 = arith.index_cast %get3A_643 : i32 to index
    %get3A_645 = arith.constant 16 : index
    %get3A_646 = tpu.vector_load %arg7[%get3A_644, %get3A_645] {strides = array<i32>} : memref<4x128xf32, #tpu.memory_space<vmem>>, vector<1x16xf32>,
    %get3A_647 = vector.shape_cast %get3A_646 : vector<1x16xf32> to vector<16xf32>
    %sub3A_648 = arith.subf %get3A_647, %add3A_398 : vector<16xf32>
    %swap3A_649 = arith.constant 2 : i32
    %swap3A_650 = arith.index_cast %swap3A_649 : i32 to index
    %swap3A_651 = arith.constant 16 : index
    %swap3A_652 = tpu.vector_load %arg7[%swap3A_650, %swap3A_651] {strides = array<i32>} : memref<4x128xf32, #tpu.memory_space<vmem>>, vector<1x16xf32>,
    %swap3A_653 = vector.shape_cast %swap3A_652 : vector<1x16xf32> to vector<16xf32>
    %swap3A_654 = vector.shape_cast %sub3A_648 : vector<16xf32> to vector<1x16xf32>
    tpu.vector_store %arg7[%swap3A_650, %swap3A_651], %swap3A_654 {strides = array<i32>} : memref<4x128xf32, #tpu.memory_space<vmem>>, vector<1x16xf32>,
    %get3A_655 = arith.constant 2 : i32
    %get3A_656 = arith.index_cast %get3A_655 : i32 to index
    %get3A_657 = arith.constant 32 : index
    %get3A_658 = tpu.vector_load %arg7[%get3A_656, %get3A_657] {strides = array<i32>} : memref<4x128xf32, #tpu.memory_space<vmem>>, vector<1x16xf32>,
    %get3A_659 = vector.shape_cast %get3A_658 : vector<1x16xf32> to vector<16xf32>
    %sub3A_660 = arith.subf %get3A_659, %add3A_398 : vector<16xf32>
    %swap3A_661 = arith.constant 2 : i32
    %swap3A_662 = arith.index_cast %swap3A_661 : i32 to index
    %swap3A_663 = arith.constant 32 : index
    %swap3A_664 = tpu.vector_load %arg7[%swap3A_662, %swap3A_663] {strides = array<i32>} : memref<4x128xf32, #tpu.memory_space<vmem>>, vector<1x16xf32>,
    %swap3A_665 = vector.shape_cast %swap3A_664 : vector<1x16xf32> to vector<16xf32>
    %swap3A_666 = vector.shape_cast %sub3A_660 : vector<16xf32> to vector<1x16xf32>
    tpu.vector_store %arg7[%swap3A_662, %swap3A_663], %swap3A_666 {strides = array<i32>} : memref<4x128xf32, #tpu.memory_space<vmem>>, vector<1x16xf32>,
    %get3A_667 = arith.constant 2 : i32
    %get3A_668 = arith.index_cast %get3A_667 : i32 to index
    %get3A_669 = arith.constant 48 : index
    %get3A_670 = tpu.vector_load %arg7[%get3A_668, %get3A_669] {strides = array<i32>} : memref<4x128xf32, #tpu.memory_space<vmem>>, vector<1x16xf32>,
    %get3A_671 = vector.shape_cast %get3A_670 : vector<1x16xf32> to vector<16xf32>
    %sub3A_672 = arith.subf %get3A_671, %add3A_398 : vector<16xf32>
    %swap3A_673 = arith.constant 2 : i32
    %swap3A_674 = arith.index_cast %swap3A_673 : i32 to index
    %swap3A_675 = arith.constant 48 : index
    %swap3A_676 = tpu.vector_load %arg7[%swap3A_674, %swap3A_675] {strides = array<i32>} : memref<4x128xf32, #tpu.memory_space<vmem>>, vector<1x16xf32>,
    %swap3A_677 = vector.shape_cast %swap3A_676 : vector<1x16xf32> to vector<16xf32>
    %swap3A_678 = vector.shape_cast %sub3A_672 : vector<16xf32> to vector<1x16xf32>
    tpu.vector_store %arg7[%swap3A_674, %swap3A_675], %swap3A_678 {strides = array<i32>} : memref<4x128xf32, #tpu.memory_space<vmem>>, vector<1x16xf32>,
    %get3A_679 = arith.constant 2 : i32
    %get3A_680 = arith.index_cast %get3A_679 : i32 to index
    %get3A_681 = arith.constant 64 : index
    %get3A_682 = tpu.vector_load %arg7[%get3A_680, %get3A_681] {strides = array<i32>} : memref<4x128xf32, #tpu.memory_space<vmem>>, vector<1x16xf32>,
    %get3A_683 = vector.shape_cast %get3A_682 : vector<1x16xf32> to vector<16xf32>
    %sub3A_684 = arith.subf %get3A_683, %add3A_398 : vector<16xf32>
    %swap3A_685 = arith.constant 2 : i32
    %swap3A_686 = arith.index_cast %swap3A_685 : i32 to index
    %swap3A_687 = arith.constant 64 : index
    %swap3A_688 = tpu.vector_load %arg7[%swap3A_686, %swap3A_687] {strides = array<i32>} : memref<4x128xf32, #tpu.memory_space<vmem>>, vector<1x16xf32>,
    %swap3A_689 = vector.shape_cast %swap3A_688 : vector<1x16xf32> to vector<16xf32>
    %swap3A_690 = vector.shape_cast %sub3A_684 : vector<16xf32> to vector<1x16xf32>
    tpu.vector_store %arg7[%swap3A_686, %swap3A_687], %swap3A_690 {strides = array<i32>} : memref<4x128xf32, #tpu.memory_space<vmem>>, vector<1x16xf32>,
    %get3A_691 = arith.constant 2 : i32
    %get3A_692 = arith.index_cast %get3A_691 : i32 to index
    %get3A_693 = arith.constant 80 : index
    %get3A_694 = tpu.vector_load %arg7[%get3A_692, %get3A_693] {strides = array<i32>} : memref<4x128xf32, #tpu.memory_space<vmem>>, vector<1x16xf32>,
    %get3A_695 = vector.shape_cast %get3A_694 : vector<1x16xf32> to vector<16xf32>
    %sub3A_696 = arith.subf %get3A_695, %add3A_398 : vector<16xf32>
    %swap3A_697 = arith.constant 2 : i32
    %swap3A_698 = arith.index_cast %swap3A_697 : i32 to index
    %swap3A_699 = arith.constant 80 : index
    %swap3A_700 = tpu.vector_load %arg7[%swap3A_698, %swap3A_699] {strides = array<i32>} : memref<4x128xf32, #tpu.memory_space<vmem>>, vector<1x16xf32>,
    %swap3A_701 = vector.shape_cast %swap3A_700 : vector<1x16xf32> to vector<16xf32>
    %swap3A_702 = vector.shape_cast %sub3A_696 : vector<16xf32> to vector<1x16xf32>
    tpu.vector_store %arg7[%swap3A_698, %swap3A_699], %swap3A_702 {strides = array<i32>} : memref<4x128xf32, #tpu.memory_space<vmem>>, vector<1x16xf32>,
    %get3A_703 = arith.constant 2 : i32
    %get3A_704 = arith.index_cast %get3A_703 : i32 to index
    %get3A_705 = arith.constant 96 : index
    %get3A_706 = tpu.vector_load %arg7[%get3A_704, %get3A_705] {strides = array<i32>} : memref<4x128xf32, #tpu.memory_space<vmem>>, vector<1x16xf32>,
    %get3A_707 = vector.shape_cast %get3A_706 : vector<1x16xf32> to vector<16xf32>
    %sub3A_708 = arith.subf %get3A_707, %add3A_398 : vector<16xf32>
    %swap3A_709 = arith.constant 2 : i32
    %swap3A_710 = arith.index_cast %swap3A_709 : i32 to index
    %swap3A_711 = arith.constant 96 : index
    %swap3A_712 = tpu.vector_load %arg7[%swap3A_710, %swap3A_711] {strides = array<i32>} : memref<4x128xf32, #tpu.memory_space<vmem>>, vector<1x16xf32>,
    %swap3A_713 = vector.shape_cast %swap3A_712 : vector<1x16xf32> to vector<16xf32>
    %swap3A_714 = vector.shape_cast %sub3A_708 : vector<16xf32> to vector<1x16xf32>
    tpu.vector_store %arg7[%swap3A_710, %swap3A_711], %swap3A_714 {strides = array<i32>} : memref<4x128xf32, #tpu.memory_space<vmem>>, vector<1x16xf32>,
    %get3A_715 = arith.constant 2 : i32
    %get3A_716 = arith.index_cast %get3A_715 : i32 to index
    %get3A_717 = arith.constant 112 : index
    %get3A_718 = tpu.vector_load %arg7[%get3A_716, %get3A_717] {strides = array<i32>} : memref<4x128xf32, #tpu.memory_space<vmem>>, vector<1x16xf32>,
    %get3A_719 = vector.shape_cast %get3A_718 : vector<1x16xf32> to vector<16xf32>
    %sub3A_720 = arith.subf %get3A_719, %add3A_398 : vector<16xf32>
    %swap3A_721 = arith.constant 2 : i32
    %swap3A_722 = arith.index_cast %swap3A_721 : i32 to index
    %swap3A_723 = arith.constant 112 : index
    %swap3A_724 = tpu.vector_load %arg7[%swap3A_722, %swap3A_723] {strides = array<i32>} : memref<4x128xf32, #tpu.memory_space<vmem>>, vector<1x16xf32>,
    %swap3A_725 = vector.shape_cast %swap3A_724 : vector<1x16xf32> to vector<16xf32>
    %swap3A_726 = vector.shape_cast %sub3A_720 : vector<16xf32> to vector<1x16xf32>
    tpu.vector_store %arg7[%swap3A_722, %swap3A_723], %swap3A_726 {strides = array<i32>} : memref<4x128xf32, #tpu.memory_space<vmem>>, vector<1x16xf32>,
    %get3A_727 = arith.constant 3 : i32
    %get3A_728 = arith.index_cast %get3A_727 : i32 to index
    %get3A_729 = arith.constant 0 : index
    %get3A_730 = tpu.vector_load %arg7[%get3A_728, %get3A_729] {strides = array<i32>} : memref<4x128xf32, #tpu.memory_space<vmem>>, vector<1x16xf32>,
    %get3A_731 = vector.shape_cast %get3A_730 : vector<1x16xf32> to vector<16xf32>
    %sub3A_732 = arith.subf %get3A_731, %add3A_398 : vector<16xf32>
    %swap3A_733 = arith.constant 3 : i32
    %swap3A_734 = arith.index_cast %swap3A_733 : i32 to index
    %swap3A_735 = arith.constant 0 : index
    %swap3A_736 = tpu.vector_load %arg7[%swap3A_734, %swap3A_735] {strides = array<i32>} : memref<4x128xf32, #tpu.memory_space<vmem>>, vector<1x16xf32>,
    %swap3A_737 = vector.shape_cast %swap3A_736 : vector<1x16xf32> to vector<16xf32>
    %swap3A_738 = vector.shape_cast %sub3A_732 : vector<16xf32> to vector<1x16xf32>
    tpu.vector_store %arg7[%swap3A_734, %swap3A_735], %swap3A_738 {strides = array<i32>} : memref<4x128xf32, #tpu.memory_space<vmem>>, vector<1x16xf32>,
    %get3A_739 = arith.constant 3 : i32
    %get3A_740 = arith.index_cast %get3A_739 : i32 to index
    %get3A_741 = arith.constant 16 : index
    %get3A_742 = tpu.vector_load %arg7[%get3A_740, %get3A_741] {strides = array<i32>} : memref<4x128xf32, #tpu.memory_space<vmem>>, vector<1x16xf32>,
    %get3A_743 = vector.shape_cast %get3A_742 : vector<1x16xf32> to vector<16xf32>
    %sub3A_744 = arith.subf %get3A_743, %add3A_398 : vector<16xf32>
    %swap3A_745 = arith.constant 3 : i32
    %swap3A_746 = arith.index_cast %swap3A_745 : i32 to index
    %swap3A_747 = arith.constant 16 : index
    %swap3A_748 = tpu.vector_load %arg7[%swap3A_746, %swap3A_747] {strides = array<i32>} : memref<4x128xf32, #tpu.memory_space<vmem>>, vector<1x16xf32>,
    %swap3A_749 = vector.shape_cast %swap3A_748 : vector<1x16xf32> to vector<16xf32>
    %swap3A_750 = vector.shape_cast %sub3A_744 : vector<16xf32> to vector<1x16xf32>
    tpu.vector_store %arg7[%swap3A_746, %swap3A_747], %swap3A_750 {strides = array<i32>} : memref<4x128xf32, #tpu.memory_space<vmem>>, vector<1x16xf32>,
    %get3A_751 = arith.constant 3 : i32
    %get3A_752 = arith.index_cast %get3A_751 : i32 to index
    %get3A_753 = arith.constant 32 : index
    %get3A_754 = tpu.vector_load %arg7[%get3A_752, %get3A_753] {strides = array<i32>} : memref<4x128xf32, #tpu.memory_space<vmem>>, vector<1x16xf32>,
    %get3A_755 = vector.shape_cast %get3A_754 : vector<1x16xf32> to vector<16xf32>
    %sub3A_756 = arith.subf %get3A_755, %add3A_398 : vector<16xf32>
    %swap3A_757 = arith.constant 3 : i32
    %swap3A_758 = arith.index_cast %swap3A_757 : i32 to index
    %swap3A_759 = arith.constant 32 : index
    %swap3A_760 = tpu.vector_load %arg7[%swap3A_758, %swap3A_759] {strides = array<i32>} : memref<4x128xf32, #tpu.memory_space<vmem>>, vector<1x16xf32>,
    %swap3A_761 = vector.shape_cast %swap3A_760 : vector<1x16xf32> to vector<16xf32>
    %swap3A_762 = vector.shape_cast %sub3A_756 : vector<16xf32> to vector<1x16xf32>
    tpu.vector_store %arg7[%swap3A_758, %swap3A_759], %swap3A_762 {strides = array<i32>} : memref<4x128xf32, #tpu.memory_space<vmem>>, vector<1x16xf32>,
    %get3A_763 = arith.constant 3 : i32
    %get3A_764 = arith.index_cast %get3A_763 : i32 to index
    %get3A_765 = arith.constant 48 : index
    %get3A_766 = tpu.vector_load %arg7[%get3A_764, %get3A_765] {strides = array<i32>} : memref<4x128xf32, #tpu.memory_space<vmem>>, vector<1x16xf32>,
    %get3A_767 = vector.shape_cast %get3A_766 : vector<1x16xf32> to vector<16xf32>
    %sub3A_768 = arith.subf %get3A_767, %add3A_398 : vector<16xf32>
    %swap3A_769 = arith.constant 3 : i32
    %swap3A_770 = arith.index_cast %swap3A_769 : i32 to index
    %swap3A_771 = arith.constant 48 : index
    %swap3A_772 = tpu.vector_load %arg7[%swap3A_770, %swap3A_771] {strides = array<i32>} : memref<4x128xf32, #tpu.memory_space<vmem>>, vector<1x16xf32>,
    %swap3A_773 = vector.shape_cast %swap3A_772 : vector<1x16xf32> to vector<16xf32>
    %swap3A_774 = vector.shape_cast %sub3A_768 : vector<16xf32> to vector<1x16xf32>
    tpu.vector_store %arg7[%swap3A_770, %swap3A_771], %swap3A_774 {strides = array<i32>} : memref<4x128xf32, #tpu.memory_space<vmem>>, vector<1x16xf32>,
    %get3A_775 = arith.constant 3 : i32
    %get3A_776 = arith.index_cast %get3A_775 : i32 to index
    %get3A_777 = arith.constant 64 : index
    %get3A_778 = tpu.vector_load %arg7[%get3A_776, %get3A_777] {strides = array<i32>} : memref<4x128xf32, #tpu.memory_space<vmem>>, vector<1x16xf32>,
    %get3A_779 = vector.shape_cast %get3A_778 : vector<1x16xf32> to vector<16xf32>
    %sub3A_780 = arith.subf %get3A_779, %add3A_398 : vector<16xf32>
    %swap3A_781 = arith.constant 3 : i32
    %swap3A_782 = arith.index_cast %swap3A_781 : i32 to index
    %swap3A_783 = arith.constant 64 : index
    %swap3A_784 = tpu.vector_load %arg7[%swap3A_782, %swap3A_783] {strides = array<i32>} : memref<4x128xf32, #tpu.memory_space<vmem>>, vector<1x16xf32>,
    %swap3A_785 = vector.shape_cast %swap3A_784 : vector<1x16xf32> to vector<16xf32>
    %swap3A_786 = vector.shape_cast %sub3A_780 : vector<16xf32> to vector<1x16xf32>
    tpu.vector_store %arg7[%swap3A_782, %swap3A_783], %swap3A_786 {strides = array<i32>} : memref<4x128xf32, #tpu.memory_space<vmem>>, vector<1x16xf32>,
    %get3A_787 = arith.constant 3 : i32
    %get3A_788 = arith.index_cast %get3A_787 : i32 to index
    %get3A_789 = arith.constant 80 : index
    %get3A_790 = tpu.vector_load %arg7[%get3A_788, %get3A_789] {strides = array<i32>} : memref<4x128xf32, #tpu.memory_space<vmem>>, vector<1x16xf32>,
    %get3A_791 = vector.shape_cast %get3A_790 : vector<1x16xf32> to vector<16xf32>
    %sub3A_792 = arith.subf %get3A_791, %add3A_398 : vector<16xf32>
    %swap3A_793 = arith.constant 3 : i32
    %swap3A_794 = arith.index_cast %swap3A_793 : i32 to index
    %swap3A_795 = arith.constant 80 : index
    %swap3A_796 = tpu.vector_load %arg7[%swap3A_794, %swap3A_795] {strides = array<i32>} : memref<4x128xf32, #tpu.memory_space<vmem>>, vector<1x16xf32>,
    %swap3A_797 = vector.shape_cast %swap3A_796 : vector<1x16xf32> to vector<16xf32>
    %swap3A_798 = vector.shape_cast %sub3A_792 : vector<16xf32> to vector<1x16xf32>
    tpu.vector_store %arg7[%swap3A_794, %swap3A_795], %swap3A_798 {strides = array<i32>} : memref<4x128xf32, #tpu.memory_space<vmem>>, vector<1x16xf32>,
    %get3A_799 = arith.constant 3 : i32
    %get3A_800 = arith.index_cast %get3A_799 : i32 to index
    %get3A_801 = arith.constant 96 : index
    %get3A_802 = tpu.vector_load %arg7[%get3A_800, %get3A_801] {strides = array<i32>} : memref<4x128xf32, #tpu.memory_space<vmem>>, vector<1x16xf32>,
    %get3A_803 = vector.shape_cast %get3A_802 : vector<1x16xf32> to vector<16xf32>
    %sub3A_804 = arith.subf %get3A_803, %add3A_398 : vector<16xf32>
    %swap3A_805 = arith.constant 3 : i32
    %swap3A_806 = arith.index_cast %swap3A_805 : i32 to index
    %swap3A_807 = arith.constant 96 : index
    %swap3A_808 = tpu.vector_load %arg7[%swap3A_806, %swap3A_807] {strides = array<i32>} : memref<4x128xf32, #tpu.memory_space<vmem>>, vector<1x16xf32>,
    %swap3A_809 = vector.shape_cast %swap3A_808 : vector<1x16xf32> to vector<16xf32>
    %swap3A_810 = vector.shape_cast %sub3A_804 : vector<16xf32> to vector<1x16xf32>
    tpu.vector_store %arg7[%swap3A_806, %swap3A_807], %swap3A_810 {strides = array<i32>} : memref<4x128xf32, #tpu.memory_space<vmem>>, vector<1x16xf32>,
    %get3A_811 = arith.constant 3 : i32
    %get3A_812 = arith.index_cast %get3A_811 : i32 to index
    %get3A_813 = arith.constant 112 : index
    %get3A_814 = tpu.vector_load %arg7[%get3A_812, %get3A_813] {strides = array<i32>} : memref<4x128xf32, #tpu.memory_space<vmem>>, vector<1x16xf32>,
    %get3A_815 = vector.shape_cast %get3A_814 : vector<1x16xf32> to vector<16xf32>
    %sub3A_816 = arith.subf %get3A_815, %add3A_398 : vector<16xf32>
    %swap3A_817 = arith.constant 3 : i32
    %swap3A_818 = arith.index_cast %swap3A_817 : i32 to index
    %swap3A_819 = arith.constant 112 : index
    %swap3A_820 = tpu.vector_load %arg7[%swap3A_818, %swap3A_819] {strides = array<i32>} : memref<4x128xf32, #tpu.memory_space<vmem>>, vector<1x16xf32>,
    %swap3A_821 = vector.shape_cast %swap3A_820 : vector<1x16xf32> to vector<16xf32>
    %swap3A_822 = vector.shape_cast %sub3A_816 : vector<16xf32> to vector<1x16xf32>
    tpu.vector_store %arg7[%swap3A_818, %swap3A_819], %swap3A_822 {strides = array<i32>} : memref<4x128xf32, #tpu.memory_space<vmem>>, vector<1x16xf32>,
    "tpu.region"() ({
      %run_scoped3A = tpu.sem_alloc : memref<!tpu.dma_semaphore, #tpu.memory_space<semaphore_mem>>
      %dma_start3A_823 = arith.constant 0 : i32
      %dma_start3A_824 = tpu.memref_slice %arg4[%mul3A_2, %dma_start3A_823] : memref<128x128xf32, #tpu.memory_space<hbm>> -> memref<4x128xf32, #tpu.memory_space<hbm>>
      %dma_start3A_825 = arith.constant 0 : i32
      %dma_start3A_826 = tpu.memref_slice %arg4[%mul3A_2, %dma_start3A_825] : memref<128x128xf32, #tpu.memory_space<hbm>> -> memref<4x128xf32, #tpu.memory_space<hbm>>
      tpu.enqueue_dma source(%arg7 : memref<4x128xf32, #tpu.memory_space<vmem>>) target(%dma_start3A_826 : memref<4x128xf32, #tpu.memory_space<hbm>>) target_semaphore(%run_scoped3A : memref<!tpu.dma_semaphore, #tpu.memory_space<semaphore_mem>>)
      %dma_wait3A_827 = arith.constant 0 : i32
      %dma_wait3A_828 = tpu.memref_slice %arg4[%mul3A_2, %dma_wait3A_827] : memref<128x128xf32, #tpu.memory_space<hbm>> -> memref<4x128xf32, #tpu.memory_space<hbm>>
      %dma_wait3A_829 = arith.constant 0 : i32
      %dma_wait3A_830 = tpu.memref_slice %arg4[%mul3A_2, %dma_wait3A_829] : memref<128x128xf32, #tpu.memory_space<hbm>> -> memref<4x128xf32, #tpu.memory_space<hbm>>
      tpu.wait_dma2 semaphore(%run_scoped3A : memref<!tpu.dma_semaphore, #tpu.memory_space<semaphore_mem>>) src(%arg7 : memref<4x128xf32, #tpu.memory_space<vmem>>) dst(%dma_wait3A_830 : memref<4x128xf32, #tpu.memory_space<hbm>>)
      tpu.yield
    }) : () -> ()
    return
  }
}

</mosaic_0001>

<sc_bundles>
// kernel: kernel.3.cloned.1.call-start
scs
__scs_entry_jumppad:
0x0: {  	(pc) =	sbr.rel $0x88, $3  }
0x1: {  	(tag) =	ssettag $0x0;
	lr =	simm.s32 $0x1  }
0x2: {  	[smem:$0x3F9F] =	sst lr;
	_ =	strace $0xD0000000  }
0x3: {  	_ = 	snop  }
0x4: {  	_ = 	snop  }
0x5: {  	_ = 	snop  }
0x6: {  	_ = 	snop  }
0x7: {  	_ = 	snop  }
__scs_overlays_trampoline_lowered:
0x8: {  	[smem:$0x3FAE] =	sst s0  }
0x9: {  	[smem:$0x3FAF] =	sst s1  }
0xa: {  	[smem:$0x3FB0] =	sst s2  }
0xb: {  	[smem:$0x3FB1] =	sst s3  }
0xc: {  	[smem:$0x3FB2] =	sst s4  }
0xd: {  	[smem:$0x3FB3] =	sst s5  }
0xe: {  	[smem:$0x3FB4] =	sst s6  }
0xf: {  	[smem:$0x3FB5] =	sst s7  }
0x10: {  	[smem:$0x3FB6] =	sst s8  }
0x11: {  	[smem:$0x3FB7] =	sst s9;
	s0 =	simm.s32 @!p0 $0x0  }
0x12: {  	s1 =	sld [smem:$0x3F9D];
	s0 =	simm.s32 @p0 $0x1  }
0x13: {  	[smem:$0x3FB8] =	sst s0;
	s0 =	simm.s32 @!p1 $0x0  }
0x14: {  	s2 =	sld [smem:$0x3F9C];
	s0 =	simm.s32 @p1 $0x1  }
0x15: {  	[smem:$0x3FB9] =	sst s0;
	s0 =	simm.s32 @!p2 $0x0  }
0x16: {  	s3 =	sld [smem:$0x3FDB];
	s0 =	simm.s32 @p2 $0x1  }
0x17: {  	s4 =	simm.s32 $0x1BF5;
	[smem:$0x3FBB] =	sst s0  }
0x18: {  	s0 =	sld [smem:$0x3F9E];
	_ =	swait.ge [sflag:s4], $0x0  }
0x19: {  	s7 =	sld [smem:$0x3F9F]  }
0x1a: {  	s8 =	sadd.s32 $0xFFFFE003, lr  }
0x1b: {  	s9 =	sadd.s32 $0xFFFFFEF7, lr;
	s5 =	simm.s32 $0xFFFFFFFF;
	p2 =	slt.u32 s8, $0xFFFFF086  }
0x1c: {  	p1 =	slt.u32 s9, $0xF7A;
	s5 =	simm.s32 @!p2 $0x0  }
0x1d: {  	s5 =	simm.s32 @p1 $0x1;
	p0 =	seq.s32 s7, s2  }
0x1e: {  	s7 =	smul.u32 @!p0 $0xF7A, s2;
	p2 =	seq.s32 @!p0 s5, $0x0  }
0x1f: {  	s9 =	smul.u32 $0xF7A, s1;
	s8 =	simm.s32 @!p0 $0x1BF5;
	p2 =	por !p2, p0  }
0x20: {  	[sflag:s8] =	ssyncset.s32 @!p0 $0xFFFFF086;
	s6 =	sadd.s32 @!p0 s3, s7;
	s7 =	simm.s32 @!p0 $0x108  }
0x21: {  	s3 =	sadd.s32 s3, s9;
	s6 =	sadd.s32 @!p0 $0x88, s6;
	s7 =	simm.s32 @p2 $0x1082  }
0x22: {  	[simem:s7], [sflag:s8] =	dma.local @!p0 [hbm:s6], $0xF7A  }
0x23: {  	s9 =	sor.u32 $0xD0000000, s2;
	s6 =	simm.s32 $0x108;
	_ =	swait.ge @!p0 [sflag:s8], $0x0  }
0x24: {  	s3 =	sadd.s32 $0x88, s3;
	s6 =	simm.s32 @!p1 $0x1082;
	[sflag:s4] =	ssyncset.s32 $0xFFFFF086  }
0x25: {  	[simem:s6], [sflag:s4] =	dma.local [hbm:s3], $0xF7A  }
0x26: {  	[smem:$0x3F9F] =	sst s1;
	(tag) =	ssettag s2;
	_ =	strace s9  }
0x27: {  	s1 =	sld [smem:$0x3FAF]  }
0x28: {  	s2 =	sld [smem:$0x3FB0]  }
0x29: {  	s4 =	sld [smem:$0x3FB2]  }
0x2a: {  	p0 =	seq.s32 s5, $0x0;
	s5 =	sld [smem:$0x3FB3]  }
0x2b: {  	s6 =	sld [smem:$0x3FB4]  }
0x2c: {  	s7 =	sld [smem:$0x3FB5]  }
0x2d: {  	s3 =	simm.s32 $0x108;
	s8 =	sld [smem:$0x3FB6]  }
0x2e: {  	s3 =	simm.s32 @!p0 $0x1082;
	s9 =	sld [smem:$0x3FB7]  }
0x2f: {  	lr =	sadd.s32 s0, s3;
	s0 =	sld [smem:$0x3FAE]  }
0x30: {  	s3 =	sld [smem:$0x3FB1]  }
0x31: {  	[smem:$0x3FBA] =	sst s10  }
0x32: {  	s10 =	sld [smem:$0x3FB8];
	_ =	sdelay $0x3  }
0x33: {  	p0 =	seq.s32 s10, $0x1;
	s10 =	sld [smem:$0x3FBA];
	_ =	sdelay $0x3  }
0x34: {  	[smem:$0x3FBA] =	sst s10  }
0x35: {  	s10 =	sld [smem:$0x3FB9];
	_ =	sdelay $0x3  }
0x36: {  	p1 =	seq.s32 s10, $0x1;
	s10 =	sld [smem:$0x3FBA];
	_ =	sdelay $0x3  }
0x37: {  	[smem:$0x3FBA] =	sst s10  }
0x38: {  	s10 =	sld [smem:$0x3FBB]  }
0x39: {  	_ = 	snop;
	(pc) =	sbr.ind lr, $3  }
0x3a: {  	_ = 	snop  }
0x3b: {  	_ = 	snop  }
0x3c: {  	p2 =	seq.s32 s10, $0x1;
	s10 =	sld [smem:$0x3FBA]  }
0x3d: {  	_ =	shalt  }
0x3e: {  	_ =	shalt  }
0x3f: {  	_ =	shalt  }
0x40: {  	_ =	shalt  }
0x41: {  	_ =	shalt  }
0x42: {  	_ =	shalt  }
0x43: {  	_ =	shalt  }
0x44: {  	_ =	shalt  }
0x45: {  	_ =	shalt  }
0x46: {  	_ =	shalt  }
0x47: {  	_ =	shalt  }
0x48: {  	_ =	shalt  }
0x49: {  	_ =	shalt  }
0x4a: {  	_ =	shalt  }
0x4b: {  	_ =	shalt  }
0x4c: {  	_ =	shalt  }
0x4d: {  	_ =	shalt  }
0x4e: {  	_ =	shalt  }
0x4f: {  	_ =	shalt  }
0x50: {  	_ =	shalt  }
0x51: {  	_ =	shalt  }
0x52: {  	_ =	shalt  }
0x53: {  	_ =	shalt  }
0x54: {  	_ =	shalt  }
0x55: {  	_ =	shalt  }
0x56: {  	_ =	shalt  }
0x57: {  	_ =	shalt  }
0x58: {  	_ =	shalt  }
0x59: {  	_ =	shalt  }
0x5a: {  	_ =	shalt  }
0x5b: {  	_ =	shalt  }
0x5c: {  	_ =	shalt  }
0x5d: {  	_ =	shalt  }
0x5e: {  	_ =	shalt  }
0x5f: {  	_ =	shalt  }
0x60: {  	_ =	shalt  }
0x61: {  	_ =	shalt  }
0x62: {  	_ =	shalt  }
0x63: {  	_ =	shalt  }
0x64: {  	_ =	shalt  }
0x65: {  	_ =	shalt  }
0x66: {  	_ =	shalt  }
0x67: {  	_ =	shalt  }
0x68: {  	_ =	shalt  }
0x69: {  	_ =	shalt  }
0x6a: {  	_ =	shalt  }
0x6b: {  	_ =	shalt  }
0x6c: {  	_ =	shalt  }
0x6d: {  	_ =	shalt  }
0x6e: {  	_ =	shalt  }
0x6f: {  	_ =	shalt  }
0x70: {  	_ =	shalt  }
0x71: {  	_ =	shalt  }
0x72: {  	_ =	shalt  }
0x73: {  	_ =	shalt  }
0x74: {  	_ =	shalt  }
0x75: {  	_ =	shalt  }
0x76: {  	_ =	shalt  }
0x77: {  	_ =	shalt  }
0x78: {  	_ =	shalt  }
0x79: {  	_ =	shalt  }
0x7a: {  	_ =	shalt  }
0x7b: {  	_ =	shalt  }
0x7c: {  	_ =	shalt  }
0x7d: {  	_ =	shalt  }
0x7e: {  	_ =	shalt  }
0x7f: {  	_ =	shalt  }
0x80: {  	_ =	shalt  }
0x81: {  	_ =	shalt  }
0x82: {  	_ =	shalt  }
0x83: {  	_ =	shalt  }
0x84: {  	_ =	shalt  }
0x85: {  	_ =	shalt  }
0x86: {  	_ =	shalt  }
0x87: {  	_ =	shalt  }
.Lfunc_end0:
.L_simem_size_0:
called_computation_lowered:
.L_overlay_start_0:
0x88: {  	s2 =	sld [smem:$0x3FD9]  }
0x89: {  	s3 =	sld [smem:$0x3FFE];
	_ =	sdelay $0x1  }
0x8a: {  	s1 =	srdreg.scid  }
0x8b: {  	s0 =	sand.u32 $0x1, s1  }
0x8c: {  	s18 =	sshll.u32 s0, $0xA;
	s2 =	sadd.s32 s3, s2  }
0x8d: {  	s2 =	sadd.s32 s2, s18  }
0x8e: {  	[smem:$0x3FC6] =	sst s2  }
0x8f: {  	_ = 	snop  }
0x90: {  	s2 =	sld [smem:$0x3FC9]  }
0x91: {  	s19 =	sld [smem:$0x3FC8]  }
0x92: {  	s4 =	sld [smem:$0x3FD0];
	(tm) =	ssettm $0x1  }
0x93: {  	s5 =	sld [smem:$0x3FFB];
	_ =	sdelay $0x3  }
0x94: {  	_ =	strace s5  }
0x95: {  	s5 =	sld [smem:$0x3FFC];
	_ =	sdelay $0x3  }
0x96: {  	_ =	strace s5  }
0x97: {  	s5 =	sld [smem:$0x3FFD];
	_ =	sdelay $0x3  }
0x98: {  	_ =	strace s5  }
0x99: {  	_ =	strace $0x8FFFFFFF  }
0x9a: {  	s20 =	sld [smem:$0x3FDB];
	_ =	sdelay $0x1  }
0x9b: {  	s6 =	simm.s32 $_scs_section_size  }
0x9c: {  	s7 =	simm.s32 $_size__tile_overlayer_lowered;
	s8 =	simm.s32 $_tile_overlayer_lowered  }
0x9d: {  	s23 =	simm.s32 $0x1BFF;
	s22 =	sshll.u32 s8, $0x1;
	s5 =	sadd.s32 s6, s20  }
0x9e: {  	s9 =	simm.s32 $0x0;
	s21 =	sshll.u32 s7, $0x1;
	s7 =	sadd.s32 s22, s5  }
0x9f: {  	[timem:s9], [sflag:s23] =	dma.local [hbm:s7], s21  }
0xa0: {  	_ =	swait.ge [sflag:s23], s21  }
0xa1: {  	s6 =	ssub.s32 $0x0, s21;
	[sflag:s23] =	ssyncset.done $0x0  }
0xa2: {  	[sflag:s23] =	ssyncadd.s32 s6;
	_ =	sdelay $0x1  }
0xa3: {  	s24 =	simm.s32 $0x1B8B  }
0xa4: {  	_ =	swait.ge [sflag:s24], $0x1  }
0xa5: {  	[sflag:s24] =	ssyncset.done $0x0  }
0xa6: {  	s25 =	simm.s32 $0x1B8E;
	[sflag:s24] =	ssyncadd.s32 $0xFFFFFFFF  }
0xa7: {  	s26 =	simm.s32 $execute0_lowered;
	[smem:$0x3FD2] =	sst s25  }
0xa8: {  	s6 =	sshll.u32 s26, $0x1;
	_ =	strace $0x80000046;
	[dreg:$0x1] =	wrdreg $0xFFFFFFFF  }
0xa9: {  	s28 =	simm.s32 $_size_execute0_lowered;
	s5 =	sadd.s32 s5, s6;
	[dreg:$0x0] =	wrdreg $0x0  }
0xaa: {  	s6 =	sshll.u32 s28, $0x1;
	[dreg:$0x2] =	wrdreg s5  }
0xab: {  	[dreg:$0x3] =	wrdreg s6  }
0xac: {  	[dreg:$0x4] =	wrdreg $0xC0  }
0xad: {  	_ =	task [dreg:s9], $0x5FFFF  }
0xae: {  	[dreg:$0x1] =	wrdreg $0xFFFFFFFF  }
0xaf: {  	[dreg:$0x0] =	wrdreg $0x60  }
0xb0: {  	[dreg:$0x2] =	wrdreg s2  }
0xb1: {  	[dreg:$0x3] =	wrdreg s19  }
0xb2: {  	[dreg:$0x4] =	wrdreg s4  }
0xb3: {  	[dreg:$0x5] =	wrdreg $0x101000  }
0xb4: {  	[dreg:$0x6] =	wrdreg $0x9  }
0xb5: {  	_ =	task.clear_ibuf [dreg:s9], $0x7FFFF;
	_ =	strace $0x90000046  }
0xb6: {  	s29 =	simm.s32 $0x9;
	_ =	strace $0x80000048  }
0xb7: {  	_ =	swait.ge [sflag:s29], $0x1  }
0xb8: {  	[sflag:s29] =	ssyncadd.s32 $0xFFFFFFFF  }
0xb9: {  	_ =	strace $0x90000048  }
0xba: {  	_ =	sfence  }
0xbb: {  	s30 =	sld [smem:$0x0];
	_ =	sdelay $0x2  }
0xbc: {  	s31 =	sshll.u32 s1, $0xD;
	s1 =	sshrl.u32 s1, $0x2  }
0xbd: {  	s3 =	sand.u32 $0x4000, s31;
	s1 =	sadd.s32 s1, s30  }
0xbe: {  	s0 =	sor.u32 s3, s0;
	s1 =	sshll.u32 s1, $0x11  }
0xbf: {  	s0 =	sor.u32 s1, s0  }
0xc0: {  	s0 =	sadd.s32 $0x8F2B, s0  }
0xc1: {  	[sflag:s0] =	ssyncadd.remote.s32 $0x1  }
0xc2: {  	_ =	sfence.sel $0xFFFF  }
0xc3: {  	[dreg:$0x0] =	wrdreg $0xFFFFFFFF;
	(pc) =	sbr.abs _section_cstart, $3  }
0xc4: {  	[dreg:$0x1] =	wrdreg $0xFFFFFFFF  }
0xc5: {  	_ =	task.clear_ibuf [dreg:s9], $0x2FFFF;
	_ =	strace $0x9FFFFFFF  }
0xc6: {  	(tm) =	ssettm $0x7FFFFFFF  }
0xc7: {  	_ =	shalt  }
tec
execute0_lowered:
.L_overlay_start_1:
0x0: {  	(tag) =	ssettag $0x1  }
0x1: {  	s1 =	rddreg [dreg:$0x0]  }
0x2: {  	s0 =	rddreg [dreg:$0x1]  }
0x3: {  	s2 =	rddreg [dreg:$0x2]  }
0x4: {  	s3 =	rddreg [dreg:$0x3];
	s12 =	stileid.u32;
	v0 =	vimm.s32 $0xFEDCBA98;
	s4 =	simm.s32 $0x0  }
0x5: {  	s5 =	srdreg.scid;
	v1 =	vimm.s32 $0x76543210;
	v3 =	vimm.s32 $0xBA987654;
	s15 =	simm.s32 $0x5;
	[smem:$0x7FF] =	sst s4  }
0x6: {  	v2 =	vimm.f32 $9.000000000e+00;
	v4 =	vimm.s32 $0x10FEDCBA;
	s16 =	simm.s32 $0x80;
	s17 =	simm.s32 $0xF680;
	_ =	strace $0x80000047  }
0x7: {  	v5 =	vimm.s32 $0x98765432;
	s20 =	simm.s32 $0xF580;
	s21 =	simm.s32 $0xF780;
	s22 =	simm.s32 $0xF600;
	(erf) = vrcp.f32 v2  }
0x8: {  	v6 =	vimm.s32 $0xFEDCBA9;
	v7 =	vimm.s32 $0x87654321;
	s23 =	simm.s32 $0xF800;
	s24 =	simm.s32 $0x2;
	s25 =	simm.s32 $0xA2C0  }
0x9: {  	s28 =	simm.s32 $0xF880;
	s29 =	simm.s32 $0xF900;
	s30 =	simm.s32 $0x1;
	v0 =	vunpack.c.l.s4.s8 v0;
	v1 =	vunpack.c.l.s4.s8 v1;
	v3 =	vunpack.c.l.s4.s8 v3  }
0xa: {  	s31 =	simm.s32 $0x0;
	s6 =	smul.u32 $0xF420, s12;
	s7 =	sand.u32 $0x1, s5;
	v4 =	vunpack.c.l.s4.s8 v4;
	v5 =	vunpack.c.l.s4.s8 v5;
	v2 =	vimm.s32 $0x3210FEDC  }
0xb: {  	s11 =	sshll.u32 s12, $0x7;
	p0 =	sne.s32 s12, $0xF;
	s12 =	simm.s32 $0xF480;
	v6 =	vunpack.c.l.s4.s8 v6;
	v7 =	vunpack.c.l.s4.s8 v7;
	v2 =	vunpack.c.l.s4.s8 v2  }
0xc: {  	s9 =	ssub.s32 $0x2, s7;
	s8 =	sshll.u32 s7, $0x6;
	s7 =	sadd.s32 $0x1E840, s1;
	v0 =	vunpack.c.0.s8.s32 v0;
	v1 =	vunpack.c.0.s8.s32 v1;
	v3 =	vunpack.c.0.s8.s32 v3  }
0xd: {  	s26 =	sshrl.u32 s6, $0x3;
	s10 =	sshrl.u32 s9, $0x1;
	s13 =	sor.u32 s8, s11;
	v4 =	vunpack.c.0.s8.s32 v4;
	v5 =	vunpack.c.0.s8.s32 v5;
	v2 =	vunpack.c.0.s8.s32 v2  }
0xe: {  	v6 =	vunpack.c.0.s8.s32 v6;
	v7 =	vunpack.c.0.s8.s32 v7;
	s5 =	sadd.s32 s1, s26;
	s14 =	ssub.s32 s9, s10;
	s9 =	sadd.s32 s0, s13;
	v0 =	vand.u32 $0xF, v0  }
0xf: {  	s10 =	sadd.s32 s11, s3;
	s13 =	sadd.s32 s2, s13;
	s26 =	simm.s32 $0x3;
	v0 =	vcombine.low v0, v1;
	v1 =	vcombine.low v3, v2  }
0x10: {  	s6 =	sadd.s32 $0xA2C, s5;
	s8 =	sadd.s32 $0x1458, s5;
	s14 =	smax.u32 s14, $0x1;
	v2 =	vcombine.low v5, v4;
	v4 =	vcombine.low v7, v6;
	v5 =	vimm.f32 $0.0e+00;
	v3 =	vpop (erf)  }
.LBB2_1:
0x11: {  	[tilespmem:s4], [sflag:$0x2] =	stream.linear.gather [hbm4b:s5+s4], $0x5160, $0x38;
	[tilespmem:$0x10180] =	vst v63  }
0x12: {  	s0 =	simm.s32 $0x5160  }
0x13: {  	[tilespmem:s0], [sflag:$0x3] =	stream.linear.gather [hbm4b:s6+s4], $0x5160, $0x38;
	[tilespmem:$0x10180] =	vst v63  }
0x14: {  	s2 =	simm.s32 @!p0 $0xF420;
	s0 =	simm.s32 @!p0 $0x0  }
0x15: {  	[tilespmem:s2], [sflag:$0x4] =	stream.linear.gather @!p0 [hbm4b:s7+s0], $0x40, $0x38;
	[tilespmem:$0x10180] =	vst v63  }
0x16: {  	_ = 	snop  }
0x17: {  	[tilespmem:s12], [sflag:$0x5] =	stream.linear.gather [hbm4b:s9+s4], $0x200, $0x38;
	[tilespmem:$0x10180] =	vst v63  }
0x18: {  	_ =	swait.ge [sflag:s15], $0x200  }
0x19: {  	[sflag:s15] =	ssyncset.done $0x0  }
0x1a: {  	[sflag:s15] =	ssyncadd.s32 $0xFFFFFE00  }
0x1b: {  	[tilespmem:s17], [sflag:$0x1] =	stream.indirect.gather [hbm4b:s1+s16], $0x1, s12, s16, $0xb8;
	[tilespmem:$0x10180] =	vst v63  }
0x1c: {  	s18 =	simm.s32 $0xF500;
	s19 =	simm.s32 $0xF700  }
0x1d: {  	[tilespmem:s19], [sflag:$0x1] =	stream.indirect.gather [hbm4b:s1+s16], $0x1, s18, s16, $0xb8;
	[tilespmem:$0x10180] =	vst v63  }
0x1e: {  	_ = 	snop  }
0x1f: {  	[tilespmem:s21], [sflag:$0x1] =	stream.indirect.gather [hbm4b:s1+s16], $0x1, s20, s16, $0xb8;
	[tilespmem:$0x10180] =	vst v63  }
0x20: {  	_ = 	snop  }
0x21: {  	[tilespmem:s23], [sflag:$0x1] =	stream.indirect.gather [hbm4b:s1+s16], $0x1, s22, s16, $0xb8;
	[tilespmem:$0x10180] =	vst v63  }
0x22: {  	_ =	swait.ge [sflag:s24], $0x5160  }
0x23: {  	[sflag:s24] =	ssyncset.done $0x0  }
0x24: {  	s11 =	simm.s32 $0x150;
	[sflag:s24] =	ssyncadd.s32 $0xFFFFAEA0  }
0x25: {  	[tilespmem:s25], [sflag:$0x2] =	stream.linear.gather [hbm4b:s8+s4], $0x5160, $0x38;
	[tilespmem:$0x10180] =	vst v63  }
0x26: {  	v6 =	vld [tilespmem:s11+$0xFFFFFF60]  }
0x27: {  	v7 =	vld [tilespmem:s11+$0xFFFFFF40]  }
0x28: {  	v8 =	vld [tilespmem:s11+$0xA0]  }
0x29: {  	v9 =	vld [tilespmem:s11+$0x120]  }
0x2a: {  	s19 =	sand.u32 $0x7FE0, s4;
	v10 =	vld [tilespmem:s11+$0x40]  }
0x2b: {  	v11 =	vld [tilespmem:s19+$0x100]  }
0x2c: {  	v12 =	vld [tilespmem:s19+$0x80]  }
0x2d: {  	v13 =	vld [tilespmem:s11+$0xFFFFFF70]  }
0x2e: {  	v14 =	vld [tilespmem:s11+$0x20]  }
0x2f: {  	v16 =	vld [tilespmem:s11+$0xFFFFFF20]  }
0x30: {  	v17 =	vld [tilespmem:s11+$0xFFFFFF80];
	v6 =	vmul.f32 $1.442695020e+00, v6;
	v15 =	vmul.f32 $1.442695020e+00, v9  }
0x31: {  	v18 =	vld [tilespmem:s11+$0xFFFFFF10];
	v8 =	vmul.f32 $1.442695020e+00, v8;
	v7 =	vmul.f32 $1.442695020e+00, v7  }
0x32: {  	v19 =	vld [tilespmem:s11+$0xFFFFFED0];
	v11 =	vmul.f32 $1.442695020e+00, v11;
	v12 =	vmul.f32 $1.442695020e+00, v12  }
0x33: {  	v20 =	vld [tilespmem:s11+$0x0];
	v13 =	vmul.f32 $1.442695020e+00, v13;
	v14 =	vmul.f32 $1.442695020e+00, v14  }
0x34: {  	v22 =	vld [tilespmem:s11+$0xFFFFFFF0];
	(erf) = vpow2.f32 v6;
	v6 =	vmul.f32 $1.442695020e+00, v10  }
0x35: {  	v16 =	vmul.f32 $1.442695020e+00, v16;
	v10 =	vld [tilespmem:s11+$0xFFFFFF90];
	(erf) = vpow2.f32 v11  }
0x36: {  	v9 =	vld [tilespmem:s11+$0xFFFFFFA0];
	v17 =	vmul.f32 $1.442695020e+00, v17;
	(erf) = vpow2.f32 v6  }
0x37: {  	v34 =	vld [tilespmem:s11+$0x80];
	v18 =	vmul.f32 $1.442695020e+00, v18;
	(erf) = vpow2.f32 v12  }
0x38: {  	v20 =	vmul.f32 $1.442695020e+00, v20;
	v11 =	vld [tilespmem:s11+$0xFFFFFF00];
	(erf) = vpow2.f32 v8  }
0x39: {  	v22 =	vmul.f32 $1.442695020e+00, v22;
	v6 =	vld [tilespmem:s11+$0xFFFFFEF0];
	(erf) = vpow2.f32 v13  }
0x3a: {  	v12 =	vld [tilespmem:s11+$0xFFFFFEB0];
	v10 =	vmul.f32 $1.442695020e+00, v10;
	(erf) = vpow2.f32 v7  }
0x3b: {  	v9 =	vmul.f32 $1.442695020e+00, v9;
	v13 =	vld [tilespmem:s11+$0xFFFFFEE0];
	(erf) = vpow2.f32 v14  }
0x3c: {  	v25 =	vld [tilespmem:s11+$0xFFFFFFD0];
	v36 =	vmul.f32 $1.442695020e+00, v34;
	(erf) = vpow2.f32 v10  }
0x3d: {  	v8 =	vld [tilespmem:s11+$0xFFFFFEC0];
	v11 =	vmul.f32 $1.442695020e+00, v11;
	(erf) = vpow2.f32 v9  }
0x3e: {  	v14 =	vmul.f32 $1.442695020e+00, v6;
	v10 =	vld [tilespmem:s11+$0xFFFFFFC0];
	v7 =	vpop (erf);
	(erf) = vpow2.f32 v16  }
0x3f: {  	v12 =	vmul.f32 $1.442695020e+00, v12;
	v9 =	vpop (erf);
	v16 =	vld [tilespmem:s11+$0x10];
	(erf) = vpow2.f32 v15  }
0x40: {  	v13 =	vmul.f32 $1.442695020e+00, v13;
	v6 =	vpop (erf);
	(erf) = vpow2.f32 v17;
	v17 =	vld [tilespmem:s19+$0x180]  }
0x41: {  	v15 =	vmul.f32 $1.442695020e+00, v19;
	v19 =	vld [tilespmem:s19+$0x200];
	v24 =	vpop (erf);
	(erf) = vpow2.f32 v18  }
0x42: {  	v21 =	vmul.f32 $1.442695020e+00, v8;
	v26 =	vpop (erf);
	v18 =	vld [tilespmem:s11+$0xFFFFFF50];
	(erf) = vpow2.f32 v11  }
0x43: {  	v23 =	vmul.f32 $1.442695020e+00, v10;
	v8 =	vpop (erf);
	v11 =	vld [tilespmem:s11+$0xC0];
	(erf) = vpow2.f32 v13  }
0x44: {  	v10 =	vpop (erf);
	v13 =	vld [tilespmem:s11+$0x90];
	v30 =	vmul.f32 $1.442695020e+00, v16;
	(erf) = vpow2.f32 v12  }
0x45: {  	v32 =	vld [tilespmem:s11+$0x110];
	v12 =	vpop (erf);
	(erf) = vpow2.f32 v20;
	v16 =	vmul.f32 $1.442695020e+00, v17  }
0x46: {  	v28 =	vmul.f32 $1.442695020e+00, v19;
	v29 =	vpop (erf);
	v20 =	vld [tilespmem:s11+$0xFFFFFFE0];
	(erf) = vpow2.f32 v22  }
0x47: {  	v17 =	vpop (erf);
	v18 =	vmul.f32 $1.442695020e+00, v18;
	v22 =	vld [tilespmem:s11+$0x60];
	(erf) = vpow2.f32 v21  }
0x48: {  	v19 =	vpop (erf);
	v11 =	vmul.f32 $1.442695020e+00, v11;
	(erf) = vpow2.f32 v16  }
0x49: {  	v31 =	vld [tilespmem:s11+$0xE0];
	v21 =	vadd.f32 v19, v5;
	v19 =	vmul.f32 $1.442695020e+00, v13;
	v13 =	vmul.f32 $1.442695020e+00, v25;
	v16 =	vpop (erf)  }
0x4a: {  	v35 =	vld [tilespmem:s19+$0x280];
	v25 =	vmul.f32 $1.442695020e+00, v32;
	(erf) = vpow2.f32 v15;
	v33 =	vpop (erf)  }
0x4b: {  	v15 =	vadd.f32 v17, v21;
	(erf) = vpow2.f32 v14;
	v21 =	vmul.f32 $1.442695020e+00, v20;
	v14 =	vpop (erf)  }
0x4c: {  	(erf) = vpow2.f32 v23;
	v27 =	vmul.f32 $1.442695020e+00, v22;
	v14 =	vadd.f32 v14, v5;
	v17 =	vpop (erf)  }
0x4d: {  	(erf) = vpow2.f32 v11;
	v11 =	vld [tilespmem:s11+$0x70];
	v12 =	vadd.f32 v12, v15;
	v20 =	vadd.f32 v17, v5;
	v22 =	vpop (erf)  }
0x4e: {  	(erf) = vpow2.f32 v28;
	v17 =	vadd.f32 v29, v14;
	v14 =	vmul.f32 $1.442695020e+00, v31;
	v23 =	vpop (erf)  }
0x4f: {  	v34 =	vld [tilespmem:s11+$0xF0];
	(erf) = vpow2.f32 v18;
	v29 =	vmul.f32 $1.442695020e+00, v35;
	v26 =	vadd.f32 v26, v12;
	v15 =	vpop (erf)  }
0x50: {  	v32 =	vld [tilespmem:s11+$0x140];
	v12 =	vimm.f32 $0.0e+00;
	v31 =	vadd.f32 v23, v5;
	(erf) = vpow2.f32 v13;
	v13 =	vpop (erf)  }
0x51: {  	v28 =	vld [tilespmem:s11+$0x100];
	v18 =	vadd.f32 v33, v20;
	(erf) = vpow2.f32 v30;
	v30 =	vadd.f32 v22, v5;
	v23 =	vpop (erf)  }
0x52: {  	v33 =	vld [tilespmem:s11+$0x50];
	v24 =	vadd.f32 v24, v31;
	(erf) = vpow2.f32 v14;
	v31 =	vmul.f32 $1.442695020e+00, v11;
	v20 =	vpop (erf)  }
0x53: {  	s2 =	simm.s32 $0x3F0;
	s18 =	simm.s32 $0x2A0;
	v35 =	vld [tilespmem:s11+$0xD0];
	v14 =	vimm.f32 $0.0e+00;
	v11 =	vimm.f32 $0.0e+00;
	(erf) = vpow2.f32 v36;
	v22 =	vpop (erf)  }
.LBB2_2:
0x54: {  	s0 =	smov.u32 s18  }
0x55: {  	s11 =	sand.u32 $0x7FE0, s18;
	v36 =	vld [tilespmem:s2+$0xFFFFFF60];
	v7 =	vadd.f32 v7, v30;
	v30 =	vmul.f32 $1.442695020e+00, v32;
	v32 =	vpop (erf);
	(erf) = vpow2.f32 v27;
	s0 =	sadd.s32 $0x2A0, s18  }
0x56: {  	p1 =	sne.s32 s18, $0x4EC0;
	v14 =	vadd.f32 v23, v14;
	v9 =	vadd.f32 v9, v24;
	v27 =	vld [tilespmem:s2+$0xFFFFFF40];
	v23 =	vpop (erf);
	(erf) = vpow2.f32 v19  }
0x57: {  	v16 =	vadd.f32 v16, v26;
	v33 =	vmul.f32 $1.442695020e+00, v33;
	v24 =	vld [tilespmem:s2+$0xA0];
	(erf) = vpow2.f32 v21;
	v21 =	vpop (erf)  }
0x58: {  	v10 =	vadd.f32 v10, v14;
	v14 =	vmul.f32 $1.442695020e+00, v34;
	v26 =	vld [tilespmem:s2+$0x120];
	v34 =	vpop (erf);
	(erf) = vpow2.f32 v25  }
0x59: {  	v37 =	vadd.f32 v32, v11;
	v28 =	vmul.f32 $1.442695020e+00, v28;
	v32 =	vmul.f32 $1.442695020e+00, v35;
	v25 =	vld [tilespmem:s2+$0x40];
	v35 =	vpop (erf)  }
0x5a: {  	v10 =	vadd.f32 v23, v10;
	v36 =	vmul.f32 $1.442695020e+00, v36;
	v19 =	vld [tilespmem:s11+$0x180];
	v23 =	vpop (erf);
	(erf) = vpow2.f32 v29  }
0x5b: {  	v12 =	vadd.f32 v22, v12;
	v8 =	vadd.f32 v8, v37;
	v29 =	vld [tilespmem:s11+$0x100];
	v11 =	vpop (erf);
	(erf) = vpow2.f32 v31  }
0x5c: {  	v9 =	vadd.f32 v20, v9;
	v22 =	vld [tilespmem:s11+$0x80];
	v11 =	vadd.f32 v11, v17;
	v17 =	vpop (erf);
	(erf) = vpow2.f32 v28  }
0x5d: {  	v15 =	vadd.f32 v15, v18;
	v12 =	vadd.f32 v35, v12;
	v20 =	vld [tilespmem:s2+$0xFFFFFF70];
	(erf) = vpow2.f32 v36;
	v18 =	vpop (erf)  }
0x5e: {  	v6 =	vadd.f32 v6, v10;
	v28 =	vld [tilespmem:s2+$0x20];
	v25 =	vmul.f32 $1.442695020e+00, v25;
	v10 =	vpop (erf);
	(erf) = vpow2.f32 v32  }
0x5f: {  	v8 =	vadd.f32 v13, v8;
	v26 =	vmul.f32 $1.442695020e+00, v26;
	v31 =	vld [tilespmem:s2+$0xFFFFFF90];
	v13 =	vpop (erf);
	(erf) = vpow2.f32 v30  }
0x60: {  	v24 =	vmul.f32 $1.442695020e+00, v24;
	v12 =	vadd.f32 v23, v12;
	v30 =	vld [tilespmem:s2+$0xFFFFFFA0];
	v23 =	vpop (erf);
	(erf) = vpow2.f32 v14  }
0x61: {  	v27 =	vmul.f32 $1.442695020e+00, v27;
	v36 =	vadd.f32 v34, v9;
	v29 =	vmul.f32 $1.442695020e+00, v29;
	v14 =	vld [tilespmem:s2+$0xFFFFFF20];
	v32 =	vpop (erf)  }
0x62: {  	v35 =	vadd.f32 v13, v11;
	v22 =	vmul.f32 $1.442695020e+00, v22;
	v20 =	vmul.f32 $1.442695020e+00, v20;
	v34 =	vld [tilespmem:s2+$0xFFFFFF80]  }
0x63: {  	v23 =	vadd.f32 v23, v7;
	v11 =	vld [tilespmem:s2+$0xFFFFFF10];
	v28 =	vmul.f32 $1.442695020e+00, v28;
	(erf) = vpow2.f32 v33;
	v7 =	vpop (erf)  }
0x64: {  	v33 =	vld [tilespmem:s2+$0xFFFFFF00];
	v31 =	vmul.f32 $1.442695020e+00, v31;
	(erf) = vpow2.f32 v29;
	v13 =	vadd.f32 v7, v36;
	v9 =	vpop (erf)  }
0x65: {  	v6 =	vadd.f32 v21, v6;
	v29 =	vld [tilespmem:s2+$0xFFFFFEF0];
	v30 =	vmul.f32 $1.442695020e+00, v30;
	(erf) = vpow2.f32 v25;
	v21 =	vpop (erf)  }
0x66: {  	v10 =	vadd.f32 v10, v23;
	v25 =	vld [tilespmem:s2+$0xFFFFFEB0];
	v36 =	vmul.f32 $1.442695020e+00, v14;
	(erf) = vpow2.f32 v22;
	v7 =	vpop (erf)  }
0x67: {  	v14 =	vadd.f32 v18, v15;
	v22 =	vld [tilespmem:s2+$0xFFFFFEC0];
	v23 =	vmul.f32 $1.442695020e+00, v34;
	(erf) = vpow2.f32 v24;
	v15 =	vpop (erf)  }
0x68: {  	v8 =	vadd.f32 v9, v8;
	v18 =	vld [tilespmem:s2+$0xFFFFFEE0];
	v24 =	vmul.f32 $1.442695020e+00, v11;
	(erf) = vpow2.f32 v20;
	v9 =	vpop (erf)  }
0x69: {  	v20 =	vld [tilespmem:s2+$0xFFFFFED0];
	v33 =	vmul.f32 $1.442695020e+00, v33;
	(erf) = vpow2.f32 v27;
	v27 =	vadd.f32 v21, v14;
	v11 =	vpop (erf)  }
0x6a: {  	v14 =	vadd.f32 v9, v6;
	v29 =	vmul.f32 $1.442695020e+00, v29;
	v21 =	vld [tilespmem:s2+$0x0];
	(erf) = vpow2.f32 v28  }
0x6b: {  	v11 =	vadd.f32 v11, v8;
	v25 =	vmul.f32 $1.442695020e+00, v25;
	v28 =	vld [tilespmem:s2+$0xFFFFFFC0];
	(erf) = vpow2.f32 v31  }
0x6c: {  	v22 =	vmul.f32 $1.442695020e+00, v22;
	v8 =	vld [tilespmem:s2+$0xFFFFFFF0];
	(erf) = vpow2.f32 v30;
	v30 =	vadd.f32 v17, v10;
	v6 =	vpop (erf)  }
0x6d: {  	v10 =	vmul.f32 $1.442695020e+00, v18;
	v17 =	vld [tilespmem:s2+$0x10];
	(erf) = vpow2.f32 v36;
	v9 =	vpop (erf);
	v12 =	vadd.f32 v6, v12  }
0x6e: {  	v18 =	vmul.f32 $1.442695020e+00, v20;
	v20 =	vld [tilespmem:s11+$0x200];
	v6 =	vpop (erf);
	(erf) = vpow2.f32 v26;
	v26 =	vadd.f32 v32, v35  }
0x6f: {  	v21 =	vmul.f32 $1.442695020e+00, v21;
	v31 =	vld [tilespmem:s2+$0xC0];
	v34 =	vpop (erf);
	(erf) = vpow2.f32 v23;
	v12 =	vadd.f32 v15, v12  }
0x70: {  	v15 =	vld [tilespmem:s2+$0xFFFFFF50];
	v23 =	vmul.f32 $1.442695020e+00, v28;
	(erf) = vpow2.f32 v24;
	v35 =	vpop (erf)  }
0x71: {  	v24 =	vmul.f32 $1.442695020e+00, v8;
	v28 =	vld [tilespmem:s2+$0x90];
	(erf) = vpow2.f32 v33;
	v8 =	vpop (erf)  }
0x72: {  	v32 =	vld [tilespmem:s2+$0xFFFFFFD0];
	v36 =	vmul.f32 $1.442695020e+00, v17;
	(erf) = vpow2.f32 v10;
	v10 =	vpop (erf)  }
0x73: {  	v20 =	vmul.f32 $1.442695020e+00, v20;
	v37 =	vld [tilespmem:s11+$0x280];
	(erf) = vpow2.f32 v25;
	v25 =	vpop (erf)  }
0x74: {  	v33 =	vmul.f32 $1.442695020e+00, v19;
	v17 =	vld [tilespmem:s2+$0xFFFFFFE0];
	v38 =	vpop (erf);
	(erf) = vpow2.f32 v21  }
0x75: {  	v15 =	vmul.f32 $1.442695020e+00, v15;
	v39 =	vld [tilespmem:s2+$0x110];
	v21 =	vpop (erf);
	(erf) = vpow2.f32 v24  }
0x76: {  	v31 =	vmul.f32 $1.442695020e+00, v31;
	v24 =	vld [tilespmem:s2+$0x60];
	(erf) = vpow2.f32 v22;
	v19 =	vpop (erf)  }
0x77: {  	v22 =	vadd.f32 v19, v16;
	v19 =	vmul.f32 $1.442695020e+00, v28;
	v28 =	vld [tilespmem:s2+$0xE0];
	(erf) = vpow2.f32 v33;
	v16 =	vpop (erf)  }
0x78: {  	v33 =	vmul.f32 $1.442695020e+00, v32;
	v40 =	vld [tilespmem:s2+$0x80];
	(erf) = vpow2.f32 v18;
	v18 =	vpop (erf)  }
0x79: {  	v22 =	vadd.f32 v21, v22;
	v21 =	vmul.f32 $1.442695020e+00, v17;
	(erf) = vpow2.f32 v29;
	v17 =	vpop (erf)  }
0x7a: {  	v17 =	vadd.f32 v17, v26;
	v26 =	vpop (erf);
	(erf) = vpow2.f32 v23  }
0x7b: {  	v23 =	vadd.f32 v26, v27;
	v27 =	vmul.f32 $1.442695020e+00, v24;
	v26 =	vld [tilespmem:s2+$0x70];
	v24 =	vpop (erf);
	(erf) = vpow2.f32 v31  }
0x7c: {  	v17 =	vadd.f32 v38, v17;
	v31 =	vmul.f32 $1.442695020e+00, v28;
	v28 =	vpop (erf);
	(erf) = vpow2.f32 v20  }
.Ltmp0:
0x7d: {  	v22 =	vadd.f32 v25, v22;
	v25 =	vmul.f32 $1.442695020e+00, v39;
	v32 =	vld [tilespmem:s2+$0x140];
	(erf) = vpow2.f32 v15;
	v15 =	vpop (erf);
	(pc) =	sbr.rel @p1 .LBB2_2-.Ltmp0, $4  }
0x7e: {  	v39 =	vadd.f32 v28, v13;
	v38 =	vmul.f32 $1.442695020e+00, v40;
	v28 =	vld [tilespmem:s2+$0x100];
	(erf) = vpow2.f32 v33;
	v13 =	vpop (erf)  }
0x7f: {  	v29 =	vmul.f32 $1.442695020e+00, v37;
	v18 =	vadd.f32 v18, v23;
	v33 =	vld [tilespmem:s2+$0x50];
	v23 =	vpop (erf);
	(erf) = vpow2.f32 v36  }
0x80: {  	v30 =	vadd.f32 v24, v30;
	v24 =	vadd.f32 v34, v39;
	v34 =	vld [tilespmem:s2+$0xF0];
	v20 =	vpop (erf);
	(erf) = vpow2.f32 v31  }
0x81: {  	s18 =	smov.u32 s0;
	v31 =	vmul.f32 $1.442695020e+00, v26;
	v26 =	vadd.f32 v35, v22;
	v35 =	vld [tilespmem:s2+$0xD0];
	s2 =	sadd.s32 $0x2A0, s2;
	v22 =	vpop (erf);
	(erf) = vpow2.f32 v38  }
0x82: {  	v36 =	vpop (erf);
	(erf) = vpow2.f32 v27  }
0x83: {  	v27 =	vpop (erf);
	(erf) = vpow2.f32 v19  }
0x84: {  	(erf) = vpow2.f32 v21;
	v21 =	vpop (erf)  }
0x85: {  	v19 =	vmul.f32 $1.442695020e+00, v28;
	v37 =	vpop (erf);
	(erf) = vpow2.f32 v25  }
0x86: {  	v25 =	vpop (erf);
	(erf) = vpow2.f32 v29;
	v28 =	vmul.f32 $1.442695020e+00, v35  }
0x87: {  	v29 =	vpop (erf);
	(erf) = vpow2.f32 v31;
	v31 =	vmul.f32 $1.442695020e+00, v32  }
0x88: {  	v56 =	vpop (erf);
	(erf) = vpow2.f32 v19;
	v19 =	vmul.f32 $1.442695020e+00, v34  }
0x89: {  	v34 =	vpop (erf);
	(erf) = vpow2.f32 v28;
	v28 =	vmul.f32 $1.442695020e+00, v33  }
0x8a: {  	v57 =	vpop (erf);
	(erf) = vpow2.f32 v31  }
0x8b: {  	v31 =	vpop (erf);
	(erf) = vpow2.f32 v19  }
0x8c: {  	v58 =	vpop (erf);
	(erf) = vpow2.f32 v28  }
0x8d: {  	v28 =	vpop (erf)  }
0x8e: {  	v38 =	vpop (erf)  }
0x8f: {  	v39 =	vpop (erf)  }
0x90: {  	v40 =	vpop (erf)  }
0x91: {  	v41 =	vpop (erf)  }
0x92: {  	v19 =	vpop (erf)  }
0x93: {  	v42 =	vpop (erf)  }
0x94: {  	v43 =	vpop (erf)  }
0x95: {  	v44 =	vpop (erf)  }
0x96: {  	_ =	swait.ge [sflag:s26], $0x5160  }
0x97: {  	[sflag:s26] =	ssyncset.done $0x0  }
0x98: {  	s11 =	simm.s32 $0x0;
	[sflag:s26] =	ssyncadd.s32 $0xFFFFAEA0  }
0x99: {  	v45 =	vld [tilespmem:s11+$0x51A0]  }
0x9a: {  	s0 =	simm.s32 $0x0;
	v46 =	vld [tilespmem:s11+$0x53C0]  }
0x9b: {  	s2 =	sand.u32 $0x7FE0, s0;
	v47 =	vld [tilespmem:s11+$0x5190]  }
0x9c: {  	v48 =	vld [tilespmem:s2+$0x5180]  }
0x9d: {  	v49 =	vld [tilespmem:s11+$0x5210]  }
0x9e: {  	v50 =	vld [tilespmem:s11+$0x5370]  }
0x9f: {  	v51 =	vld [tilespmem:s11+$0x5170]  }
0xa0: {  	v14 =	vadd.f32 v23, v14;
	v52 =	vld [tilespmem:s11+$0x52F0]  }
0xa1: {  	v30 =	vadd.f32 v7, v30;
	v9 =	vadd.f32 v9, v24;
	v23 =	vld [tilespmem:s11+$0x5160]  }
0xa2: {  	v7 =	vadd.f32 v16, v26;
	v10 =	vadd.f32 v10, v14;
	v16 =	vld [tilespmem:s2+$0x5200]  }
0xa3: {  	v12 =	vadd.f32 v22, v12;
	v11 =	vadd.f32 v36, v11;
	v24 =	vld [tilespmem:s11+$0x5220]  }
0xa4: {  	v15 =	vadd.f32 v15, v18;
	v10 =	vadd.f32 v27, v10;
	v27 =	vld [tilespmem:s11+$0x5230]  }
0xa5: {  	v9 =	vadd.f32 v20, v9;
	v8 =	vadd.f32 v8, v11;
	v61 =	vld [tilespmem:s11+$0x51E0];
	v22 =	vmul.f32 $1.442695020e+00, v46  }
0xa6: {  	v12 =	vadd.f32 v25, v12;
	v62 =	vld [tilespmem:s2+$0x5280];
	v11 =	vmul.f32 $1.442695020e+00, v50;
	v26 =	vmul.f32 $1.442695020e+00, v49  }
0xa7: {  	v8 =	vadd.f32 v13, v8;
	v14 =	vld [tilespmem:s11+$0x51B0];
	v59 =	vmul.f32 $1.442695020e+00, v51;
	v60 =	vmul.f32 $1.442695020e+00, v48  }
0xa8: {  	v6 =	vadd.f32 v6, v10;
	v10 =	vld [tilespmem:s11+$0x51F0];
	v20 =	vmul.f32 $1.442695020e+00, v47;
	v45 =	vmul.f32 $1.442695020e+00, v45  }
0xa9: {  	v17 =	vadd.f32 v56, v17;
	v53 =	vld [tilespmem:s11+$0x5270];
	v16 =	vmul.f32 $1.442695020e+00, v16;
	v18 =	vmul.f32 $1.442695020e+00, v24  }
0xaa: {  	v63 =	vadd.f32 v29, v12;
	v29 =	vld [tilespmem:s11+$0x5260];
	v25 =	vmul.f32 $1.442695020e+00, v27;
	v24 =	vmul.f32 $1.442695020e+00, v52  }
0xab: {  	v35 =	vadd.f32 v58, v17;
	v17 =	vld [tilespmem:s11+$0x52A0];
	v27 =	vmul.f32 $1.442695020e+00, v61;
	v47 =	vmul.f32 $1.442695020e+00, v62  }
0xac: {  	(erf) = vpow2.f32 v22;
	v22 =	vmul.f32 $1.442695020e+00, v14;
	v14 =	vld [tilespmem:s11+$0x51C0]  }
0xad: {  	v8 =	vadd.f32 v40, v8;
	v10 =	vmul.f32 $1.442695020e+00, v10;
	(erf) = vpow2.f32 v11;
	v11 =	vld [tilespmem:s11+$0x51D0]  }
0xae: {  	v13 =	vld [tilespmem:s11+$0x5240];
	v23 =	vmul.f32 $1.442695020e+00, v23;
	(erf) = vpow2.f32 v26  }
0xaf: {  	v40 =	vadd.f32 v43, v8;
	v8 =	vld [tilespmem:s11+$0x5340];
	v54 =	vmul.f32 $1.442695020e+00, v29;
	(erf) = vpow2.f32 v24  }
0xb0: {  	v17 =	vmul.f32 $1.442695020e+00, v17;
	v61 =	vld [tilespmem:s11+$0x52D0];
	(erf) = vpow2.f32 v59  }
0xb1: {  	v9 =	vadd.f32 v37, v9;
	v26 =	vld [tilespmem:s11+$0x52C0];
	v52 =	vmul.f32 $1.442695020e+00, v14;
	v14 =	vmul.f32 $1.442695020e+00, v53  }
0xb2: {  	v21 =	vadd.f32 v21, v6;
	v24 =	vld [tilespmem:s11+$0x5310];
	(erf) = vpow2.f32 v60;
	v53 =	vmul.f32 $1.442695020e+00, v11  }
0xb3: {  	v11 =	vadd.f32 v28, v30;
	v28 =	vmul.f32 $1.442695020e+00, v13;
	v13 =	vld [tilespmem:s11+$0x52E0];
	(erf) = vpow2.f32 v20  }
0xb4: {  	v12 =	vadd.f32 v39, v9;
	v32 =	vmul.f32 $1.442695020e+00, v8;
	v20 =	vld [tilespmem:s11+$0x53F0];
	(erf) = vpow2.f32 v10  }
0xb5: {  	v9 =	vadd.f32 v57, v15;
	v36 =	vmul.f32 $1.442695020e+00, v61;
	v30 =	vld [tilespmem:s2+$0x5300];
	(erf) = vpow2.f32 v14  }
0xb6: {  	v15 =	vld [tilespmem:s11+$0x5250];
	v26 =	vmul.f32 $1.442695020e+00, v26;
	v11 =	vadd.f32 v31, v11;
	v6 =	vpop (erf);
	(erf) = vpow2.f32 v16  }
0xb7: {  	v10 =	vadd.f32 v41, v9;
	v9 =	vmul.f32 $1.442695020e+00, v24;
	v14 =	vpop (erf);
	(erf) = vpow2.f32 v27  }
0xb8: {  	v59 =	vld [tilespmem:s11+$0x5360];
	v16 =	vmul.f32 $1.442695020e+00, v13;
	v56 =	vpop (erf);
	(erf) = vpow2.f32 v22  }
0xb9: {  	v31 =	vld [tilespmem:s11+$0x5320];
	v57 =	vmul.f32 $1.442695020e+00, v20;
	v58 =	vpop (erf);
	(erf) = vpow2.f32 v45  }
0xba: {  	v55 =	vld [tilespmem:s11+$0x52B0];
	v20 =	vadd.f32 v34, v11;
	v29 =	vmul.f32 $1.442695020e+00, v30;
	v11 =	vpop (erf);
	(erf) = vpow2.f32 v18  }
0xbb: {  	v21 =	vadd.f32 v42, v21;
	v24 =	vld [tilespmem:s11+$0x53A0];
	v18 =	vmul.f32 $1.442695020e+00, v15;
	v15 =	vpop (erf);
	(erf) = vpow2.f32 v52  }
0xbc: {  	v39 =	vld [tilespmem:s11+$0x53B0];
	v22 =	vadd.f32 v44, v63;
	v13 =	vadd.f32 v38, v35;
	v62 =	vpop (erf);
	(erf) = vpow2.f32 v28  }
0xbd: {  	v60 =	vld [tilespmem:s2+$0x5380];
	v35 =	vmul.f32 $1.442695020e+00, v59;
	v21 =	vadd.f32 v11, v21;
	(erf) = vpow2.f32 v23;
	v23 =	vpop (erf)  }
0xbe: {  	v30 =	vld [tilespmem:s11+$0x5390];
	v27 =	vmul.f32 $1.442695020e+00, v31;
	v63 =	vpop (erf);
	(erf) = vpow2.f32 v26;
	v26 =	vadd.f32 v62, v20  }
0xbf: {  	v38 =	vld [tilespmem:s11+$0x5290];
	v11 =	vadd.f32 v19, v22;
	v21 =	vadd.f32 v23, v21;
	(erf) = vpow2.f32 v53;
	v19 =	vpop (erf)  }
0xc0: {  	v34 =	vld [tilespmem:s11+$0x53D0];
	v33 =	vmul.f32 $1.442695020e+00, v24;
	v23 =	vpop (erf);
	(erf) = vpow2.f32 v47  }
0xc1: {  	v24 =	vmul.f32 $1.442695020e+00, v55;
	v31 =	vld [tilespmem:s11+$0x5350];
	v44 =	vadd.f32 v63, v21;
	v20 =	vpop (erf);
	(erf) = vpow2.f32 v54  }
0xc2: {  	v22 =	vld [tilespmem:s11+$0x5330];
	v21 =	vmul.f32 $1.442695020e+00, v60;
	v8 =	vadd.f32 v56, v26;
	v26 =	vpop (erf);
	(erf) = vpow2.f32 v25  }
0xc3: {  	s0 =	simm.s32 $0xA80;
	s2 =	simm.s32 $0x2A0;
	v28 =	vld [tilespmem:s11+$0x53E0];
	v37 =	vadd.f32 v58, v44;
	v25 =	vadd.f32 v26, v40;
	v26 =	vpop (erf);
	(erf) = vpow2.f32 v57  }
.LBB2_4:
0xc4: {  	s19 =	smov.u32 s0  }
0xc5: {  	s11 =	sshra.s32 s0, $0x2;
	s18 =	sand.u32 $0x7FE0, s2;
	v38 =	vmul.f32 $1.442695020e+00, v38;
	v40 =	vpop (erf);
	(erf) = vpow2.f32 v29;
	s19 =	sadd.s32 $0xA80, s0  }
0xc6: {  	p1 =	sne.s32 s0, $0x13B00;
	v30 =	vmul.f32 $1.442695020e+00, v30;
	v14 =	vadd.f32 v14, v37;
	v29 =	vld [tilespmem:s11+$0x51A0];
	v37 =	vpop (erf);
	(erf) = vpow2.f32 v33  }
0xc7: {  	v25 =	vadd.f32 v26, v25;
	v26 =	vmul.f32 $1.442695020e+00, v31;
	v33 =	vld [tilespmem:s11+$0x53C0];
	v31 =	vpop (erf);
	(erf) = vpow2.f32 v17  }
0xc8: {  	v17 =	vld [tilespmem:s11+$0x5190];
	v12 =	vadd.f32 v31, v12;
	v31 =	vmul.f32 $1.442695020e+00, v39;
	v39 =	vpop (erf);
	(erf) = vpow2.f32 v27  }
0xc9: {  	v34 =	vmul.f32 $1.442695020e+00, v34;
	v27 =	vld [tilespmem:s18+$0x5180];
	v41 =	vpop (erf);
	(erf) = vpow2.f32 v35  }
0xca: {  	v22 =	vmul.f32 $1.442695020e+00, v22;
	v35 =	vld [tilespmem:s11+$0x5210];
	v12 =	vadd.f32 v23, v12;
	v23 =	vpop (erf);
	(erf) = vpow2.f32 v16  }
0xcb: {  	v11 =	vadd.f32 v15, v11;
	v15 =	vmul.f32 $1.442695020e+00, v28;
	v16 =	vld [tilespmem:s11+$0x5370];
	v28 =	vpop (erf);
	(erf) = vpow2.f32 v32  }
0xcc: {  	v13 =	vadd.f32 v40, v13;
	v32 =	vld [tilespmem:s11+$0x5170];
	v33 =	vmul.f32 $1.442695020e+00, v33;
	v40 =	vpop (erf);
	(erf) = vpow2.f32 v24  }
0xcd: {  	v11 =	vadd.f32 v19, v11;
	v7 =	vadd.f32 v41, v7;
	v24 =	vld [tilespmem:s11+$0x52F0];
	(erf) = vpow2.f32 v36;
	v19 =	vpop (erf)  }
0xce: {  	v10 =	vadd.f32 v20, v10;
	v12 =	vadd.f32 v28, v12;
	v36 =	vld [tilespmem:s11+$0x5160];
	(erf) = vpow2.f32 v18;
	v18 =	vpop (erf)  }
0xcf: {  	v13 =	vadd.f32 v37, v13;
	v11 =	vadd.f32 v23, v11;
	v20 =	vld [tilespmem:s11+$0x5270];
	(erf) = vpow2.f32 v30;
	v23 =	vpop (erf)  }
0xd0: {  	v10 =	vadd.f32 v40, v10;
	v28 =	vld [tilespmem:s11+$0x51F0];
	v16 =	vmul.f32 $1.442695020e+00, v16;
	v30 =	vpop (erf);
	(erf) = vpow2.f32 v31  }
0xd1: {  	v35 =	vmul.f32 $1.442695020e+00, v35;
	v31 =	vld [tilespmem:s11+$0x51B0];
	v25 =	vadd.f32 v30, v25;
	v30 =	vpop (erf);
	(erf) = vpow2.f32 v26  }
0xd2: {  	v13 =	vadd.f32 v39, v13;
	v32 =	vmul.f32 $1.442695020e+00, v32;
	v26 =	vld [tilespmem:s18+$0x5200];
	v37 =	vpop (erf);
	(erf) = vpow2.f32 v21  }
0xd3: {  	v19 =	vadd.f32 v19, v14;
	v21 =	vmul.f32 $1.442695020e+00, v27;
	v27 =	vld [tilespmem:s11+$0x5220];
	(erf) = vpow2.f32 v38;
	v14 =	vpop (erf)  }
0xd4: {  	v17 =	vmul.f32 $1.442695020e+00, v17;
	v38 =	vld [tilespmem:s11+$0x5230];
	v12 =	vadd.f32 v14, v12;
	(erf) = vpow2.f32 v9;
	v9 =	vpop (erf)  }
0xd5: {  	v39 =	vmul.f32 $1.442695020e+00, v29;
	v11 =	vadd.f32 v18, v11;
	v14 =	vld [tilespmem:s11+$0x51E0];
	(erf) = vpow2.f32 v33;
	v18 =	vpop (erf)  }
0xd6: {  	v30 =	vadd.f32 v30, v25;
	v29 =	vmul.f32 $1.442695020e+00, v31;
	v31 =	vld [tilespmem:s18+$0x5280];
	v33 =	vpop (erf);
	(erf) = vpow2.f32 v22  }
0xd7: {  	v10 =	vadd.f32 v18, v10;
	v22 =	vld [tilespmem:s11+$0x51C0];
	v40 =	vmul.f32 $1.442695020e+00, v26;
	v18 =	vpop (erf);
	(erf) = vpow2.f32 v34  }
0xd8: {  	v34 =	vld [tilespmem:s11+$0x51D0];
	v27 =	vmul.f32 $1.442695020e+00, v27;
	v7 =	vadd.f32 v18, v7;
	v18 =	vpop (erf);
	(erf) = vpow2.f32 v15  }
0xd9: {  	v24 =	vmul.f32 $1.442695020e+00, v24;
	v26 =	vadd.f32 v23, v30;
	v25 =	vmul.f32 $1.442695020e+00, v38;
	v15 =	vld [tilespmem:s11+$0x5240];
	v23 =	vpop (erf)  }
0xda: {  	v30 =	vmul.f32 $1.442695020e+00, v14;
	v14 =	vld [tilespmem:s11+$0x52C0];
	(erf) = vpow2.f32 v16;
	v7 =	vadd.f32 v33, v7;
	v16 =	vpop (erf)  }
0xdb: {  	v12 =	vadd.f32 v37, v12;
	v33 =	vld [tilespmem:s11+$0x5260];
	v41 =	vmul.f32 $1.442695020e+00, v31;
	(erf) = vpow2.f32 v35;
	v31 =	vpop (erf)  }
0xdc: {  	v20 =	vmul.f32 $1.442695020e+00, v20;
	v22 =	vmul.f32 $1.442695020e+00, v22;
	v35 =	vld [tilespmem:s11+$0x52A0];
	v11 =	vadd.f32 v31, v11;
	v31 =	vpop (erf)  }
0xdd: {  	v7 =	vadd.f32 v16, v7;
	v34 =	vmul.f32 $1.442695020e+00, v34;
	v37 =	vld [tilespmem:s11+$0x5310];
	(erf) = vpow2.f32 v24;
	v16 =	vpop (erf)  }
0xde: {  	v24 =	vmul.f32 $1.442695020e+00, v28;
	v8 =	vadd.f32 v31, v8;
	v28 =	vmul.f32 $1.442695020e+00, v15;
	v15 =	vld [tilespmem:s11+$0x52E0];
	v38 =	vpop (erf)  }
0xdf: {  	v36 =	vmul.f32 $1.442695020e+00, v36;
	v9 =	vadd.f32 v9, v13;
	v31 =	vld [tilespmem:s11+$0x53F0];
	(erf) = vpow2.f32 v32;
	v13 =	vpop (erf)  }
0xe0: {  	v32 =	vmul.f32 $1.442695020e+00, v14;
	v8 =	vadd.f32 v16, v8;
	v42 =	vld [tilespmem:s18+$0x5300];
	(erf) = vpow2.f32 v21;
	v21 =	vpop (erf)  }
0xe1: {  	v44 =	vmul.f32 $1.442695020e+00, v33;
	v10 =	vadd.f32 v13, v10;
	v43 =	vld [tilespmem:s11+$0x5250];
	(erf) = vpow2.f32 v17;
	v33 =	vpop (erf)  }
0xe2: {  	v13 =	vadd.f32 v6, v9;
	v6 =	vmovc v38;
	v17 =	vmul.f32 $1.442695020e+00, v35;
	v35 =	vld [tilespmem:s11+$0x5320];
	(erf) = vpow2.f32 v24  }
0xe3: {  	v8 =	vadd.f32 v18, v8;
	v9 =	vmul.f32 $1.442695020e+00, v37;
	v24 =	vld [tilespmem:s11+$0x52B0];
	(erf) = vpow2.f32 v20;
	v14 =	vpop (erf)  }
0xe4: {  	v12 =	vadd.f32 v33, v12;
	v16 =	vmul.f32 $1.442695020e+00, v15;
	v20 =	vld [tilespmem:s11+$0x53A0];
	(erf) = vpow2.f32 v40;
	v37 =	vpop (erf)  }
0xe5: {  	v10 =	vadd.f32 v23, v10;
	v45 =	vmul.f32 $1.442695020e+00, v31;
	v40 =	vld [tilespmem:s11+$0x5340];
	(erf) = vpow2.f32 v30  }
0xe6: {  	v7 =	vadd.f32 v21, v7;
	v46 =	vld [tilespmem:s18+$0x5380];
	(erf) = vpow2.f32 v29;
	v47 =	vpop (erf)  }
0xe7: {  	v29 =	vmul.f32 $1.442695020e+00, v42;
	v48 =	vld [tilespmem:s11+$0x52D0];
	(erf) = vpow2.f32 v39  }
0xe8: {  	v18 =	vmul.f32 $1.442695020e+00, v43;
	v21 =	vld [tilespmem:s11+$0x5360];
	v15 =	vpop (erf);
	(erf) = vpow2.f32 v27  }
0xe9: {  	v27 =	vmul.f32 $1.442695020e+00, v35;
	v19 =	vadd.f32 v15, v19;
	v30 =	vld [tilespmem:s11+$0x5390];
	v15 =	vpop (erf);
	(erf) = vpow2.f32 v22  }
0xea: {  	v33 =	vmul.f32 $1.442695020e+00, v20;
	v22 =	vld [tilespmem:s11+$0x5330];
	v20 =	vpop (erf);
	(erf) = vpow2.f32 v28  }
0xeb: {  	v24 =	vmul.f32 $1.442695020e+00, v24;
	v8 =	vadd.f32 v20, v8;
	v31 =	vld [tilespmem:s11+$0x5350];
	(erf) = vpow2.f32 v36;
	v20 =	vpop (erf)  }
0xec: {  	v36 =	vadd.f32 v20, v19;
	v38 =	vld [tilespmem:s11+$0x5290];
	v23 =	vpop (erf);
	(erf) = vpow2.f32 v32  }
.Ltmp1:
0xed: {  	v8 =	vadd.f32 v37, v8;
	v35 =	vmul.f32 $1.442695020e+00, v21;
	v28 =	vld [tilespmem:s11+$0x53E0];
	(erf) = vpow2.f32 v34;
	v19 =	vpop (erf);
	(pc) =	sbr.rel @p1 .LBB2_4-.Ltmp1, $4  }
0xee: {  	v32 =	vmul.f32 $1.442695020e+00, v40;
	v37 =	vadd.f32 v23, v36;
	v34 =	vld [tilespmem:s11+$0x53D0];
	v23 =	vpop (erf);
	(erf) = vpow2.f32 v41  }
0xef: {  	v21 =	vmul.f32 $1.442695020e+00, v46;
	v39 =	vld [tilespmem:s11+$0x53B0];
	v20 =	vpop (erf);
	(erf) = vpow2.f32 v44  }
0xf0: {  	v36 =	vmul.f32 $1.442695020e+00, v48;
	v40 =	vpop (erf);
	(erf) = vpow2.f32 v25  }
0xf1: {  	s2 =	sadd.s32 $0x2A0, s2;
	s0 =	smov.u32 s19;
	v37 =	vadd.f32 v47, v37;
	v25 =	vadd.f32 v40, v26;
	v26 =	vpop (erf);
	(erf) = vpow2.f32 v45  }
0xf2: {  	v40 =	vpop (erf);
	(erf) = vpow2.f32 v29  }
0xf3: {  	v29 =	vpop (erf);
	(erf) = vpow2.f32 v33  }
0xf4: {  	v57 =	vpop (erf);
	(erf) = vpow2.f32 v17  }
0xf5: {  	v41 =	vpop (erf);
	(erf) = vpow2.f32 v27  }
0xf6: {  	v27 =	vpop (erf);
	(erf) = vpow2.f32 v35  }
0xf7: {  	v58 =	vpop (erf);
	(erf) = vpow2.f32 v16  }
0xf8: {  	v42 =	vpop (erf);
	(erf) = vpow2.f32 v32  }
0xf9: {  	v17 =	vmul.f32 $1.442695020e+00, v39;
	v59 =	vpop (erf);
	(erf) = vpow2.f32 v24  }
0xfa: {  	v16 =	vmul.f32 $1.442695020e+00, v30;
	(erf) = vpow2.f32 v36;
	v24 =	vpop (erf)  }
0xfb: {  	v30 =	vmul.f32 $1.442695020e+00, v31;
	(erf) = vpow2.f32 v18;
	v18 =	vpop (erf)  }
0xfc: {  	(erf) = vpow2.f32 v16;
	v31 =	vpop (erf)  }
0xfd: {  	v60 =	vpop (erf);
	(erf) = vpow2.f32 v17  }
0xfe: {  	v16 =	vmul.f32 $1.442695020e+00, v38;
	v61 =	vpop (erf);
	(erf) = vpow2.f32 v30  }
0xff: {  	v17 =	vmul.f32 $1.442695020e+00, v22;
	v30 =	vpop (erf);
	(erf) = vpow2.f32 v21  }
0x100: {  	v22 =	vmul.f32 $1.442695020e+00, v28;
	(erf) = vpow2.f32 v16;
	v21 =	vpop (erf)  }
0x101: {  	v16 =	vmul.f32 $1.442695020e+00, v34;
	(erf) = vpow2.f32 v9;
	v9 =	vpop (erf)  }
0x102: {  	v28 =	vpop (erf);
	(erf) = vpow2.f32 v17  }
0x103: {  	v62 =	vpop (erf);
	(erf) = vpow2.f32 v16  }
0x104: {  	v63 =	vpop (erf);
	(erf) = vpow2.f32 v22  }
0x105: {  	v22 =	vpop (erf)  }
0x106: {  	v16 =	vpop (erf)  }
0x107: {  	v43 =	vpop (erf)  }
0x108: {  	v44 =	vpop (erf)  }
0x109: {  	v45 =	vpop (erf)  }
0x10a: {  	v46 =	vpop (erf)  }
0x10b: {  	v47 =	vpop (erf)  }
0x10c: {  	v17 =	vpop (erf)  }
0x10d: {  	v48 =	vpop (erf)  }
0x10e: {  	_ =	swait.ge [sflag:s24], $0x5160  }
0x10f: {  	[sflag:s24] =	ssyncset.done $0x0  }
0x110: {  	s0 =	simm.s32 $0x0;
	[sflag:s24] =	ssyncadd.s32 $0xFFFFAEA0  }
0x111: {  	v52 =	vld [tilespmem:s0+$0xA3B0]  }
0x112: {  	v53 =	vld [tilespmem:s0+$0xA410]  }
0x113: {  	v12 =	vadd.f32 v57, v12;
	v54 =	vld [tilespmem:s0+$0xA370]  }
0x114: {  	v11 =	vadd.f32 v15, v11;
	v15 =	vld [tilespmem:s0+$0xA2E0]  }
0x115: {  	v10 =	vadd.f32 v20, v10;
	v12 =	vadd.f32 v23, v12;
	v23 =	vld [tilespmem:s0+$0xA390]  }
0x116: {  	s2 =	simm.s32 $0x0;
	v13 =	vadd.f32 v40, v13;
	v11 =	vadd.f32 v19, v11;
	v19 =	vld [tilespmem:s0+$0xA2D0]  }
0x117: {  	v14 =	vadd.f32 v14, v37;
	v25 =	vadd.f32 v26, v25;
	s11 =	sand.u32 $0x7FE0, s2;
	v20 =	vld [tilespmem:s0+$0xA3D0]  }
0x118: {  	v13 =	vadd.f32 v29, v13;
	v7 =	vadd.f32 v27, v7;
	v56 =	vld [tilespmem:s11+$0xA300]  }
0x119: {  	v11 =	vadd.f32 v58, v11;
	v12 =	vadd.f32 v42, v12;
	v57 =	vld [tilespmem:s11+$0xA380]  }
0x11a: {  	v10 =	vadd.f32 v59, v10;
	v14 =	vadd.f32 v24, v14;
	v58 =	vld [tilespmem:s0+$0xA360]  }
0x11b: {  	v25 =	vadd.f32 v60, v25;
	v24 =	vld [tilespmem:s11+$0xA400];
	v26 =	vmul.f32 $1.442695020e+00, v52;
	v29 =	vmul.f32 $1.442695020e+00, v53  }
0x11c: {  	v12 =	vadd.f32 v21, v12;
	v21 =	vld [tilespmem:s0+$0xA2C0];
	v55 =	vmul.f32 $1.442695020e+00, v54;
	v23 =	vmul.f32 $1.442695020e+00, v23  }
0x11d: {  	v11 =	vadd.f32 v18, v11;
	v18 =	vld [tilespmem:s0+$0xA350];
	v15 =	vmul.f32 $1.442695020e+00, v15;
	v20 =	vmul.f32 $1.442695020e+00, v20  }
0x11e: {  	v25 =	vadd.f32 v61, v25;
	v50 =	vld [tilespmem:s0+$0xA550];
	v19 =	vmul.f32 $1.442695020e+00, v19;
	v35 =	vmul.f32 $1.442695020e+00, v57  }
0x11f: {  	v10 =	vadd.f32 v28, v10;
	v59 =	vld [tilespmem:s0+$0xA340];
	v28 =	vmul.f32 $1.442695020e+00, v56;
	v60 =	vmul.f32 $1.442695020e+00, v58  }
0x120: {  	v13 =	vadd.f32 v41, v13;
	v51 =	vld [tilespmem:s0+$0xA2F0];
	v24 =	vmul.f32 $1.442695020e+00, v24;
	(erf) = vpow2.f32 v26  }
0x121: {  	v36 =	vadd.f32 v31, v25;
	v49 =	vld [tilespmem:s0+$0xA310];
	v21 =	vmul.f32 $1.442695020e+00, v21;
	(erf) = vpow2.f32 v29  }
0x122: {  	v7 =	vadd.f32 v63, v7;
	v25 =	vld [tilespmem:s0+$0xA3A0];
	v18 =	vmul.f32 $1.442695020e+00, v18;
	(erf) = vpow2.f32 v23  }
0x123: {  	v12 =	vadd.f32 v30, v12;
	v31 =	vld [tilespmem:s11+$0xA480];
	v23 =	vmul.f32 $1.442695020e+00, v50;
	(erf) = vpow2.f32 v55  }
0x124: {  	v7 =	vadd.f32 v62, v7;
	v62 =	vld [tilespmem:s0+$0xA3E0];
	v30 =	vmul.f32 $1.442695020e+00, v59;
	(erf) = vpow2.f32 v15  }
0x125: {  	v9 =	vadd.f32 v9, v13;
	v13 =	vld [tilespmem:s0+$0xA3F0];
	v26 =	vmul.f32 $1.442695020e+00, v51;
	(erf) = vpow2.f32 v23  }
0x126: {  	v29 =	vmul.f32 $1.442695020e+00, v49;
	v15 =	vld [tilespmem:s0+$0xA460];
	(erf) = vpow2.f32 v19  }
0x127: {  	v25 =	vmul.f32 $1.442695020e+00, v25;
	v57 =	vld [tilespmem:s0+$0xA4A0];
	(erf) = vpow2.f32 v26  }
0x128: {  	v31 =	vmul.f32 $1.442695020e+00, v31;
	v23 =	vld [tilespmem:s0+$0xA320];
	(erf) = vpow2.f32 v18  }
0x129: {  	v54 =	vmul.f32 $1.442695020e+00, v62;
	v19 =	vld [tilespmem:s0+$0xA490];
	v18 =	vadd.f32 v43, v7;
	v7 =	vpop (erf);
	(erf) = vpow2.f32 v29  }
0x12a: {  	v27 =	vld [tilespmem:s0+$0xA450];
	v13 =	vmul.f32 $1.442695020e+00, v13;
	v29 =	vpop (erf);
	(erf) = vpow2.f32 v24  }
0x12b: {  	v9 =	vadd.f32 v6, v9;
	v62 =	vld [tilespmem:s0+$0xA540];
	v15 =	vmul.f32 $1.442695020e+00, v15;
	v37 =	vpop (erf);
	(erf) = vpow2.f32 v35  }
0x12c: {  	v8 =	vadd.f32 v45, v8;
	v33 =	vmul.f32 $1.442695020e+00, v57;
	v26 =	vld [tilespmem:s11+$0xA500];
	v49 =	vpop (erf);
	(erf) = vpow2.f32 v20  }
0x12d: {  	v11 =	vadd.f32 v44, v11;
	v63 =	vld [tilespmem:s0+$0xA3C0];
	v61 =	vmul.f32 $1.442695020e+00, v23;
	v51 =	vpop (erf);
	(erf) = vpow2.f32 v15  }
0x12e: {  	v8 =	vadd.f32 v46, v8;
	v32 =	vld [tilespmem:s0+$0xA4F0];
	v24 =	vmul.f32 $1.442695020e+00, v19;
	(erf) = vpow2.f32 v60;
	v6 =	vpop (erf)  }
0x12f: {  	v59 =	vld [tilespmem:s0+$0xA4C0];
	v19 =	vmul.f32 $1.442695020e+00, v27;
	v20 =	vadd.f32 v47, v10;
	v56 =	vpop (erf);
	(erf) = vpow2.f32 v30  }
0x130: {  	v53 =	vadd.f32 v22, v8;
	v23 =	vld [tilespmem:s0+$0xA330];
	v35 =	vmul.f32 $1.442695020e+00, v62;
	v58 =	vpop (erf);
	(erf) = vpow2.f32 v28  }
0x131: {  	v50 =	vld [tilespmem:s0+$0xA440];
	v8 =	vadd.f32 v17, v18;
	v26 =	vmul.f32 $1.442695020e+00, v26;
	v60 =	vpop (erf);
	(erf) = vpow2.f32 v31  }
0x132: {  	v55 =	vld [tilespmem:s0+$0xA420];
	v15 =	vmul.f32 $1.442695020e+00, v63;
	v16 =	vadd.f32 v16, v20;
	(erf) = vpow2.f32 v21;
	v17 =	vpop (erf)  }
0x133: {  	v52 =	vld [tilespmem:s0+$0xA4D0];
	v18 =	vadd.f32 v51, v11;
	v11 =	vadd.f32 v56, v14;
	v20 =	vpop (erf);
	(erf) = vpow2.f32 v26  }
0x134: {  	v22 =	vld [tilespmem:s0+$0xA520];
	v63 =	vmul.f32 $1.442695020e+00, v59;
	v16 =	vadd.f32 v17, v16;
	(erf) = vpow2.f32 v61;
	v31 =	vpop (erf)  }
0x135: {  	v27 =	vld [tilespmem:s0+$0xA4E0];
	v10 =	vmul.f32 $1.442695020e+00, v23;
	v11 =	vadd.f32 v60, v11;
	(erf) = vpow2.f32 v25;
	v17 =	vpop (erf)  }
0x136: {  	v12 =	vadd.f32 v48, v12;
	v23 =	vld [tilespmem:s0+$0xA430];
	v30 =	vmul.f32 $1.442695020e+00, v50;
	v14 =	vpop (erf);
	(erf) = vpow2.f32 v24  }
0x137: {  	v28 =	vmul.f32 $1.442695020e+00, v55;
	v21 =	vadd.f32 v58, v53;
	v26 =	vld [tilespmem:s0+$0xA510];
	v34 =	vpop (erf);
	(erf) = vpow2.f32 v13  }
0x138: {  	v61 =	vmul.f32 $1.442695020e+00, v52;
	v37 =	vadd.f32 v37, v16;
	v25 =	vld [tilespmem:s0+$0xA4B0];
	v16 =	vpop (erf);
	(erf) = vpow2.f32 v54  }
0x139: {  	v21 =	vadd.f32 v49, v21;
	v24 =	vld [tilespmem:s0+$0xA470];
	v13 =	vadd.f32 v17, v11;
	v11 =	vpop (erf);
	(erf) = vpow2.f32 v63  }
0x13a: {  	s18 =	simm.s32 $0xA80;
	v17 =	vadd.f32 v29, v37;
	v29 =	vld [tilespmem:s0+$0xA530];
	v36 =	vadd.f32 v11, v36;
	v11 =	vpop (erf);
	(erf) = vpow2.f32 v61  }
.LBB2_6:
0x13b: {  	s0 =	smov.u32 s18  }
0x13c: {  	s11 =	sshra.s32 s18, $0x2;
	v22 =	vmul.f32 $1.442695020e+00, v22;
	s2 =	sadd.s32 $0x2A0, s2;
	v37 =	vpop (erf);
	(erf) = vpow2.f32 v30;
	s0 =	sadd.s32 $0xA80, s18  }
0x13d: {  	p1 =	sne.s32 s18, $0x13B00;
	v23 =	vmul.f32 $1.442695020e+00, v23;
	v38 =	vadd.f32 v31, v36;
	v30 =	vld [tilespmem:s11+$0xA310];
	(erf) = vpow2.f32 v19;
	v19 =	vpop (erf)  }
0x13e: {  	v18 =	vadd.f32 v34, v18;
	v26 =	vmul.f32 $1.442695020e+00, v26;
	v36 =	vld [tilespmem:s11+$0xA550];
	v34 =	vpop (erf);
	(erf) = vpow2.f32 v28  }
0x13f: {  	v27 =	vmul.f32 $1.442695020e+00, v27;
	v20 =	vadd.f32 v20, v38;
	v28 =	vld [tilespmem:s11+$0xA2F0];
	v31 =	vpop (erf);
	(erf) = vpow2.f32 v33  }
0x140: {  	v12 =	vadd.f32 v37, v12;
	v32 =	vmul.f32 $1.442695020e+00, v32;
	v33 =	vld [tilespmem:s11+$0xA3B0];
	v37 =	vpop (erf);
	(erf) = vpow2.f32 v35  }
0x141: {  	v24 =	vmul.f32 $1.442695020e+00, v24;
	v11 =	vadd.f32 v11, v20;
	v35 =	vld [tilespmem:s11+$0xA410];
	(erf) = vpow2.f32 v15;
	v15 =	vpop (erf)  }
0x142: {  	v25 =	vmul.f32 $1.442695020e+00, v25;
	v9 =	vadd.f32 v34, v9;
	v20 =	vld [tilespmem:s11+$0xA370];
	(erf) = vpow2.f32 v10;
	v10 =	vpop (erf)  }
0x143: {  	v29 =	vmul.f32 $1.442695020e+00, v29;
	v34 =	vld [tilespmem:s11+$0xA2E0];
	v38 =	vadd.f32 v10, v18;
	(erf) = vpow2.f32 v23;
	v10 =	vpop (erf)  }
0x144: {  	v9 =	vadd.f32 v31, v9;
	v15 =	vadd.f32 v15, v21;
	v23 =	vld [tilespmem:s11+$0xA390];
	v21 =	vpop (erf);
	(erf) = vpow2.f32 v26  }
0x145: {  	v11 =	vadd.f32 v19, v11;
	v26 =	vld [tilespmem:s11+$0xA2D0];
	v31 =	vmul.f32 $1.442695020e+00, v33;
	v19 =	vpop (erf);
	(erf) = vpow2.f32 v22  }
0x146: {  	s18 =	sand.u32 $0x7FE0, s2;
	v14 =	vadd.f32 v14, v38;
	v22 =	vmul.f32 $1.442695020e+00, v35;
	v33 =	vld [tilespmem:s11+$0xA450];
	v18 =	vpop (erf);
	(erf) = vpow2.f32 v27  }
0x147: {  	v20 =	vmul.f32 $1.442695020e+00, v20;
	v27 =	vld [tilespmem:s11+$0xA3D0];
	v35 =	vpop (erf);
	(erf) = vpow2.f32 v32  }
0x148: {  	v12 =	vadd.f32 v16, v12;
	v16 =	vadd.f32 v37, v17;
	v32 =	vld [tilespmem:s18+$0xA300];
	(erf) = vpow2.f32 v24;
	v17 =	vpop (erf)  }
0x149: {  	v13 =	vadd.f32 v18, v13;
	v24 =	vld [tilespmem:s11+$0xA350];
	v23 =	vmul.f32 $1.442695020e+00, v23;
	(erf) = vpow2.f32 v25;
	v18 =	vpop (erf)  }
0x14a: {  	v9 =	vadd.f32 v35, v9;
	v25 =	vmul.f32 $1.442695020e+00, v34;
	v34 =	vld [tilespmem:s18+$0xA380];
	(erf) = vpow2.f32 v31;
	v31 =	vpop (erf)  }
0x14b: {  	v28 =	vmul.f32 $1.442695020e+00, v28;
	v35 =	vld [tilespmem:s11+$0xA360];
	(erf) = vpow2.f32 v22;
	v22 =	vpop (erf)  }
0x14c: {  	v12 =	vadd.f32 v31, v12;
	v27 =	vmul.f32 $1.442695020e+00, v27;
	v37 =	vld [tilespmem:s18+$0xA400];
	v31 =	vpop (erf);
	(erf) = vpow2.f32 v29  }
0x14d: {  	v36 =	vmul.f32 $1.442695020e+00, v36;
	v26 =	vmul.f32 $1.442695020e+00, v26;
	v9 =	vadd.f32 v17, v9;
	v29 =	vld [tilespmem:s11+$0xA2C0];
	v17 =	vpop (erf)  }
0x14e: {  	v30 =	vmul.f32 $1.442695020e+00, v30;
	v12 =	vadd.f32 v19, v12;
	v38 =	vld [tilespmem:s11+$0xA340];
	(erf) = vpow2.f32 v23;
	v19 =	vpop (erf)  }
0x14f: {  	v23 =	vmul.f32 $1.442695020e+00, v34;
	v34 =	vld [tilespmem:s11+$0xA460];
	(erf) = vpow2.f32 v20;
	v9 =	vadd.f32 v19, v9;
	v19 =	vpop (erf)  }
0x150: {  	v8 =	vadd.f32 v22, v8;
	v20 =	vmul.f32 $1.442695020e+00, v32;
	v32 =	vld [tilespmem:s11+$0xA320];
	v35 =	vmul.f32 $1.442695020e+00, v35;
	v22 =	vpop (erf)  }
0x151: {  	v16 =	vadd.f32 v17, v16;
	v39 =	vld [tilespmem:s11+$0xA3A0];
	v37 =	vmul.f32 $1.442695020e+00, v37;
	(erf) = vpow2.f32 v25;
	v17 =	vpop (erf)  }
0x152: {  	v24 =	vmul.f32 $1.442695020e+00, v24;
	v8 =	vadd.f32 v7, v8;
	v25 =	vmul.f32 $1.442695020e+00, v29;
	v29 =	vld [tilespmem:s11+$0xA490];
	v40 =	vpop (erf)  }
0x153: {  	v14 =	vadd.f32 v19, v14;
	v38 =	vmul.f32 $1.442695020e+00, v38;
	v41 =	vld [tilespmem:s18+$0xA480];
	v7 =	vpop (erf);
	(erf) = vpow2.f32 v36  }
0x154: {  	v13 =	vadd.f32 v21, v13;
	v19 =	vmul.f32 $1.442695020e+00, v34;
	v34 =	vld [tilespmem:s18+$0xA500];
	(erf) = vpow2.f32 v26;
	v36 =	vpop (erf)  }
0x155: {  	v8 =	vadd.f32 v31, v8;
	v21 =	vmul.f32 $1.442695020e+00, v32;
	v26 =	vld [tilespmem:s11+$0xA330];
	(erf) = vpow2.f32 v28;
	v28 =	vpop (erf)  }
0x156: {  	v13 =	vadd.f32 v6, v13;
	v32 =	vmul.f32 $1.442695020e+00, v39;
	v31 =	vld [tilespmem:s11+$0xA3E0];
	(erf) = vpow2.f32 v24  }
0x157: {  	v8 =	vadd.f32 v40, v8;
	v24 =	vld [tilespmem:s11+$0xA3F0];
	v29 =	vmul.f32 $1.442695020e+00, v29;
	(erf) = vpow2.f32 v30;
	v39 =	vpop (erf)  }
0x158: {  	v6 =	vadd.f32 v17, v15;
	v30 =	vld [tilespmem:s11+$0xA3C0];
	v40 =	vmul.f32 $1.442695020e+00, v41;
	v41 =	vpop (erf);
	(erf) = vpow2.f32 v37  }
0x159: {  	v12 =	vadd.f32 v10, v12;
	v17 =	vld [tilespmem:s11+$0xA440];
	v34 =	vmul.f32 $1.442695020e+00, v34;
	(erf) = vpow2.f32 v23  }
0x15a: {  	v42 =	vadd.f32 v22, v6;
	v10 =	vmul.f32 $1.442695020e+00, v26;
	v37 =	vld [tilespmem:s11+$0xA4D0];
	v15 =	vpop (erf);
	(erf) = vpow2.f32 v27  }
0x15b: {  	v12 =	vadd.f32 v18, v12;
	v43 =	vmul.f32 $1.442695020e+00, v31;
	v26 =	vld [tilespmem:s11+$0xA420];
	(erf) = vpow2.f32 v19  }
0x15c: {  	v8 =	vadd.f32 v28, v8;
	v19 =	vmul.f32 $1.442695020e+00, v33;
	v33 =	vld [tilespmem:s11+$0xA4A0];
	(erf) = vpow2.f32 v35;
	v6 =	vpop (erf)  }
0x15d: {  	v18 =	vadd.f32 v15, v14;
	v35 =	vmul.f32 $1.442695020e+00, v24;
	v14 =	vld [tilespmem:s11+$0xA4C0];
	v24 =	vpop (erf);
	(erf) = vpow2.f32 v38  }
0x15e: {  	v15 =	vmul.f32 $1.442695020e+00, v30;
	v22 =	vld [tilespmem:s11+$0xA520];
	v38 =	vpop (erf);
	(erf) = vpow2.f32 v20  }
0x15f: {  	v30 =	vmul.f32 $1.442695020e+00, v17;
	v23 =	vld [tilespmem:s11+$0xA430];
	v17 =	vpop (erf);
	(erf) = vpow2.f32 v40  }
0x160: {  	v13 =	vadd.f32 v24, v13;
	v28 =	vmul.f32 $1.442695020e+00, v26;
	v26 =	vld [tilespmem:s11+$0xA510];
	(erf) = vpow2.f32 v25;
	v20 =	vpop (erf)  }
0x161: {  	v37 =	vmul.f32 $1.442695020e+00, v37;
	v25 =	vadd.f32 v20, v16;
	v27 =	vld [tilespmem:s11+$0xA4E0];
	v20 =	vpop (erf);
	(erf) = vpow2.f32 v34  }
0x162: {  	v13 =	vadd.f32 v17, v13;
	v40 =	vmul.f32 $1.442695020e+00, v14;
	v44 =	vld [tilespmem:s11+$0xA540];
	(erf) = vpow2.f32 v21;
	v31 =	vpop (erf)  }
0x163: {  	v33 =	vmul.f32 $1.442695020e+00, v33;
	v17 =	vadd.f32 v39, v25;
	v24 =	vld [tilespmem:s11+$0xA470];
	(erf) = vpow2.f32 v32;
	v16 =	vpop (erf)  }
.Ltmp2:
0x164: {  	v21 =	vadd.f32 v38, v42;
	v25 =	vld [tilespmem:s11+$0xA4B0];
	v14 =	vpop (erf);
	(erf) = vpow2.f32 v29;
	(pc) =	sbr.rel @p1 .LBB2_6-.Ltmp2, $4  }
0x165: {  	v13 =	vadd.f32 v16, v13;
	v32 =	vld [tilespmem:s11+$0xA4F0];
	v34 =	vpop (erf);
	(erf) = vpow2.f32 v35  }
0x166: {  	v21 =	vadd.f32 v41, v21;
	v29 =	vld [tilespmem:s11+$0xA530];
	v16 =	vpop (erf);
	(erf) = vpow2.f32 v43  }
0x167: {  	v17 =	vadd.f32 v36, v17;
	v35 =	vpop (erf);
	(erf) = vpow2.f32 v40  }
0x168: {  	s18 =	smov.u32 s0;
	v36 =	vadd.f32 v35, v11;
	v35 =	vmul.f32 $1.442695020e+00, v44;
	v11 =	vpop (erf);
	(erf) = vpow2.f32 v37  }
0x169: {  	v37 =	vpop (erf);
	(erf) = vpow2.f32 v30  }
0x16a: {  	(erf) = vpow2.f32 v19;
	v52 =	vpop (erf)  }
0x16b: {  	v53 =	vpop (erf);
	(erf) = vpow2.f32 v28  }
0x16c: {  	v54 =	vpop (erf);
	(erf) = vpow2.f32 v33  }
0x16d: {  	v23 =	vmul.f32 $1.442695020e+00, v23;
	v55 =	vpop (erf);
	(erf) = vpow2.f32 v35  }
0x16e: {  	v26 =	vmul.f32 $1.442695020e+00, v26;
	(erf) = vpow2.f32 v15;
	v56 =	vpop (erf)  }
0x16f: {  	v22 =	vmul.f32 $1.442695020e+00, v22;
	(erf) = vpow2.f32 v10;
	v57 =	vpop (erf)  }
0x170: {  	v27 =	vmul.f32 $1.442695020e+00, v27;
	(erf) = vpow2.f32 v23;
	v58 =	vpop (erf)  }
0x171: {  	v18 =	vadd.f32 v34, v18;
	v62 =	vmul.f32 $1.442695020e+00, v24;
	v59 =	vpop (erf);
	(erf) = vpow2.f32 v26  }
0x172: {  	v31 =	vadd.f32 v31, v36;
	v60 =	vmul.f32 $1.442695020e+00, v32;
	v61 =	vpop (erf);
	(erf) = vpow2.f32 v22  }
0x173: {  	v25 =	vmul.f32 $1.442695020e+00, v25;
	v12 =	vadd.f32 v37, v12;
	v63 =	vpop (erf);
	(erf) = vpow2.f32 v27  }
0x174: {  	v20 =	vadd.f32 v20, v31;
	v9 =	vadd.f32 v53, v9;
	v32 =	vpop (erf);
	(erf) = vpow2.f32 v60  }
0x175: {  	v36 =	vmul.f32 $1.442695020e+00, v29;
	v12 =	vadd.f32 v16, v12;
	(erf) = vpow2.f32 v62;
	v35 =	vpop (erf)  }
0x176: {  	v11 =	vadd.f32 v11, v20;
	v9 =	vadd.f32 v54, v9;
	(erf) = vpow2.f32 v25;
	v37 =	vpop (erf)  }
0x177: {  	v40 =	vadd.f32 v55, v17;
	v10 =	vadd.f32 v57, v18;
	v38 =	vpop (erf)  }
0x178: {  	v15 =	vadd.f32 v56, v21;
	v11 =	vadd.f32 v52, v11;
	(erf) = vpow2.f32 v36;
	v39 =	vpop (erf)  }
0x179: {  	v10 =	vadd.f32 v14, v10;
	v13 =	vadd.f32 v63, v13;
	v41 =	vpop (erf)  }
0x17a: {  	v9 =	vadd.f32 v32, v9;
	v8 =	vadd.f32 v39, v8;
	v42 =	vpop (erf)  }
0x17b: {  	v13 =	vadd.f32 v59, v13;
	v12 =	vadd.f32 v38, v12;
	v43 =	vpop (erf)  }
0x17c: {  	v9 =	vadd.f32 v35, v9;
	v7 =	vadd.f32 v7, v8;
	v44 =	vpop (erf)  }
0x17d: {  	v6 =	vadd.f32 v6, v13;
	v12 =	vadd.f32 v61, v12;
	v46 =	vpop (erf)  }
0x17e: {  	v50 =	vadd.f32 v42, v40;
	v7 =	vadd.f32 v41, v7;
	v47 =	vpop (erf)  }
0x17f: {  	v45 =	vadd.f32 v43, v9;
	v12 =	vadd.f32 v58, v12;
	v48 =	vpop (erf)  }
0x180: {  	v14 =	vadd.f32 v47, v15;
	v7 =	vadd.f32 v48, v7  }
0x181: {  	v10 =	vadd.f32 v44, v10;
	v12 =	vadd.f32 v37, v12;
	v49 =	vpop (erf)  }
0x182: {  	v9 =	vadd.f32 v46, v14;
	v7 =	vadd.f32 v49, v7  }
0x183: {  	v51 =	vadd.f32 v50, v11;
	v6 =	vadd.f32 v6, v12  }
0x184: {  	v9 =	vadd.f32 v9, v10;
	v7 =	vadd.f32 v7, v45;
	_ =	sdelay $0x1  }
0x185: {  	v6 =	vadd.f32 v9, v6;
	v7 =	vadd.f32 v7, v51;
	_ =	sdelay $0x1  }
0x186: {  	v6 =	vadd.f32 v7, v6;
	_ =	sdelay $0x1  }
0x187: {  	s0 =	simm.s32 @!p0 $0x4;
	[tilespmem:$0xF880] =	vst v6  }
0x188: {  	_ =	swait.ge @!p0 [sflag:s0], $0x40  }
0x189: {  	[sflag:s0] =	ssyncset.done @!p0 $0x0  }
0x18a: {  	[sflag:s0] =	ssyncadd.s32 @!p0 $0xFFFFFFC0  }
0x18b: {  	v7 =	vld @!p0 [tilespmem:$0xF420];
	_ =	sdelay $0x1  }
0x18c: {  	v8 =	vld @!p0 [tilespmem:$0xF430];
	_ =	sdelay $0x1  }
0x18d: {  	v9 =	vld @!p0 [tilespmem:$0xF440]  }
0x18e: {  	v7 =	vmul.f32 @!p0 $1.442695020e+00, v7  }
0x18f: {  	v10 =	vld @!p0 [tilespmem:$0xF450]  }
0x190: {  	(erf) = vpow2.f32 @!p0 v7;
	v7 =	vmul.f32 @!p0 $1.442695020e+00, v8;
	_ =	sdelay $0x1  }
0x191: {  	(erf) = vpow2.f32 @!p0 v7;
	v7 =	vmul.f32 @!p0 $1.442695020e+00, v9;
	_ =	sdelay $0x1  }
0x192: {  	(erf) = vpow2.f32 @!p0 v7;
	v7 =	vmul.f32 @!p0 $1.442695020e+00, v10;
	_ =	sdelay $0x1  }
0x193: {  	(erf) = vpow2.f32 @!p0 v7;
	_ =	sdelay $0x2  }
0x194: {  	v7 =	vpop @!p0 (erf)  }
0x195: {  	v6 =	vadd.f32 @!p0 v7, v6  }
0x196: {  	v7 =	vpop @!p0 (erf)  }
0x197: {  	v7 =	vadd.f32 @!p0 v7, v6  }
0x198: {  	v8 =	vpop @!p0 (erf)  }
0x199: {  	v8 =	vadd.f32 @!p0 v8, v7  }
0x19a: {  	[tilespmem:$0xF880] =	vst @!p0 v6;
	v6 =	vpop @!p0 (erf)  }
0x19b: {  	[tilespmem:$0xF880] =	vst @!p0 v7;
	v6 =	vadd.f32 @!p0 v6, v8  }
0x19c: {  	[tilespmem:$0xF880] =	vst @!p0 v8  }
0x19d: {  	[tilespmem:$0xF880] =	vst @!p0 v6  }
0x19e: {  	[spmem:s10] =	stream.linear.scatter [tilespmem:s28], [sflag:$0x5], $0x10, $0x38;
	[tilespmem:$0x10180] =	vst v63  }
0x19f: {  	_ =	swait.ge [sflag:s15], $0x10  }
0x1a0: {  	[sflag:s15] =	ssyncset.done $0x0  }
0x1a1: {  	[sflag:s15] =	ssyncadd.s32 $0xFFFFFFF0  }
0x1a2: {  	[bflag:$0x0] =	sbarrier.arrive $0xFFFF  }
0x1a3: {  	[tilespmem:s29], [sflag:$0x5] =	stream.linear.gather [spmem:s3], $0x800, $0x38;
	[tilespmem:$0x10180] =	vst v63  }
0x1a4: {  	_ =	swait.ge [sflag:s15], $0x800  }
0x1a5: {  	[sflag:s15] =	ssyncset.done $0x0  }
0x1a6: {  	[sflag:s15] =	ssyncadd.s32 $0xFFFFF800  }
0x1a7: {  	v6 =	vld [tilespmem:$0xF900]  }
0x1a8: {  	v7 =	vld [tilespmem:$0xF980];
	_ =	sdelay $0x1  }
0x1a9: {  	v52 =	vld [tilespmem:$0xFA00];
	_ =	sdelay $0x1  }
0x1aa: {  	v53 =	vld [tilespmem:$0xFA80]  }
0x1ab: {  	v6 =	vadd.f32 v7, v6  }
0x1ac: {  	v7 =	vld [tilespmem:$0xFB00]  }
0x1ad: {  	v6 =	vadd.f32 v52, v6  }
0x1ae: {  	v54 =	vld [tilespmem:$0xFB80]  }
0x1af: {  	v6 =	vadd.f32 v53, v6  }
0x1b0: {  	v55 =	vld [tilespmem:$0xFC00]  }
0x1b1: {  	v6 =	vadd.f32 v7, v6  }
0x1b2: {  	v7 =	vld [tilespmem:$0xFC80]  }
0x1b3: {  	v6 =	vadd.f32 v54, v6  }
0x1b4: {  	v56 =	vld [tilespmem:$0xFD00]  }
0x1b5: {  	v6 =	vadd.f32 v55, v6  }
0x1b6: {  	v57 =	vld [tilespmem:$0xFD80]  }
0x1b7: {  	v6 =	vadd.f32 v7, v6  }
0x1b8: {  	v7 =	vld [tilespmem:$0xFE00]  }
0x1b9: {  	v6 =	vadd.f32 v56, v6  }
0x1ba: {  	v58 =	vld [tilespmem:$0xFE80]  }
0x1bb: {  	v6 =	vadd.f32 v57, v6  }
0x1bc: {  	v59 =	vld [tilespmem:$0xFF00]  }
0x1bd: {  	v6 =	vadd.f32 v7, v6  }
0x1be: {  	v7 =	vld [tilespmem:$0xFF80]  }
0x1bf: {  	v6 =	vadd.f32 v58, v6  }
0x1c0: {  	v60 =	vld [tilespmem:$0x10000]  }
0x1c1: {  	v6 =	vadd.f32 v59, v6  }
0x1c2: {  	v61 =	vld [tilespmem:$0x10080]  }
0x1c3: {  	v6 =	vadd.f32 v7, v6;
	_ =	sdelay $0x1  }
0x1c4: {  	v6 =	vadd.f32 v60, v6;
	_ =	sdelay $0x1  }
0x1c5: {  	v6 =	vadd.f32 v61, v6;
	_ =	sdelay $0x1  }
0x1c6: {  	v7 =	vperm.xlane v6, v0;
	_ =	sdelay $0x1  }
0x1c7: {  	v6 =	vadd.f32 v7, v6;
	_ =	sdelay $0x1  }
0x1c8: {  	v7 =	vperm.xlane v6, v1;
	_ =	sdelay $0x1  }
0x1c9: {  	v6 =	vadd.f32 v7, v6;
	_ =	sdelay $0x1  }
0x1ca: {  	v7 =	vperm.xlane v6, v2;
	_ =	sdelay $0x1  }
0x1cb: {  	v6 =	vadd.f32 v7, v6;
	_ =	sdelay $0x1  }
0x1cc: {  	v7 =	vperm.xlane v6, v4;
	_ =	sdelay $0x1  }
0x1cd: {  	v6 =	vadd.f32 v7, v6;
	_ =	sdelay $0x1  }
0x1ce: {  	v7 =	vmul.f32 $1.844674410e+19, v6  }
0x1cf: {  	vm2 =	vlt.f32 v6, $1.000000000e+00  }
0x1d0: {  	v6 =	vsel vm2, v7, v6  }
0x1d1: {  	v7 =	vmul.f32 $5.421010860e-20, v6  }
0x1d2: {  	vm3 =	vge.f32 v6, $1.844674410e+19  }
0x1d3: {  	v6 =	vsel vm3, v7, v6  }
0x1d4: {  	v7 =	vmul.f32 $2.328306440e-10, v6  }
0x1d5: {  	vm4 =	vge.f32 v6, $4.294967300e+09  }
0x1d6: {  	v6 =	vsel vm4, v7, v6  }
0x1d7: {  	v7 =	vmul.f32 $1.525878910e-05, v6  }
0x1d8: {  	vm5 =	vge.f32 v6, $6.553600000e+04  }
0x1d9: {  	v6 =	vsel vm5, v7, v6  }
0x1da: {  	v7 =	vmul.f32 $3.906250000e-03, v6  }
0x1db: {  	vm6 =	vge.f32 v6, $2.560000000e+02  }
0x1dc: {  	v6 =	vsel vm6, v7, v6  }
0x1dd: {  	v7 =	vmul.f32 $6.250000000e-02, v6  }
0x1de: {  	vm7 =	vge.f32 v6, $1.600000000e+01  }
0x1df: {  	v6 =	vsel vm7, v7, v6  }
0x1e0: {  	v7 =	vmul.f32 $2.500000000e-01, v6  }
0x1e1: {  	vm1 =	vge.f32 v6, $4.000000000e+00  }
0x1e2: {  	v6 =	vsel vm1, v7, v6  }
0x1e3: {  	v7 =	vmul.f32 $5.000000000e-01, v6  }
0x1e4: {  	vm0 =	vge.f32 v6, $2.000000000e+00  }
0x1e5: {  	v6 =	vsel vm0, v7, v6  }
0x1e6: {  	v7 =	vadd.f32 $1.000000000e+00, v6;
	_ =	sdelay $0x1  }
0x1e7: {  	(erf) = vrcp.f32 v7;
	_ =	sdelay $0x7  }
0x1e8: {  	v6 =	vadd.f32 $-1.000000000e+00, v6  }
0x1e9: {  	v7 =	vpop (erf)  }
0x1ea: {  	v6 =	vmul.f32 v7, v6;
	_ =	sdelay $0x1  }
0x1eb: {  	v7 =	vmul.f32 v6, v6;
	_ =	sdelay $0x1  }
0x1ec: {  	v62 =	vsel vm2, $0xC2800000, v5;
	v63 =	vsel vm3, $0x42800000, v5;
	v12 =	vmul.f32 v7, v3  }
0x1ed: {  	v8 =	vadd.f32 v63, v62  }
0x1ee: {  	v13 =	vsel vm4, $0x42000000, v5;
	v10 =	vadd.f32 $1.428571490e-01, v12  }
0x1ef: {  	v8 =	vadd.f32 v13, v8;
	_ =	swait.ge [sflag:s30], $0x80  }
0x1f0: {  	v14 =	vsel vm5, $0x41800000, v5;
	[sflag:s30] =	ssyncset.done $0x0;
	v10 =	vmul.f32 v10, v7  }
0x1f1: {  	v8 =	vadd.f32 v14, v8;
	[sflag:s30] =	ssyncadd.s32 $0xFFFFFF80  }
0x1f2: {  	v15 =	vsel vm6, $0x41000000, v5;
	_ =	swait.ge [sflag:s30], $0x80;
	v10 =	vadd.f32 $2.000000030e-01, v10  }
0x1f3: {  	v8 =	vadd.f32 v15, v8;
	[sflag:s30] =	ssyncset.done $0x0  }
0x1f4: {  	v16 =	vsel vm7, $0x40800000, v5;
	[sflag:s30] =	ssyncadd.s32 $0xFFFFFF80;
	v10 =	vmul.f32 v10, v7  }
0x1f5: {  	v8 =	vadd.f32 v16, v8;
	_ =	swait.ge [sflag:s30], $0x80  }
0x1f6: {  	v17 =	vsel vm1, $0x40000000, v5;
	[sflag:s30] =	ssyncset.done $0x0;
	v10 =	vadd.f32 $3.333333430e-01, v10  }
0x1f7: {  	v8 =	vadd.f32 v17, v8;
	[sflag:s30] =	ssyncadd.s32 $0xFFFFFF80  }
0x1f8: {  	v18 =	vsel vm0, $0x3F800000, v5;
	_ =	swait.ge [sflag:s30], $0x80;
	v7 =	vmul.f32 v10, v7  }
0x1f9: {  	v8 =	vadd.f32 v18, v8;
	[sflag:s30] =	ssyncset.done $0x0  }
0x1fa: {  	v6 =	vadd.f32 v6, v6;
	[sflag:s30] =	ssyncadd.s32 $0xFFFFFF80;
	v7 =	vadd.f32 $1.000000000e+00, v7  }
0x1fb: {  	v19 =	vld [tilespmem:$0xF680]  }
0x1fc: {  	v8 =	vmul.f32 $6.931471820e-01, v8;
	v20 =	vld [tilespmem:$0xF6A0];
	v6 =	vmul.f32 v7, v6  }
0x1fd: {  	v7 =	vld [tilespmem:$0xF690]  }
0x1fe: {  	v22 =	vld [tilespmem:$0xF6C0];
	v6 =	vadd.f32 v6, v8  }
0x1ff: {  	v21 =	vld [tilespmem:$0xF6B0]  }
0x200: {  	v24 =	vld [tilespmem:$0xF6E0];
	v9 =	vsub.f32 v19, v6  }
0x201: {  	v23 =	vld [tilespmem:$0xF6D0];
	v25 =	vsub.f32 v20, v6  }
0x202: {  	v27 =	vld [tilespmem:$0xF700];
	v7 =	vsub.f32 v7, v6;
	[tilespmem:$0xF680] =	vst v9  }
0x203: {  	v26 =	vld [tilespmem:$0xF6F0];
	v28 =	vsub.f32 v22, v6;
	[tilespmem:$0xF6A0] =	vst v25  }
0x204: {  	v30 =	vld [tilespmem:$0xF720];
	[tilespmem:$0xF690] =	vst v7;
	v7 =	vsub.f32 v21, v6  }
0x205: {  	v29 =	vld [tilespmem:$0xF710];
	v31 =	vsub.f32 v24, v6;
	[tilespmem:$0xF6C0] =	vst v28  }
0x206: {  	v33 =	vld [tilespmem:$0xF740];
	[tilespmem:$0xF6B0] =	vst v7;
	v7 =	vsub.f32 v23, v6  }
0x207: {  	v32 =	vld [tilespmem:$0xF730];
	v8 =	vsub.f32 v27, v6;
	[tilespmem:$0xF6E0] =	vst v31  }
0x208: {  	v35 =	vld [tilespmem:$0xF760];
	[tilespmem:$0xF6D0] =	vst v7;
	v7 =	vsub.f32 v26, v6  }
0x209: {  	v34 =	vld [tilespmem:$0xF750];
	v36 =	vsub.f32 v30, v6;
	[tilespmem:$0xF700] =	vst v8  }
0x20a: {  	v38 =	vld [tilespmem:$0xF780];
	[tilespmem:$0xF6F0] =	vst v7;
	v7 =	vsub.f32 v29, v6  }
0x20b: {  	v37 =	vld [tilespmem:$0xF770];
	v39 =	vsub.f32 v33, v6;
	[tilespmem:$0xF720] =	vst v36  }
0x20c: {  	v41 =	vld [tilespmem:$0xF7A0];
	[tilespmem:$0xF710] =	vst v7;
	v7 =	vsub.f32 v32, v6  }
0x20d: {  	v40 =	vld [tilespmem:$0xF790];
	v42 =	vsub.f32 v35, v6;
	[tilespmem:$0xF740] =	vst v39  }
0x20e: {  	v44 =	vld [tilespmem:$0xF7C0];
	[tilespmem:$0xF730] =	vst v7;
	v7 =	vsub.f32 v34, v6  }
0x20f: {  	v43 =	vld [tilespmem:$0xF7B0];
	v45 =	vsub.f32 v38, v6;
	[tilespmem:$0xF760] =	vst v42  }
0x210: {  	v47 =	vld [tilespmem:$0xF7E0];
	[tilespmem:$0xF750] =	vst v7;
	v7 =	vsub.f32 v37, v6  }
0x211: {  	v46 =	vld [tilespmem:$0xF7D0];
	v48 =	vsub.f32 v41, v6;
	[tilespmem:$0xF780] =	vst v45  }
0x212: {  	v50 =	vld [tilespmem:$0xF800];
	[tilespmem:$0xF770] =	vst v7;
	v7 =	vsub.f32 v40, v6  }
0x213: {  	v49 =	vld [tilespmem:$0xF7F0];
	v51 =	vsub.f32 v44, v6;
	[tilespmem:$0xF7A0] =	vst v48  }
0x214: {  	v53 =	vld [tilespmem:$0xF820];
	[tilespmem:$0xF790] =	vst v7;
	v7 =	vsub.f32 v43, v6  }
0x215: {  	v52 =	vld [tilespmem:$0xF810];
	v54 =	vsub.f32 v47, v6;
	[tilespmem:$0xF7C0] =	vst v51  }
0x216: {  	v56 =	vld [tilespmem:$0xF840];
	[tilespmem:$0xF7B0] =	vst v7;
	v7 =	vsub.f32 v46, v6  }
0x217: {  	v55 =	vld [tilespmem:$0xF830];
	v57 =	vsub.f32 v50, v6;
	[tilespmem:$0xF7E0] =	vst v54  }
0x218: {  	v59 =	vld [tilespmem:$0xF860];
	[tilespmem:$0xF7D0] =	vst v7;
	v7 =	vsub.f32 v49, v6  }
0x219: {  	v58 =	vld [tilespmem:$0xF850];
	v60 =	vsub.f32 v53, v6;
	[tilespmem:$0xF800] =	vst v57  }
0x21a: {  	v61 =	vld [tilespmem:$0xF870];
	[tilespmem:$0xF7F0] =	vst v7;
	v7 =	vsub.f32 v52, v6  }
0x21b: {  	v62 =	vsub.f32 v56, v6;
	[tilespmem:$0xF820] =	vst v60  }
0x21c: {  	[tilespmem:$0xF810] =	vst v7;
	v7 =	vsub.f32 v55, v6  }
0x21d: {  	v63 =	vsub.f32 v59, v6;
	[tilespmem:$0xF840] =	vst v62  }
0x21e: {  	[tilespmem:$0xF830] =	vst v7;
	v7 =	vsub.f32 v58, v6  }
0x21f: {  	s31 =	sadd.s32 $0x1, s31;
	[tilespmem:$0xF860] =	vst v63;
	v6 =	vsub.f32 v61, v6  }
0x220: {  	p1 =	sne.s32 s31, s14;
	[tilespmem:$0xF850] =	vst v7  }
.Ltmp3:
0x221: {  	[tilespmem:$0xF870] =	vst v6;
	(pc) =	sbr.rel @p1 .LBB2_1-.Ltmp3, $4  }
0x222: {  	[hbm4b:s13+s4] =	stream.linear.scatter [tilespmem:s17], [sflag:$0x5], $0x200, $0x38;
	[tilespmem:$0x10180] =	vst v63  }
0x223: {  	_ =	swait.ge [sflag:s15], $0x200  }
0x224: {  	[sflag:s15] =	ssyncset.done $0x0  }
0x225: {  	[sflag:s15] =	ssyncadd.s32 $0xFFFFFE00  }
0x226: {  	_ =	sfence.sel $0x180000  }
0x227: {  	[bflag:$0x0] =	sbarrier.arrive $0xFFFF  }
0x228: {  	_ =	strace $0x90000047  }
0x229: {  	s0 =	stileid.u32;
	[bflag:$0x2] =	sbarrier.arrive $0xFFFF  }
0x22a: {  	p0 =	sne.s32 s0, $0x0;
	s0 =	rddreg [dreg:$0x4]  }
0x22b: {  	s0 =	sadd.s32 @!p0 $0x100000, s0  }
0x22c: {  	[sflag:s0] =	ssyncadd.tile.s32 @!p0 $0x1;
	_ =	shalt  }
.Lfunc_end2:
_tile_overlayer_lowered:
.L_overlay_start_2:
0x22d: {  	(tag) =	ssettag $0x2  }
0x22e: {  	s0 =	rddreg [dreg:$0x0];
	s2 =	stileid.u32  }
0x22f: {  	s1 =	rddreg [dreg:$0x1];
	p0 =	sne.s32 s2, $0x0  }
0x230: {  	s3 =	rddreg [dreg:$0x2];
	[bflag:$0x3] =	sbarrier.arrive $0xFFFF;
	s2 =	simm.s32 @!p0 $0x1C05  }
0x231: {  	[timem:s3], [sflag:s2] =	dma.local @!p0 [hbm:s0], s1  }
0x232: {  	s0 =	simm.s32 @!p0 $0x5  }
0x233: {  	_ =	swait.ge @!p0 [sflag:s0], s1  }
0x234: {  	s1 =	ssub.s32 @!p0 $0x0, s1;
	[sflag:s0] =	ssyncset.done @!p0 $0x0  }
0x235: {  	[sflag:s0] =	ssyncadd.s32 @!p0 s1  }
0x236: {  	[bflag:$0x3] =	sbarrier.arrive $0xFFFF  }
0x237: {  	_ =	shalt  }

</sc_bundles>
